<compile_context>
chip_gen: v7x
topology: tpu7x:2x2x1
jax: 0.10.2.dev20260603
libtpu: 0.0.44.dev20260713+nightly
codegen_flags: <defaults>
</compile_context>

<pallas_src>
import functools

import jax
import jax.numpy as jnp
from jax import lax
from jax.experimental import pallas as pl
from jax.experimental.pallas import tpu as pltpu
from jax.experimental.pallas import tpu_sc as plsc

N = 10000
E_IN = 256
HID = 256
OUT = 128
N_EDGES = 160000
FF = 2048
N_LAYERS = 2

NC = 2
NS = 16
NP = 10240
PH = NP // 2
DUM = 256
ACCR = PH + DUM
APT = ACCR // NS
RPP = PH // NS
DEG_CHUNK = 40
DEG_NCHUNK = (N_EDGES // (NC * NS)) // DEG_CHUNK
ROW_CHUNK = 100
ROW_NCHUNK = (N_EDGES // NS) // ROW_CHUNK

def _zero_wb(wb, nrows, ncolv):
    z = jnp.zeros((16,), jnp.float32)

    def body(i, carry):
        for k in range(ncolv):
            wb[i, pl.ds(k * 16, 16)] = z
        return carry
    lax.fori_loop(0, nrows, body, 0)


def _phase(s, p, acc, wb, out_hbm, out_base, scat_loop):
    sync = pltpu.sync_copy

    def zero_acc(k, carry):
        sync(wb.at[pl.ds(0, 168)], acc.at[pl.ds(s * APT + k * 168, 168)])
        return carry
    lax.fori_loop(0, 2, zero_acc, 0)
    plsc.subcore_barrier()

    scat_loop()
    plsc.subcore_barrier()

    def writeback(k, carry):
        sync(acc.at[pl.ds(s * RPP + k * 160, 160)],
             out_hbm.at[out_base, pl.ds(p * PH + s * RPP + k * 160, 160)])
        return carry
    lax.fori_loop(0, 2, writeback, 0)
    plsc.subcore_barrier()


def _deg_body(dst4_hbm, out_hbm, dst_idx, ones_rows, wb, hist_s):
    c = lax.axis_index("c")
    s = lax.axis_index("s")
    sync = pltpu.sync_copy
    one = jnp.ones((16,), jnp.float32)

    def init_ones(i, carry):
        for k in range(8):
            ones_rows[i, pl.ds(k * 16, 16)] = one
        return carry
    lax.fori_loop(0, DEG_CHUNK, init_ones, 0)
    _zero_wb(wb, 168, 8)

    for p in range(2):
        sync(dst4_hbm.at[p, c, s], dst_idx)

        def scat():
            def body(j, carry):
                sync(ones_rows, hist_s.at[dst_idx.at[j]], add=True)
                return carry
            lax.fori_loop(0, DEG_NCHUNK, body, 0)
        _phase(s, p, hist_s, wb, out_hbm, c, scat)


def _row_body(g_hbm, src2_hbm, dst4_hbm, out_hbm,
              src_idx, dst_idx, rows0, rows1, wb, acc, sem0, sem1):
    c = lax.axis_index("c")
    s = lax.axis_index("s")
    sync = pltpu.sync_copy

    _zero_wb(wb, 168, 8)
    sync(src2_hbm.at[c, s], src_idx)

    for p in range(2):
        sync(dst4_hbm.at[p, s], dst_idx)

        def scat():
            pltpu.async_copy(g_hbm.at[src_idx.at[0]], rows0, sem0)
            pltpu.async_copy(g_hbm.at[src_idx.at[1]], rows1, sem1)

            def body(jj, carry):
                j0 = 2 * jj
                pltpu.make_async_copy(
                    g_hbm.at[src_idx.at[j0]], rows0, sem0).wait()
                sync(rows0, acc.at[dst_idx.at[j0]], add=True)
                pltpu.async_copy(g_hbm.at[src_idx.at[j0 + 2]], rows0, sem0)
                pltpu.make_async_copy(
                    g_hbm.at[src_idx.at[j0 + 1]], rows1, sem1).wait()
                sync(rows1, acc.at[dst_idx.at[j0 + 1]], add=True)
                pltpu.async_copy(g_hbm.at[src_idx.at[j0 + 3]], rows1, sem1)
                return carry
            lax.fori_loop(0, ROW_NCHUNK // 2 - 1, body, 0)

            last = ROW_NCHUNK - 2
            pltpu.make_async_copy(
                g_hbm.at[src_idx.at[last]], rows0, sem0).wait()
            sync(rows0, acc.at[dst_idx.at[last]], add=True)
            pltpu.make_async_copy(
                g_hbm.at[src_idx.at[last + 1]], rows1, sem1).wait()
            sync(rows1, acc.at[dst_idx.at[last + 1]], add=True)
        _phase(s, p, acc, wb, out_hbm, c, scat)


@functools.cache
def _sc_kernels():
    mesh = plsc.VectorSubcoreMesh(
        core_axis_name="c", subcore_axis_name="s",
        num_cores=NC, num_subcores=NS)
    deg = pl.kernel(
        _deg_body,
        out_type=jax.ShapeDtypeStruct((NC, NP, 128), jnp.float32),
        mesh=mesh,
        scratch_types=[
            pltpu.VMEM((DEG_NCHUNK, DEG_CHUNK), jnp.int32),
            pltpu.VMEM((DEG_CHUNK, 128), jnp.float32),
            pltpu.VMEM((168, 128), jnp.float32),
            pltpu.VMEM_SHARED((ACCR, 128), jnp.float32),
        ],
    )
    row = pl.kernel(
        _row_body,
        out_type=jax.ShapeDtypeStruct((NC, NP, 128), jnp.float32),
        mesh=mesh,
        scratch_types=[
            pltpu.VMEM((ROW_NCHUNK, ROW_CHUNK), jnp.int32),
            pltpu.VMEM((ROW_NCHUNK, ROW_CHUNK), jnp.int32),
            pltpu.VMEM((ROW_CHUNK, 128), jnp.float32),
            pltpu.VMEM((ROW_CHUNK, 128), jnp.float32),
            pltpu.VMEM((168, 128), jnp.float32),
            pltpu.VMEM_SHARED((ACCR, 128), jnp.float32),
            pltpu.SemaphoreType.DMA,
            pltpu.SemaphoreType.DMA,
        ],
    )
    return deg, row


def _dinv_from_hist(hist_ref):
    deg = hist_ref[0][:, 0:1] + hist_ref[1][:, 0:1] + 1.0
    return lax.rsqrt(deg)


def _mm(a, w):
    return lax.dot_general(a, w, (((1,), (0,)), ((), ())),
                           preferred_element_type=jnp.float32)


def _mmT(a, w):
    return lax.dot_general(a, w, (((1,), (1,)), ((), ())),
                           preferred_element_type=jnp.float32)


def _split_out(out_ref, g):
    out_ref[0] = g[:, :128]
    out_ref[1] = g[:, 128:]


def _cat2(ref):
    return jnp.concatenate([ref[0], ref[1]], axis=-1)


def _cat(ref):
    return jnp.concatenate([ref[qq] for qq in range(4)], axis=-1)


def _k1_body(x_ref, w1_ref, hist_ref, out_ref):
    dinv = _dinv_from_hist(hist_ref)
    g = _mm(x_ref[...], w1_ref[...]) * dinv
    _split_out(out_ref, g)


def _k2_body(t_ref, g_ref, hist_ref, w2_ref, b1_ref, out_ref):
    dinv = _dinv_from_hist(hist_ref)
    u = jnp.maximum(dinv * (_cat2(t_ref) + _cat2(g_ref)) + b1_ref[...], 0.0)
    g2 = _mm(u, w2_ref[...]) * dinv
    _split_out(out_ref, g2)


def _layer_norm(h, g, b):
    m = jnp.mean(h, axis=-1, keepdims=True)
    v = jnp.mean((h - m) ** 2, axis=-1, keepdims=True)
    return (h - m) * lax.rsqrt(v + 1e-5) * g + b


def _k3_body(t_ref, g_ref, hist_ref, b2_ref, wfc_ref, bfc_ref, *refs):
    lrefs, out_ref = refs[:-1], refs[-1]
    dinv = _dinv_from_hist(hist_ref)
    h = dinv * (_cat2(t_ref) + _cat2(g_ref)) + b2_ref[...]
    for l in range(N_LAYERS):
        (wv, bv, wo, bo, ln1g, ln1b, wf1, bf1, wf2, bf2, ln2g, ln2b) = (
            lrefs[12 * l + i] for i in range(12))
        a = _mmT(_mmT(h, wv[...]) + bv[...], wo[...]) + bo[...]
        h = _layer_norm(h + a, ln1g[...], ln1b[...])
        f = _mmT(jnp.maximum(_mmT(h, wf1[...]) + bf1[...], 0.0), wf2[...]) \
            + bf2[...]
        h = _layer_norm(h + f, ln2g[...], ln2b[...])
    out_ref[...] = _mmT(h, wfc_ref[...]) + bfc_ref[...]


def _full(shape):
    return pl.BlockSpec(shape, lambda i: (0,) * len(shape))


def _half_spec(t):
    return pl.BlockSpec((2, t, 128), lambda i: (0, i, 0))


def kernel(x, params, edge_index):
    p = params
    src = edge_index[0].astype(jnp.int32)
    dst = edge_index[1].astype(jnp.int32)

    dum = PH + (dst & (DUM - 1))
    ph0 = jnp.where(dst < PH, dst, dum)
    ph1 = jnp.where(dst >= PH, dst - PH, dum)
    dst_ph = jnp.stack([ph0, ph1])

    src2 = jnp.stack([src, src + N]) \
        .reshape(NC, NS, ROW_NCHUNK, ROW_CHUNK)
    dst4_row = dst_ph.reshape(2, NS, ROW_NCHUNK, ROW_CHUNK)
    dst4_deg = dst_ph.reshape(2, NC, NS, DEG_NCHUNK, DEG_CHUNK)

    deg_kernel, row_scatter_kernel = _sc_kernels()
    hist = deg_kernel(dst4_deg)

    T1 = 2000
    g1 = pl.pallas_call(
        _k1_body,
        grid=(N // T1,),
        in_specs=[pl.BlockSpec((T1, E_IN), lambda i: (i, 0)),
                  _full((E_IN, HID)),
                  _half_spec(T1)],
        out_specs=_half_spec(T1),
        out_shape=jax.ShapeDtypeStruct((2, N, 128), jnp.float32),
    )(x, p["W1"], hist)

    t1 = row_scatter_kernel(g1.reshape(2 * N, 128), src2, dst4_row)

    g2 = pl.pallas_call(
        _k2_body,
        grid=(N // T1,),
        in_specs=[_half_spec(T1), _half_spec(T1), _half_spec(T1),
                  _full((HID, HID)), _full((1, HID))],
        out_specs=_half_spec(T1),
        out_shape=jax.ShapeDtypeStruct((2, N, 128), jnp.float32),
    )(t1, g1, hist, p["W2"], p["b1"].reshape(1, HID))

    t2 = row_scatter_kernel(g2.reshape(2 * N, 128), src2, dst4_row)

    layer_args = []
    layer_specs = []
    for lp in p["layers"]:
        wv = lp["Wqkv"][2 * HID:]
        bv = lp["bqkv"][2 * HID:].reshape(1, HID)
        layer_args += [
            wv, bv, lp["Wo"], lp["bo"].reshape(1, HID),
            lp["ln1_g"].reshape(1, HID), lp["ln1_b"].reshape(1, HID),
            lp["Wff1"], lp["bff1"].reshape(1, FF),
            lp["Wff2"], lp["bff2"].reshape(1, HID),
            lp["ln2_g"].reshape(1, HID), lp["ln2_b"].reshape(1, HID),
        ]
        layer_specs += [
            _full((HID, HID)), _full((1, HID)),
            _full((HID, HID)), _full((1, HID)),
            _full((1, HID)), _full((1, HID)),
            _full((FF, HID)), _full((1, FF)),
            _full((HID, FF)), _full((1, HID)),
            _full((1, HID)), _full((1, HID)),
        ]

    T3 = 1000
    out = pl.pallas_call(
        _k3_body,
        grid=(N // T3,),
        in_specs=[_half_spec(T3), _half_spec(T3), _half_spec(T3),
                  _full((1, HID)), _full((OUT, HID)), _full((1, OUT))]
                 + layer_specs,
        out_specs=pl.BlockSpec((T3, OUT), lambda i: (i, 0)),
        out_shape=jax.ShapeDtypeStruct((N, OUT), jnp.float32),
    )(t2, g2, hist, p["b2"].reshape(1, HID), p["Wfc"],
      p["bfc"].reshape(1, OUT), *layer_args)

    return out

# --- scband reference (transcript-rebuilt; emitter-appended) ---
"""Pipeline reference for scband-gcn-transformer-79362405695777 (READ-ONLY COPY).

The authoritative reference and input builder live on the scoring server;
editing this copy changes nothing except your own understanding.
"""

import jax, jax.numpy as jnp
import numpy as np

N = 10000
E_IN = 256
HID = 256
OUT = 128
N_EDGES = 160000
HEADS = 4
FF = 2048
N_LAYERS = 2


def setup_inputs(seed: int = 0):
    key = jax.random.key(seed)
    keys = iter(jax.random.split(key, 80))
    def nrm(shape, s=0.05):
        return jax.random.normal(next(keys), shape, dtype=jnp.float32) * s
    x = jax.random.normal(next(keys), (N, E_IN), dtype=jnp.float32)
    edge_index = jax.random.randint(next(keys), (2, N_EDGES), 0, N)
    layers = []
    for _ in range(N_LAYERS):
        layers.append({
            "Wqkv": nrm((3 * HID, HID)), "bqkv": nrm((3 * HID,)),
            "Wo": nrm((HID, HID)), "bo": nrm((HID,)),
            "ln1_g": jnp.ones((HID,), jnp.float32), "ln1_b": jnp.zeros((HID,), jnp.float32),
            "Wff1": nrm((FF, HID)), "bff1": nrm((FF,)),
            "Wff2": nrm((HID, FF)), "bff2": nrm((HID,)),
            "ln2_g": jnp.ones((HID,), jnp.float32), "ln2_b": jnp.zeros((HID,), jnp.float32),
        })
    params = {
        "W1": nrm((E_IN, HID)), "b1": nrm((HID,)),
        "W2": nrm((HID, HID)), "b2": nrm((HID,)),
        "layers": layers,
        "Wfc": nrm((OUT, HID)), "bfc": nrm((OUT,)),
    }
    return {"x": x, "params": params, "edge_index": edge_index}


def layer_norm(x, g, b, eps=1e-5):
    m = jnp.mean(x, axis=-1, keepdims=True)
    v = jnp.mean((x - m) ** 2, axis=-1, keepdims=True)
    return (x - m) * jax.lax.rsqrt(v + eps) * g + b


def mha(x, lp, n_heads):
    S, B, E = x.shape
    hd = E // n_heads
    qkv = x @ lp["Wqkv"].T + lp["bqkv"]
    q, k, v = jnp.split(qkv, 3, axis=-1)
    def rs(t):
        return t.reshape(S, B * n_heads, hd).transpose(1, 0, 2)
    q, k, v = rs(q), rs(k), rs(v)
    scores = (q @ k.transpose(0, 2, 1)) / jnp.sqrt(jnp.float32(hd))
    attn = jax.nn.softmax(scores, axis=-1)
    out = (attn @ v).transpose(1, 0, 2).reshape(S, B, E)
    return out @ lp["Wo"].T + lp["bo"]


def gcn_conv(x, edge_index, W, b):
    n = x.shape[0]
    loop = jnp.arange(n)
    src = jnp.concatenate([edge_index[0], loop])
    dst = jnp.concatenate([edge_index[1], loop])
    deg = jnp.zeros((n,), x.dtype).at[dst].add(1.0)
    dinv = jax.lax.rsqrt(deg)
    h = x @ W
    coef = (dinv[src] * dinv[dst])[:, None]
    out = jnp.zeros_like(h).at[dst].add(h[src] * coef)
    return out + b


def forward(x, params, edge_index):
    h = jax.nn.relu(gcn_conv(x, edge_index, params["W1"], params["b1"]))
    h = gcn_conv(h, edge_index, params["W2"], params["b2"])
    h = h[None, :, :]
    for lp in params["layers"]:
        a = mha(h, lp, HEADS)
        h = layer_norm(h + a, lp["ln1_g"], lp["ln1_b"])
        f = jax.nn.relu(h @ lp["Wff1"].T + lp["bff1"]) @ lp["Wff2"].T + lp["bff2"]
        h = layer_norm(h + f, lp["ln2_g"], lp["ln2_b"])
    h = h[0]
    return h @ params["Wfc"].T + params["bfc"]


def reference(x, params, edge_index):
    return forward(x, params, edge_index)

if __name__ == "__main__":
    import jax
    _d = setup_inputs()
    print(jax.jit(kernel)(*tuple(_d.values())))

</pallas_src>

<mosaic_0001>
#map = affine_map<(d0, d1) -> (0, 0)>
#map1 = affine_map<(d0, d1) -> (0, 0, 0, 0)>
#map2 = affine_map<(d0, d1) -> (0, 0, 0)>
module attributes {stable_mosaic.version = 14 : i64} {
  func.func @_row_body(%arg0: i32, %arg1: i32, %arg2: memref<20000x128xf32, #tpu.memory_space<hbm>>, %arg3: memref<2x16x100x100xi32, #tpu.memory_space<hbm>>, %arg4: memref<2x16x100x100xi32, #tpu.memory_space<hbm>>, %arg5: memref<2x10240x128xf32, #tpu.memory_space<hbm>>, %arg6: memref<100x100xi32, #tpu.memory_space<vmem>>, %arg7: memref<100x100xi32, #tpu.memory_space<vmem>>, %arg8: memref<100x128xf32, #tpu.memory_space<vmem>>, %arg9: memref<100x128xf32, #tpu.memory_space<vmem>>, %arg10: memref<168x128xf32, #tpu.memory_space<vmem>>, %arg11: memref<5376x128xf32, #tpu.memory_space<vmem_shared>>, %arg12: memref<!tpu.dma_semaphore, #tpu.memory_space<semaphore_mem>>, %arg13: memref<!tpu.dma_semaphore, #tpu.memory_space<semaphore_mem>>) attributes {dimension_semantics = [#tpu.dimension_semantics<core_parallel>, #tpu.dimension_semantics<subcore_parallel>], iteration_bounds = array<i64: 2, 16>, scalar_prefetch = 0 : i64, scratch_operands = 8 : i64, tpu.core_type = #tpu.core_type<sc_vector_subcore>, window_params = [{transform_indices = #map}, {transform_indices = #map1}, {transform_indices = #map1}, {transform_indices = #map2}]} {
    %broadcast_in_dim3A = arith.constant 0.000000e+00 : f32
    %broadcast_in_dim3A_0 = vector.broadcast %broadcast_in_dim3A : f32 to vector<16xf32>
    %scan3A = arith.constant 0 : i32
    %scan3A_1 = arith.constant 0 : i32
    %scan3A_2 = arith.constant 168 : i32
    %scan3A_3 = arith.addi %scan3A_1, %scan3A_2 : i32
    %scan3A_4 = arith.constant 1 : i32
    scf.for %scan3A_106 = %scan3A_1 to %scan3A_3 step %scan3A_4  : i32 {
      %swap3A = arith.index_cast %scan3A_106 : i32 to index
      %swap3A_107 = arith.constant 0 : index
      %swap3A_108 = tpu.vector_load %arg10[%swap3A, %swap3A_107] {strides = array<i32>} : memref<168x128xf32, #tpu.memory_space<vmem>>, vector<1x16xf32>,
      %swap3A_109 = vector.shape_cast %swap3A_108 : vector<1x16xf32> to vector<16xf32>
      %swap3A_110 = vector.shape_cast %broadcast_in_dim3A_0 : vector<16xf32> to vector<1x16xf32>
      tpu.vector_store %arg10[%swap3A, %swap3A_107], %swap3A_110 {strides = array<i32>} : memref<168x128xf32, #tpu.memory_space<vmem>>, vector<1x16xf32>,
      %swap3A_111 = arith.index_cast %scan3A_106 : i32 to index
      %swap3A_112 = arith.constant 16 : index
      %swap3A_113 = tpu.vector_load %arg10[%swap3A_111, %swap3A_112] {strides = array<i32>} : memref<168x128xf32, #tpu.memory_space<vmem>>, vector<1x16xf32>,
      %swap3A_114 = vector.shape_cast %swap3A_113 : vector<1x16xf32> to vector<16xf32>
      %swap3A_115 = vector.shape_cast %broadcast_in_dim3A_0 : vector<16xf32> to vector<1x16xf32>
      tpu.vector_store %arg10[%swap3A_111, %swap3A_112], %swap3A_115 {strides = array<i32>} : memref<168x128xf32, #tpu.memory_space<vmem>>, vector<1x16xf32>,
      %swap3A_116 = arith.index_cast %scan3A_106 : i32 to index
      %swap3A_117 = arith.constant 32 : index
      %swap3A_118 = tpu.vector_load %arg10[%swap3A_116, %swap3A_117] {strides = array<i32>} : memref<168x128xf32, #tpu.memory_space<vmem>>, vector<1x16xf32>,
      %swap3A_119 = vector.shape_cast %swap3A_118 : vector<1x16xf32> to vector<16xf32>
      %swap3A_120 = vector.shape_cast %broadcast_in_dim3A_0 : vector<16xf32> to vector<1x16xf32>
      tpu.vector_store %arg10[%swap3A_116, %swap3A_117], %swap3A_120 {strides = array<i32>} : memref<168x128xf32, #tpu.memory_space<vmem>>, vector<1x16xf32>,
      %swap3A_121 = arith.index_cast %scan3A_106 : i32 to index
      %swap3A_122 = arith.constant 48 : index
      %swap3A_123 = tpu.vector_load %arg10[%swap3A_121, %swap3A_122] {strides = array<i32>} : memref<168x128xf32, #tpu.memory_space<vmem>>, vector<1x16xf32>,
      %swap3A_124 = vector.shape_cast %swap3A_123 : vector<1x16xf32> to vector<16xf32>
      %swap3A_125 = vector.shape_cast %broadcast_in_dim3A_0 : vector<16xf32> to vector<1x16xf32>
      tpu.vector_store %arg10[%swap3A_121, %swap3A_122], %swap3A_125 {strides = array<i32>} : memref<168x128xf32, #tpu.memory_space<vmem>>, vector<1x16xf32>,
      %swap3A_126 = arith.index_cast %scan3A_106 : i32 to index
      %swap3A_127 = arith.constant 64 : index
      %swap3A_128 = tpu.vector_load %arg10[%swap3A_126, %swap3A_127] {strides = array<i32>} : memref<168x128xf32, #tpu.memory_space<vmem>>, vector<1x16xf32>,
      %swap3A_129 = vector.shape_cast %swap3A_128 : vector<1x16xf32> to vector<16xf32>
      %swap3A_130 = vector.shape_cast %broadcast_in_dim3A_0 : vector<16xf32> to vector<1x16xf32>
      tpu.vector_store %arg10[%swap3A_126, %swap3A_127], %swap3A_130 {strides = array<i32>} : memref<168x128xf32, #tpu.memory_space<vmem>>, vector<1x16xf32>,
      %swap3A_131 = arith.index_cast %scan3A_106 : i32 to index
      %swap3A_132 = arith.constant 80 : index
      %swap3A_133 = tpu.vector_load %arg10[%swap3A_131, %swap3A_132] {strides = array<i32>} : memref<168x128xf32, #tpu.memory_space<vmem>>, vector<1x16xf32>,
      %swap3A_134 = vector.shape_cast %swap3A_133 : vector<1x16xf32> to vector<16xf32>
      %swap3A_135 = vector.shape_cast %broadcast_in_dim3A_0 : vector<16xf32> to vector<1x16xf32>
      tpu.vector_store %arg10[%swap3A_131, %swap3A_132], %swap3A_135 {strides = array<i32>} : memref<168x128xf32, #tpu.memory_space<vmem>>, vector<1x16xf32>,
      %swap3A_136 = arith.index_cast %scan3A_106 : i32 to index
      %swap3A_137 = arith.constant 96 : index
      %swap3A_138 = tpu.vector_load %arg10[%swap3A_136, %swap3A_137] {strides = array<i32>} : memref<168x128xf32, #tpu.memory_space<vmem>>, vector<1x16xf32>,
      %swap3A_139 = vector.shape_cast %swap3A_138 : vector<1x16xf32> to vector<16xf32>
      %swap3A_140 = vector.shape_cast %broadcast_in_dim3A_0 : vector<16xf32> to vector<1x16xf32>
      tpu.vector_store %arg10[%swap3A_136, %swap3A_137], %swap3A_140 {strides = array<i32>} : memref<168x128xf32, #tpu.memory_space<vmem>>, vector<1x16xf32>,
      %swap3A_141 = arith.index_cast %scan3A_106 : i32 to index
      %swap3A_142 = arith.constant 112 : index
      %swap3A_143 = tpu.vector_load %arg10[%swap3A_141, %swap3A_142] {strides = array<i32>} : memref<168x128xf32, #tpu.memory_space<vmem>>, vector<1x16xf32>,
      %swap3A_144 = vector.shape_cast %swap3A_143 : vector<1x16xf32> to vector<16xf32>
      %swap3A_145 = vector.shape_cast %broadcast_in_dim3A_0 : vector<16xf32> to vector<1x16xf32>
      tpu.vector_store %arg10[%swap3A_141, %swap3A_142], %swap3A_145 {strides = array<i32>} : memref<168x128xf32, #tpu.memory_space<vmem>>, vector<1x16xf32>,
    }
    %scan3A_5 = arith.constant 168 : i32
    "tpu.region"() ({
      %run_scoped3A_106 = tpu.sem_alloc : memref<!tpu.dma_semaphore, #tpu.memory_space<semaphore_mem>>
      %dma_start3A_107 = arith.constant 0 : i32
      %dma_start3A_108 = arith.constant 0 : i32
      %dma_start3A_109 = tpu.memref_slice %arg3[%arg0, %arg1, %dma_start3A_107, %dma_start3A_108] : memref<2x16x100x100xi32, #tpu.memory_space<hbm>> -> memref<1x1x100x100xi32, #tpu.memory_space<hbm>>
      %dma_start3A_110 = tpu.memref_squeeze %dma_start3A_109 : memref<1x1x100x100xi32, #tpu.memory_space<hbm>> -> memref<100x100xi32, #tpu.memory_space<hbm>>
      %dma_start3A_111 = arith.constant 0 : i32
      %dma_start3A_112 = arith.constant 0 : i32
      %dma_start3A_113 = tpu.memref_slice %arg3[%arg0, %arg1, %dma_start3A_111, %dma_start3A_112] : memref<2x16x100x100xi32, #tpu.memory_space<hbm>> -> memref<1x1x100x100xi32, #tpu.memory_space<hbm>>
      %dma_start3A_114 = tpu.memref_squeeze %dma_start3A_113 : memref<1x1x100x100xi32, #tpu.memory_space<hbm>> -> memref<100x100xi32, #tpu.memory_space<hbm>>
      tpu.enqueue_dma source(%dma_start3A_114 : memref<100x100xi32, #tpu.memory_space<hbm>>) target(%arg6 : memref<100x100xi32, #tpu.memory_space<vmem>>) target_semaphore(%run_scoped3A_106 : memref<!tpu.dma_semaphore, #tpu.memory_space<semaphore_mem>>)
      %dma_wait3A_115 = arith.constant 0 : i32
      %dma_wait3A_116 = arith.constant 0 : i32
      %dma_wait3A_117 = tpu.memref_slice %arg3[%arg0, %arg1, %dma_wait3A_115, %dma_wait3A_116] : memref<2x16x100x100xi32, #tpu.memory_space<hbm>> -> memref<1x1x100x100xi32, #tpu.memory_space<hbm>>
      %dma_wait3A_118 = tpu.memref_squeeze %dma_wait3A_117 : memref<1x1x100x100xi32, #tpu.memory_space<hbm>> -> memref<100x100xi32, #tpu.memory_space<hbm>>
      %dma_wait3A_119 = arith.constant 0 : i32
      %dma_wait3A_120 = arith.constant 0 : i32
      %dma_wait3A_121 = tpu.memref_slice %arg3[%arg0, %arg1, %dma_wait3A_119, %dma_wait3A_120] : memref<2x16x100x100xi32, #tpu.memory_space<hbm>> -> memref<1x1x100x100xi32, #tpu.memory_space<hbm>>
      %dma_wait3A_122 = tpu.memref_squeeze %dma_wait3A_121 : memref<1x1x100x100xi32, #tpu.memory_space<hbm>> -> memref<100x100xi32, #tpu.memory_space<hbm>>
      tpu.wait_dma2 semaphore(%run_scoped3A_106 : memref<!tpu.dma_semaphore, #tpu.memory_space<semaphore_mem>>) src(%dma_wait3A_122 : memref<100x100xi32, #tpu.memory_space<hbm>>) dst(%arg6 : memref<100x100xi32, #tpu.memory_space<vmem>>)
      tpu.yield
    }) : () -> ()
    %run_scoped3A = arith.constant 0 : i32
    "tpu.region"() ({
      %run_scoped3A_106 = tpu.sem_alloc : memref<!tpu.dma_semaphore, #tpu.memory_space<semaphore_mem>>
      %dma_start3A_107 = arith.constant 0 : i32
      %dma_start3A_108 = arith.constant 0 : i32
      %dma_start3A_109 = tpu.memref_slice %arg4[%run_scoped3A, %arg1, %dma_start3A_107, %dma_start3A_108] : memref<2x16x100x100xi32, #tpu.memory_space<hbm>> -> memref<1x1x100x100xi32, #tpu.memory_space<hbm>>
      %dma_start3A_110 = tpu.memref_squeeze %dma_start3A_109 : memref<1x1x100x100xi32, #tpu.memory_space<hbm>> -> memref<100x100xi32, #tpu.memory_space<hbm>>
      %dma_start3A_111 = arith.constant 0 : i32
      %dma_start3A_112 = arith.constant 0 : i32
      %dma_start3A_113 = tpu.memref_slice %arg4[%run_scoped3A, %arg1, %dma_start3A_111, %dma_start3A_112] : memref<2x16x100x100xi32, #tpu.memory_space<hbm>> -> memref<1x1x100x100xi32, #tpu.memory_space<hbm>>
      %dma_start3A_114 = tpu.memref_squeeze %dma_start3A_113 : memref<1x1x100x100xi32, #tpu.memory_space<hbm>> -> memref<100x100xi32, #tpu.memory_space<hbm>>
      tpu.enqueue_dma source(%dma_start3A_114 : memref<100x100xi32, #tpu.memory_space<hbm>>) target(%arg7 : memref<100x100xi32, #tpu.memory_space<vmem>>) target_semaphore(%run_scoped3A_106 : memref<!tpu.dma_semaphore, #tpu.memory_space<semaphore_mem>>)
      %dma_wait3A_115 = arith.constant 0 : i32
      %dma_wait3A_116 = arith.constant 0 : i32
      %dma_wait3A_117 = tpu.memref_slice %arg4[%run_scoped3A, %arg1, %dma_wait3A_115, %dma_wait3A_116] : memref<2x16x100x100xi32, #tpu.memory_space<hbm>> -> memref<1x1x100x100xi32, #tpu.memory_space<hbm>>
      %dma_wait3A_118 = tpu.memref_squeeze %dma_wait3A_117 : memref<1x1x100x100xi32, #tpu.memory_space<hbm>> -> memref<100x100xi32, #tpu.memory_space<hbm>>
      %dma_wait3A_119 = arith.constant 0 : i32
      %dma_wait3A_120 = arith.constant 0 : i32
      %dma_wait3A_121 = tpu.memref_slice %arg4[%run_scoped3A, %arg1, %dma_wait3A_119, %dma_wait3A_120] : memref<2x16x100x100xi32, #tpu.memory_space<hbm>> -> memref<1x1x100x100xi32, #tpu.memory_space<hbm>>
      %dma_wait3A_122 = tpu.memref_squeeze %dma_wait3A_121 : memref<1x1x100x100xi32, #tpu.memory_space<hbm>> -> memref<100x100xi32, #tpu.memory_space<hbm>>
      tpu.wait_dma2 semaphore(%run_scoped3A_106 : memref<!tpu.dma_semaphore, #tpu.memory_space<semaphore_mem>>) src(%dma_wait3A_122 : memref<100x100xi32, #tpu.memory_space<hbm>>) dst(%arg7 : memref<100x100xi32, #tpu.memory_space<vmem>>)
      tpu.yield
    }) : () -> ()
    %scan3A_6 = arith.constant 0 : i32
    %scan3A_7 = arith.constant 0 : i32
    %scan3A_8 = arith.constant 2 : i32
    %scan3A_9 = arith.addi %scan3A_7, %scan3A_8 : i32
    %scan3A_10 = arith.constant 1 : i32
    scf.for %scan3A_106 = %scan3A_7 to %scan3A_9 step %scan3A_10  : i32 {
      %mul3A = arith.constant 336 : i32
      %mul3A_107 = arith.muli %arg1, %mul3A : i32
      %mul3A_108 = arith.constant 168 : i32
      %mul3A_109 = arith.muli %scan3A_106, %mul3A_108 : i32
      %add3A = arith.addi %mul3A_107, %mul3A_109 : i32
      "tpu.region"() ({
        %run_scoped3A_110 = tpu.sem_alloc : memref<!tpu.dma_semaphore, #tpu.memory_space<semaphore_mem>>
        %dma_start3A_111 = arith.constant 0 : i32
        %dma_start3A_112 = arith.constant 0 : i32
        %dma_start3A_113 = tpu.memref_slice %arg10[%dma_start3A_111, %dma_start3A_112] : memref<168x128xf32, #tpu.memory_space<vmem>> -> memref<168x128xf32, #tpu.memory_space<vmem>>
        %dma_start3A_114 = arith.constant 0 : i32
        %dma_start3A_115 = tpu.memref_slice %arg11[%add3A, %dma_start3A_114] : memref<5376x128xf32, #tpu.memory_space<vmem_shared>> -> memref<168x128xf32, #tpu.memory_space<vmem_shared>>
        %dma_start3A_116 = arith.constant 0 : i32
        %dma_start3A_117 = tpu.memref_slice %arg11[%add3A, %dma_start3A_116] : memref<5376x128xf32, #tpu.memory_space<vmem_shared>> -> memref<168x128xf32, #tpu.memory_space<vmem_shared>>
        %dma_start3A_118 = arith.constant 0 : i32
        %dma_start3A_119 = arith.constant 0 : i32
        %dma_start3A_120 = tpu.memref_slice %arg10[%dma_start3A_118, %dma_start3A_119] : memref<168x128xf32, #tpu.memory_space<vmem>> -> memref<168x128xf32, #tpu.memory_space<vmem>>
        tpu.enqueue_dma source(%dma_start3A_120 : memref<168x128xf32, #tpu.memory_space<vmem>>) target(%dma_start3A_117 : memref<168x128xf32, #tpu.memory_space<vmem_shared>>) target_semaphore(%run_scoped3A_110 : memref<!tpu.dma_semaphore, #tpu.memory_space<semaphore_mem>>)
        %dma_wait3A_121 = arith.constant 0 : i32
        %dma_wait3A_122 = arith.constant 0 : i32
        %dma_wait3A_123 = tpu.memref_slice %arg10[%dma_wait3A_121, %dma_wait3A_122] : memref<168x128xf32, #tpu.memory_space<vmem>> -> memref<168x128xf32, #tpu.memory_space<vmem>>
        %dma_wait3A_124 = arith.constant 0 : i32
        %dma_wait3A_125 = tpu.memref_slice %arg11[%add3A, %dma_wait3A_124] : memref<5376x128xf32, #tpu.memory_space<vmem_shared>> -> memref<168x128xf32, #tpu.memory_space<vmem_shared>>
        %dma_wait3A_126 = arith.constant 0 : i32
        %dma_wait3A_127 = tpu.memref_slice %arg11[%add3A, %dma_wait3A_126] : memref<5376x128xf32, #tpu.memory_space<vmem_shared>> -> memref<168x128xf32, #tpu.memory_space<vmem_shared>>
        %dma_wait3A_128 = arith.constant 0 : i32
        %dma_wait3A_129 = arith.constant 0 : i32
        %dma_wait3A_130 = tpu.memref_slice %arg10[%dma_wait3A_128, %dma_wait3A_129] : memref<168x128xf32, #tpu.memory_space<vmem>> -> memref<168x128xf32, #tpu.memory_space<vmem>>
        tpu.wait_dma2 semaphore(%run_scoped3A_110 : memref<!tpu.dma_semaphore, #tpu.memory_space<semaphore_mem>>) src(%dma_wait3A_130 : memref<168x128xf32, #tpu.memory_space<vmem>>) dst(%dma_wait3A_127 : memref<168x128xf32, #tpu.memory_space<vmem_shared>>)
        tpu.yield
      }) : () -> ()
    }
    %scan3A_11 = arith.constant 2 : i32
    %barrier3A = arith.constant 0 : index
    tpu.barrier barrier_id(%barrier3A)
    %dma_start3A = arith.constant 0 : i32
    %dma_start3A_12 = arith.constant 0 : i32
    %dma_start3A_13 = tpu.memref_slice %arg6[%dma_start3A, %dma_start3A_12] : memref<100x100xi32, #tpu.memory_space<vmem>> -> memref<1x100xi32, #tpu.memory_space<vmem>>
    %dma_start3A_14 = tpu.memref_squeeze %dma_start3A_13 : memref<1x100xi32, #tpu.memory_space<vmem>> -> memref<100xi32, #tpu.memory_space<vmem>>
    %dma_start3A_15 = arith.constant 0 : i32
    %dma_start3A_16 = arith.constant 0 : i32
    %dma_start3A_17 = tpu.memref_slice %arg2[%dma_start3A_15, %dma_start3A_16] : memref<20000x128xf32, #tpu.memory_space<hbm>> -> memref<20000x128xf32, #tpu.memory_space<hbm>>
    tpu.enqueue_indirect_dma source(%dma_start3A_17 : memref<20000x128xf32, #tpu.memory_space<hbm>>) target(%arg8 : memref<100x128xf32, #tpu.memory_space<vmem>>) offsets(%dma_start3A_14 : memref<100xi32, #tpu.memory_space<vmem>>) semaphore(%arg12 : memref<!tpu.dma_semaphore, #tpu.memory_space<semaphore_mem>>)
    %dma_start3A_18 = arith.constant 1 : i32
    %dma_start3A_19 = arith.constant 0 : i32
    %dma_start3A_20 = tpu.memref_slice %arg6[%dma_start3A_18, %dma_start3A_19] : memref<100x100xi32, #tpu.memory_space<vmem>> -> memref<1x100xi32, #tpu.memory_space<vmem>>
    %dma_start3A_21 = tpu.memref_squeeze %dma_start3A_20 : memref<1x100xi32, #tpu.memory_space<vmem>> -> memref<100xi32, #tpu.memory_space<vmem>>
    %dma_start3A_22 = arith.constant 0 : i32
    %dma_start3A_23 = arith.constant 0 : i32
    %dma_start3A_24 = tpu.memref_slice %arg2[%dma_start3A_22, %dma_start3A_23] : memref<20000x128xf32, #tpu.memory_space<hbm>> -> memref<20000x128xf32, #tpu.memory_space<hbm>>
    tpu.enqueue_indirect_dma source(%dma_start3A_24 : memref<20000x128xf32, #tpu.memory_space<hbm>>) target(%arg9 : memref<100x128xf32, #tpu.memory_space<vmem>>) offsets(%dma_start3A_21 : memref<100xi32, #tpu.memory_space<vmem>>) semaphore(%arg13 : memref<!tpu.dma_semaphore, #tpu.memory_space<semaphore_mem>>)
    %scan3A_25 = arith.constant 0 : i32
    %scan3A_26 = arith.constant 0 : i32
    %scan3A_27 = arith.constant 49 : i32
    %scan3A_28 = arith.addi %scan3A_26, %scan3A_27 : i32
    %scan3A_29 = arith.constant 1 : i32
    scf.for %scan3A_106 = %scan3A_26 to %scan3A_28 step %scan3A_29  : i32 {
      %mul3A = arith.constant 2 : i32
      %mul3A_107 = arith.muli %mul3A, %scan3A_106 : i32
      %dma_wait3A_108 = arith.constant 0 : i32
      %dma_wait3A_109 = tpu.memref_slice %arg6[%mul3A_107, %dma_wait3A_108] : memref<100x100xi32, #tpu.memory_space<vmem>> -> memref<1x100xi32, #tpu.memory_space<vmem>>
      %dma_wait3A_110 = tpu.memref_squeeze %dma_wait3A_109 : memref<1x100xi32, #tpu.memory_space<vmem>> -> memref<100xi32, #tpu.memory_space<vmem>>
      %dma_wait3A_111 = arith.constant 0 : i32
      %dma_wait3A_112 = arith.constant 0 : i32
      %dma_wait3A_113 = tpu.memref_slice %arg2[%dma_wait3A_111, %dma_wait3A_112] : memref<20000x128xf32, #tpu.memory_space<hbm>> -> memref<20000x128xf32, #tpu.memory_space<hbm>>
      tpu.wait_indirect_dma semaphore(%arg12 : memref<!tpu.dma_semaphore, #tpu.memory_space<semaphore_mem>>) src(%dma_wait3A_113 : memref<20000x128xf32, #tpu.memory_space<hbm>>) dst(%arg8 : memref<100x128xf32, #tpu.memory_space<vmem>>)
      "tpu.region"() ({
        %run_scoped3A_139 = tpu.sem_alloc : memref<!tpu.dma_semaphore, #tpu.memory_space<semaphore_mem>>
        %dma_start3A_140 = arith.constant 0 : i32
        %dma_start3A_141 = tpu.memref_slice %arg7[%mul3A_107, %dma_start3A_140] : memref<100x100xi32, #tpu.memory_space<vmem>> -> memref<1x100xi32, #tpu.memory_space<vmem>>
        %dma_start3A_142 = tpu.memref_squeeze %dma_start3A_141 : memref<1x100xi32, #tpu.memory_space<vmem>> -> memref<100xi32, #tpu.memory_space<vmem>>
        %dma_start3A_143 = arith.constant 0 : i32
        %dma_start3A_144 = arith.constant 0 : i32
        %dma_start3A_145 = tpu.memref_slice %arg11[%dma_start3A_143, %dma_start3A_144] : memref<5376x128xf32, #tpu.memory_space<vmem_shared>> -> memref<5376x128xf32, #tpu.memory_space<vmem_shared>>
        tpu.enqueue_indirect_dma source(%arg8 : memref<100x128xf32, #tpu.memory_space<vmem>>) target(%dma_start3A_145 : memref<5376x128xf32, #tpu.memory_space<vmem_shared>>) offsets(%dma_start3A_142 : memref<100xi32, #tpu.memory_space<vmem>>) semaphore(%run_scoped3A_139 : memref<!tpu.dma_semaphore, #tpu.memory_space<semaphore_mem>>) {add = true}
        %dma_wait3A_146 = arith.constant 0 : i32
        %dma_wait3A_147 = tpu.memref_slice %arg7[%mul3A_107, %dma_wait3A_146] : memref<100x100xi32, #tpu.memory_space<vmem>> -> memref<1x100xi32, #tpu.memory_space<vmem>>
        %dma_wait3A_148 = tpu.memref_squeeze %dma_wait3A_147 : memref<1x100xi32, #tpu.memory_space<vmem>> -> memref<100xi32, #tpu.memory_space<vmem>>
        %dma_wait3A_149 = arith.constant 0 : i32
        %dma_wait3A_150 = arith.constant 0 : i32
        %dma_wait3A_151 = tpu.memref_slice %arg11[%dma_wait3A_149, %dma_wait3A_150] : memref<5376x128xf32, #tpu.memory_space<vmem_shared>> -> memref<5376x128xf32, #tpu.memory_space<vmem_shared>>
        tpu.wait_indirect_dma semaphore(%run_scoped3A_139 : memref<!tpu.dma_semaphore, #tpu.memory_space<semaphore_mem>>) src(%arg8 : memref<100x128xf32, #tpu.memory_space<vmem>>) dst(%dma_wait3A_151 : memref<5376x128xf32, #tpu.memory_space<vmem_shared>>)
        tpu.yield
      }) : () -> ()
      %add3A = arith.constant 2 : i32
      %add3A_114 = arith.addi %mul3A_107, %add3A : i32
      %dma_start3A_115 = arith.constant 0 : i32
      %dma_start3A_116 = tpu.memref_slice %arg6[%add3A_114, %dma_start3A_115] : memref<100x100xi32, #tpu.memory_space<vmem>> -> memref<1x100xi32, #tpu.memory_space<vmem>>
      %dma_start3A_117 = tpu.memref_squeeze %dma_start3A_116 : memref<1x100xi32, #tpu.memory_space<vmem>> -> memref<100xi32, #tpu.memory_space<vmem>>
      %dma_start3A_118 = arith.constant 0 : i32
      %dma_start3A_119 = arith.constant 0 : i32
      %dma_start3A_120 = tpu.memref_slice %arg2[%dma_start3A_118, %dma_start3A_119] : memref<20000x128xf32, #tpu.memory_space<hbm>> -> memref<20000x128xf32, #tpu.memory_space<hbm>>
      tpu.enqueue_indirect_dma source(%dma_start3A_120 : memref<20000x128xf32, #tpu.memory_space<hbm>>) target(%arg8 : memref<100x128xf32, #tpu.memory_space<vmem>>) offsets(%dma_start3A_117 : memref<100xi32, #tpu.memory_space<vmem>>) semaphore(%arg12 : memref<!tpu.dma_semaphore, #tpu.memory_space<semaphore_mem>>)
      %add3A_121 = arith.constant 1 : i32
      %add3A_122 = arith.addi %mul3A_107, %add3A_121 : i32
      %dma_wait3A_123 = arith.constant 0 : i32
      %dma_wait3A_124 = tpu.memref_slice %arg6[%add3A_122, %dma_wait3A_123] : memref<100x100xi32, #tpu.memory_space<vmem>> -> memref<1x100xi32, #tpu.memory_space<vmem>>
      %dma_wait3A_125 = tpu.memref_squeeze %dma_wait3A_124 : memref<1x100xi32, #tpu.memory_space<vmem>> -> memref<100xi32, #tpu.memory_space<vmem>>
      %dma_wait3A_126 = arith.constant 0 : i32
      %dma_wait3A_127 = arith.constant 0 : i32
      %dma_wait3A_128 = tpu.memref_slice %arg2[%dma_wait3A_126, %dma_wait3A_127] : memref<20000x128xf32, #tpu.memory_space<hbm>> -> memref<20000x128xf32, #tpu.memory_space<hbm>>
      tpu.wait_indirect_dma semaphore(%arg13 : memref<!tpu.dma_semaphore, #tpu.memory_space<semaphore_mem>>) src(%dma_wait3A_128 : memref<20000x128xf32, #tpu.memory_space<hbm>>) dst(%arg9 : memref<100x128xf32, #tpu.memory_space<vmem>>)
      %add3A_129 = arith.constant 1 : i32
      %add3A_130 = arith.addi %mul3A_107, %add3A_129 : i32
      "tpu.region"() ({
        %run_scoped3A_139 = tpu.sem_alloc : memref<!tpu.dma_semaphore, #tpu.memory_space<semaphore_mem>>
        %dma_start3A_140 = arith.constant 0 : i32
        %dma_start3A_141 = tpu.memref_slice %arg7[%add3A_130, %dma_start3A_140] : memref<100x100xi32, #tpu.memory_space<vmem>> -> memref<1x100xi32, #tpu.memory_space<vmem>>
        %dma_start3A_142 = tpu.memref_squeeze %dma_start3A_141 : memref<1x100xi32, #tpu.memory_space<vmem>> -> memref<100xi32, #tpu.memory_space<vmem>>
        %dma_start3A_143 = arith.constant 0 : i32
        %dma_start3A_144 = arith.constant 0 : i32
        %dma_start3A_145 = tpu.memref_slice %arg11[%dma_start3A_143, %dma_start3A_144] : memref<5376x128xf32, #tpu.memory_space<vmem_shared>> -> memref<5376x128xf32, #tpu.memory_space<vmem_shared>>
        tpu.enqueue_indirect_dma source(%arg9 : memref<100x128xf32, #tpu.memory_space<vmem>>) target(%dma_start3A_145 : memref<5376x128xf32, #tpu.memory_space<vmem_shared>>) offsets(%dma_start3A_142 : memref<100xi32, #tpu.memory_space<vmem>>) semaphore(%run_scoped3A_139 : memref<!tpu.dma_semaphore, #tpu.memory_space<semaphore_mem>>) {add = true}
        %dma_wait3A_146 = arith.constant 0 : i32
        %dma_wait3A_147 = tpu.memref_slice %arg7[%add3A_130, %dma_wait3A_146] : memref<100x100xi32, #tpu.memory_space<vmem>> -> memref<1x100xi32, #tpu.memory_space<vmem>>
        %dma_wait3A_148 = tpu.memref_squeeze %dma_wait3A_147 : memref<1x100xi32, #tpu.memory_space<vmem>> -> memref<100xi32, #tpu.memory_space<vmem>>
        %dma_wait3A_149 = arith.constant 0 : i32
        %dma_wait3A_150 = arith.constant 0 : i32
        %dma_wait3A_151 = tpu.memref_slice %arg11[%dma_wait3A_149, %dma_wait3A_150] : memref<5376x128xf32, #tpu.memory_space<vmem_shared>> -> memref<5376x128xf32, #tpu.memory_space<vmem_shared>>
        tpu.wait_indirect_dma semaphore(%run_scoped3A_139 : memref<!tpu.dma_semaphore, #tpu.memory_space<semaphore_mem>>) src(%arg9 : memref<100x128xf32, #tpu.memory_space<vmem>>) dst(%dma_wait3A_151 : memref<5376x128xf32, #tpu.memory_space<vmem_shared>>)
        tpu.yield
      }) : () -> ()
      %add3A_131 = arith.constant 3 : i32
      %add3A_132 = arith.addi %mul3A_107, %add3A_131 : i32
      %dma_start3A_133 = arith.constant 0 : i32
      %dma_start3A_134 = tpu.memref_slice %arg6[%add3A_132, %dma_start3A_133] : memref<100x100xi32, #tpu.memory_space<vmem>> -> memref<1x100xi32, #tpu.memory_space<vmem>>
      %dma_start3A_135 = tpu.memref_squeeze %dma_start3A_134 : memref<1x100xi32, #tpu.memory_space<vmem>> -> memref<100xi32, #tpu.memory_space<vmem>>
      %dma_start3A_136 = arith.constant 0 : i32
      %dma_start3A_137 = arith.constant 0 : i32
      %dma_start3A_138 = tpu.memref_slice %arg2[%dma_start3A_136, %dma_start3A_137] : memref<20000x128xf32, #tpu.memory_space<hbm>> -> memref<20000x128xf32, #tpu.memory_space<hbm>>
      tpu.enqueue_indirect_dma source(%dma_start3A_138 : memref<20000x128xf32, #tpu.memory_space<hbm>>) target(%arg9 : memref<100x128xf32, #tpu.memory_space<vmem>>) offsets(%dma_start3A_135 : memref<100xi32, #tpu.memory_space<vmem>>) semaphore(%arg13 : memref<!tpu.dma_semaphore, #tpu.memory_space<semaphore_mem>>)
    }
    %scan3A_30 = arith.constant 49 : i32
    %dma_wait3A = arith.constant 98 : i32
    %dma_wait3A_31 = arith.constant 0 : i32
    %dma_wait3A_32 = tpu.memref_slice %arg6[%dma_wait3A, %dma_wait3A_31] : memref<100x100xi32, #tpu.memory_space<vmem>> -> memref<1x100xi32, #tpu.memory_space<vmem>>
    %dma_wait3A_33 = tpu.memref_squeeze %dma_wait3A_32 : memref<1x100xi32, #tpu.memory_space<vmem>> -> memref<100xi32, #tpu.memory_space<vmem>>
    %dma_wait3A_34 = arith.constant 0 : i32
    %dma_wait3A_35 = arith.constant 0 : i32
    %dma_wait3A_36 = tpu.memref_slice %arg2[%dma_wait3A_34, %dma_wait3A_35] : memref<20000x128xf32, #tpu.memory_space<hbm>> -> memref<20000x128xf32, #tpu.memory_space<hbm>>
    tpu.wait_indirect_dma semaphore(%arg12 : memref<!tpu.dma_semaphore, #tpu.memory_space<semaphore_mem>>) src(%dma_wait3A_36 : memref<20000x128xf32, #tpu.memory_space<hbm>>) dst(%arg8 : memref<100x128xf32, #tpu.memory_space<vmem>>)
    %run_scoped3A_37 = arith.constant 98 : i32
    "tpu.region"() ({
      %run_scoped3A_106 = tpu.sem_alloc : memref<!tpu.dma_semaphore, #tpu.memory_space<semaphore_mem>>
      %dma_start3A_107 = arith.constant 0 : i32
      %dma_start3A_108 = tpu.memref_slice %arg7[%run_scoped3A_37, %dma_start3A_107] : memref<100x100xi32, #tpu.memory_space<vmem>> -> memref<1x100xi32, #tpu.memory_space<vmem>>
      %dma_start3A_109 = tpu.memref_squeeze %dma_start3A_108 : memref<1x100xi32, #tpu.memory_space<vmem>> -> memref<100xi32, #tpu.memory_space<vmem>>
      %dma_start3A_110 = arith.constant 0 : i32
      %dma_start3A_111 = arith.constant 0 : i32
      %dma_start3A_112 = tpu.memref_slice %arg11[%dma_start3A_110, %dma_start3A_111] : memref<5376x128xf32, #tpu.memory_space<vmem_shared>> -> memref<5376x128xf32, #tpu.memory_space<vmem_shared>>
      tpu.enqueue_indirect_dma source(%arg8 : memref<100x128xf32, #tpu.memory_space<vmem>>) target(%dma_start3A_112 : memref<5376x128xf32, #tpu.memory_space<vmem_shared>>) offsets(%dma_start3A_109 : memref<100xi32, #tpu.memory_space<vmem>>) semaphore(%run_scoped3A_106 : memref<!tpu.dma_semaphore, #tpu.memory_space<semaphore_mem>>) {add = true}
      %dma_wait3A_113 = arith.constant 0 : i32
      %dma_wait3A_114 = tpu.memref_slice %arg7[%run_scoped3A_37, %dma_wait3A_113] : memref<100x100xi32, #tpu.memory_space<vmem>> -> memref<1x100xi32, #tpu.memory_space<vmem>>
      %dma_wait3A_115 = tpu.memref_squeeze %dma_wait3A_114 : memref<1x100xi32, #tpu.memory_space<vmem>> -> memref<100xi32, #tpu.memory_space<vmem>>
      %dma_wait3A_116 = arith.constant 0 : i32
      %dma_wait3A_117 = arith.constant 0 : i32
      %dma_wait3A_118 = tpu.memref_slice %arg11[%dma_wait3A_116, %dma_wait3A_117] : memref<5376x128xf32, #tpu.memory_space<vmem_shared>> -> memref<5376x128xf32, #tpu.memory_space<vmem_shared>>
      tpu.wait_indirect_dma semaphore(%run_scoped3A_106 : memref<!tpu.dma_semaphore, #tpu.memory_space<semaphore_mem>>) src(%arg8 : memref<100x128xf32, #tpu.memory_space<vmem>>) dst(%dma_wait3A_118 : memref<5376x128xf32, #tpu.memory_space<vmem_shared>>)
      tpu.yield
    }) : () -> ()
    %dma_wait3A_38 = arith.constant 99 : i32
    %dma_wait3A_39 = arith.constant 0 : i32
    %dma_wait3A_40 = tpu.memref_slice %arg6[%dma_wait3A_38, %dma_wait3A_39] : memref<100x100xi32, #tpu.memory_space<vmem>> -> memref<1x100xi32, #tpu.memory_space<vmem>>
    %dma_wait3A_41 = tpu.memref_squeeze %dma_wait3A_40 : memref<1x100xi32, #tpu.memory_space<vmem>> -> memref<100xi32, #tpu.memory_space<vmem>>
    %dma_wait3A_42 = arith.constant 0 : i32
    %dma_wait3A_43 = arith.constant 0 : i32
    %dma_wait3A_44 = tpu.memref_slice %arg2[%dma_wait3A_42, %dma_wait3A_43] : memref<20000x128xf32, #tpu.memory_space<hbm>> -> memref<20000x128xf32, #tpu.memory_space<hbm>>
    tpu.wait_indirect_dma semaphore(%arg13 : memref<!tpu.dma_semaphore, #tpu.memory_space<semaphore_mem>>) src(%dma_wait3A_44 : memref<20000x128xf32, #tpu.memory_space<hbm>>) dst(%arg9 : memref<100x128xf32, #tpu.memory_space<vmem>>)
    %run_scoped3A_45 = arith.constant 99 : i32
    "tpu.region"() ({
      %run_scoped3A_106 = tpu.sem_alloc : memref<!tpu.dma_semaphore, #tpu.memory_space<semaphore_mem>>
      %dma_start3A_107 = arith.constant 0 : i32
      %dma_start3A_108 = tpu.memref_slice %arg7[%run_scoped3A_45, %dma_start3A_107] : memref<100x100xi32, #tpu.memory_space<vmem>> -> memref<1x100xi32, #tpu.memory_space<vmem>>
      %dma_start3A_109 = tpu.memref_squeeze %dma_start3A_108 : memref<1x100xi32, #tpu.memory_space<vmem>> -> memref<100xi32, #tpu.memory_space<vmem>>
      %dma_start3A_110 = arith.constant 0 : i32
      %dma_start3A_111 = arith.constant 0 : i32
      %dma_start3A_112 = tpu.memref_slice %arg11[%dma_start3A_110, %dma_start3A_111] : memref<5376x128xf32, #tpu.memory_space<vmem_shared>> -> memref<5376x128xf32, #tpu.memory_space<vmem_shared>>
      tpu.enqueue_indirect_dma source(%arg9 : memref<100x128xf32, #tpu.memory_space<vmem>>) target(%dma_start3A_112 : memref<5376x128xf32, #tpu.memory_space<vmem_shared>>) offsets(%dma_start3A_109 : memref<100xi32, #tpu.memory_space<vmem>>) semaphore(%run_scoped3A_106 : memref<!tpu.dma_semaphore, #tpu.memory_space<semaphore_mem>>) {add = true}
      %dma_wait3A_113 = arith.constant 0 : i32
      %dma_wait3A_114 = tpu.memref_slice %arg7[%run_scoped3A_45, %dma_wait3A_113] : memref<100x100xi32, #tpu.memory_space<vmem>> -> memref<1x100xi32, #tpu.memory_space<vmem>>
      %dma_wait3A_115 = tpu.memref_squeeze %dma_wait3A_114 : memref<1x100xi32, #tpu.memory_space<vmem>> -> memref<100xi32, #tpu.memory_space<vmem>>
      %dma_wait3A_116 = arith.constant 0 : i32
      %dma_wait3A_117 = arith.constant 0 : i32
      %dma_wait3A_118 = tpu.memref_slice %arg11[%dma_wait3A_116, %dma_wait3A_117] : memref<5376x128xf32, #tpu.memory_space<vmem_shared>> -> memref<5376x128xf32, #tpu.memory_space<vmem_shared>>
      tpu.wait_indirect_dma semaphore(%run_scoped3A_106 : memref<!tpu.dma_semaphore, #tpu.memory_space<semaphore_mem>>) src(%arg9 : memref<100x128xf32, #tpu.memory_space<vmem>>) dst(%dma_wait3A_118 : memref<5376x128xf32, #tpu.memory_space<vmem_shared>>)
      tpu.yield
    }) : () -> ()
    %barrier3A_46 = arith.constant 0 : index
    tpu.barrier barrier_id(%barrier3A_46)
    %scan3A_47 = arith.constant 0 : i32
    %scan3A_48 = arith.constant 0 : i32
    %scan3A_49 = arith.constant 2 : i32
    %scan3A_50 = arith.addi %scan3A_48, %scan3A_49 : i32
    %scan3A_51 = arith.constant 1 : i32
    scf.for %scan3A_106 = %scan3A_48 to %scan3A_50 step %scan3A_51  : i32 {
      %mul3A = arith.constant 320 : i32
      %mul3A_107 = arith.muli %arg1, %mul3A : i32
      %mul3A_108 = arith.constant 160 : i32
      %mul3A_109 = arith.muli %scan3A_106, %mul3A_108 : i32
      %add3A = arith.addi %mul3A_107, %mul3A_109 : i32
      %mul3A_110 = arith.constant 320 : i32
      %mul3A_111 = arith.muli %arg1, %mul3A_110 : i32
      %add3A_112 = arith.constant 0 : i32
      %add3A_113 = arith.addi %add3A_112, %mul3A_111 : i32
      %mul3A_114 = arith.constant 160 : i32
      %mul3A_115 = arith.muli %scan3A_106, %mul3A_114 : i32
      %add3A_116 = arith.addi %add3A_113, %mul3A_115 : i32
      "tpu.region"() ({
        %run_scoped3A_117 = tpu.sem_alloc : memref<!tpu.dma_semaphore, #tpu.memory_space<semaphore_mem>>
        %dma_start3A_118 = arith.constant 0 : i32
        %dma_start3A_119 = tpu.memref_slice %arg5[%arg0, %add3A_116, %dma_start3A_118] : memref<2x10240x128xf32, #tpu.memory_space<hbm>> -> memref<1x160x128xf32, #tpu.memory_space<hbm>>
        %dma_start3A_120 = tpu.memref_squeeze %dma_start3A_119 : memref<1x160x128xf32, #tpu.memory_space<hbm>> -> memref<160x128xf32, #tpu.memory_space<hbm>>
        %dma_start3A_121 = arith.constant 0 : i32
        %dma_start3A_122 = tpu.memref_slice %arg11[%add3A, %dma_start3A_121] : memref<5376x128xf32, #tpu.memory_space<vmem_shared>> -> memref<160x128xf32, #tpu.memory_space<vmem_shared>>
        tpu.enqueue_dma source(%dma_start3A_122 : memref<160x128xf32, #tpu.memory_space<vmem_shared>>) target(%dma_start3A_120 : memref<160x128xf32, #tpu.memory_space<hbm>>) target_semaphore(%run_scoped3A_117 : memref<!tpu.dma_semaphore, #tpu.memory_space<semaphore_mem>>)
        %dma_wait3A_123 = arith.constant 0 : i32
        %dma_wait3A_124 = tpu.memref_slice %arg5[%arg0, %add3A_116, %dma_wait3A_123] : memref<2x10240x128xf32, #tpu.memory_space<hbm>> -> memref<1x160x128xf32, #tpu.memory_space<hbm>>
        %dma_wait3A_125 = tpu.memref_squeeze %dma_wait3A_124 : memref<1x160x128xf32, #tpu.memory_space<hbm>> -> memref<160x128xf32, #tpu.memory_space<hbm>>
        %dma_wait3A_126 = arith.constant 0 : i32
        %dma_wait3A_127 = tpu.memref_slice %arg11[%add3A, %dma_wait3A_126] : memref<5376x128xf32, #tpu.memory_space<vmem_shared>> -> memref<160x128xf32, #tpu.memory_space<vmem_shared>>
        tpu.wait_dma2 semaphore(%run_scoped3A_117 : memref<!tpu.dma_semaphore, #tpu.memory_space<semaphore_mem>>) src(%dma_wait3A_127 : memref<160x128xf32, #tpu.memory_space<vmem_shared>>) dst(%dma_wait3A_125 : memref<160x128xf32, #tpu.memory_space<hbm>>)
        tpu.yield
      }) : () -> ()
    }
    %scan3A_52 = arith.constant 2 : i32
    %barrier3A_53 = arith.constant 0 : index
    tpu.barrier barrier_id(%barrier3A_53)
    %run_scoped3A_54 = arith.constant 1 : i32
    "tpu.region"() ({
      %run_scoped3A_106 = tpu.sem_alloc : memref<!tpu.dma_semaphore, #tpu.memory_space<semaphore_mem>>
      %dma_start3A_107 = arith.constant 0 : i32
      %dma_start3A_108 = arith.constant 0 : i32
      %dma_start3A_109 = tpu.memref_slice %arg4[%run_scoped3A_54, %arg1, %dma_start3A_107, %dma_start3A_108] : memref<2x16x100x100xi32, #tpu.memory_space<hbm>> -> memref<1x1x100x100xi32, #tpu.memory_space<hbm>>
      %dma_start3A_110 = tpu.memref_squeeze %dma_start3A_109 : memref<1x1x100x100xi32, #tpu.memory_space<hbm>> -> memref<100x100xi32, #tpu.memory_space<hbm>>
      %dma_start3A_111 = arith.constant 0 : i32
      %dma_start3A_112 = arith.constant 0 : i32
      %dma_start3A_113 = tpu.memref_slice %arg4[%run_scoped3A_54, %arg1, %dma_start3A_111, %dma_start3A_112] : memref<2x16x100x100xi32, #tpu.memory_space<hbm>> -> memref<1x1x100x100xi32, #tpu.memory_space<hbm>>
      %dma_start3A_114 = tpu.memref_squeeze %dma_start3A_113 : memref<1x1x100x100xi32, #tpu.memory_space<hbm>> -> memref<100x100xi32, #tpu.memory_space<hbm>>
      tpu.enqueue_dma source(%dma_start3A_114 : memref<100x100xi32, #tpu.memory_space<hbm>>) target(%arg7 : memref<100x100xi32, #tpu.memory_space<vmem>>) target_semaphore(%run_scoped3A_106 : memref<!tpu.dma_semaphore, #tpu.memory_space<semaphore_mem>>)
      %dma_wait3A_115 = arith.constant 0 : i32
      %dma_wait3A_116 = arith.constant 0 : i32
      %dma_wait3A_117 = tpu.memref_slice %arg4[%run_scoped3A_54, %arg1, %dma_wait3A_115, %dma_wait3A_116] : memref<2x16x100x100xi32, #tpu.memory_space<hbm>> -> memref<1x1x100x100xi32, #tpu.memory_space<hbm>>
      %dma_wait3A_118 = tpu.memref_squeeze %dma_wait3A_117 : memref<1x1x100x100xi32, #tpu.memory_space<hbm>> -> memref<100x100xi32, #tpu.memory_space<hbm>>
      %dma_wait3A_119 = arith.constant 0 : i32
      %dma_wait3A_120 = arith.constant 0 : i32
      %dma_wait3A_121 = tpu.memref_slice %arg4[%run_scoped3A_54, %arg1, %dma_wait3A_119, %dma_wait3A_120] : memref<2x16x100x100xi32, #tpu.memory_space<hbm>> -> memref<1x1x100x100xi32, #tpu.memory_space<hbm>>
      %dma_wait3A_122 = tpu.memref_squeeze %dma_wait3A_121 : memref<1x1x100x100xi32, #tpu.memory_space<hbm>> -> memref<100x100xi32, #tpu.memory_space<hbm>>
      tpu.wait_dma2 semaphore(%run_scoped3A_106 : memref<!tpu.dma_semaphore, #tpu.memory_space<semaphore_mem>>) src(%dma_wait3A_122 : memref<100x100xi32, #tpu.memory_space<hbm>>) dst(%arg7 : memref<100x100xi32, #tpu.memory_space<vmem>>)
      tpu.yield
    }) : () -> ()
    %scan3A_55 = arith.constant 0 : i32
    %scan3A_56 = arith.constant 0 : i32
    %scan3A_57 = arith.constant 2 : i32
    %scan3A_58 = arith.addi %scan3A_56, %scan3A_57 : i32
    %scan3A_59 = arith.constant 1 : i32
    scf.for %scan3A_106 = %scan3A_56 to %scan3A_58 step %scan3A_59  : i32 {
      %mul3A = arith.constant 336 : i32
      %mul3A_107 = arith.muli %arg1, %mul3A : i32
      %mul3A_108 = arith.constant 168 : i32
      %mul3A_109 = arith.muli %scan3A_106, %mul3A_108 : i32
      %add3A = arith.addi %mul3A_107, %mul3A_109 : i32
      "tpu.region"() ({
        %run_scoped3A_110 = tpu.sem_alloc : memref<!tpu.dma_semaphore, #tpu.memory_space<semaphore_mem>>
        %dma_start3A_111 = arith.constant 0 : i32
        %dma_start3A_112 = arith.constant 0 : i32
        %dma_start3A_113 = tpu.memref_slice %arg10[%dma_start3A_111, %dma_start3A_112] : memref<168x128xf32, #tpu.memory_space<vmem>> -> memref<168x128xf32, #tpu.memory_space<vmem>>
        %dma_start3A_114 = arith.constant 0 : i32
        %dma_start3A_115 = tpu.memref_slice %arg11[%add3A, %dma_start3A_114] : memref<5376x128xf32, #tpu.memory_space<vmem_shared>> -> memref<168x128xf32, #tpu.memory_space<vmem_shared>>
        %dma_start3A_116 = arith.constant 0 : i32
        %dma_start3A_117 = tpu.memref_slice %arg11[%add3A, %dma_start3A_116] : memref<5376x128xf32, #tpu.memory_space<vmem_shared>> -> memref<168x128xf32, #tpu.memory_space<vmem_shared>>
        %dma_start3A_118 = arith.constant 0 : i32
        %dma_start3A_119 = arith.constant 0 : i32
        %dma_start3A_120 = tpu.memref_slice %arg10[%dma_start3A_118, %dma_start3A_119] : memref<168x128xf32, #tpu.memory_space<vmem>> -> memref<168x128xf32, #tpu.memory_space<vmem>>
        tpu.enqueue_dma source(%dma_start3A_120 : memref<168x128xf32, #tpu.memory_space<vmem>>) target(%dma_start3A_117 : memref<168x128xf32, #tpu.memory_space<vmem_shared>>) target_semaphore(%run_scoped3A_110 : memref<!tpu.dma_semaphore, #tpu.memory_space<semaphore_mem>>)
        %dma_wait3A_121 = arith.constant 0 : i32
        %dma_wait3A_122 = arith.constant 0 : i32
        %dma_wait3A_123 = tpu.memref_slice %arg10[%dma_wait3A_121, %dma_wait3A_122] : memref<168x128xf32, #tpu.memory_space<vmem>> -> memref<168x128xf32, #tpu.memory_space<vmem>>
        %dma_wait3A_124 = arith.constant 0 : i32
        %dma_wait3A_125 = tpu.memref_slice %arg11[%add3A, %dma_wait3A_124] : memref<5376x128xf32, #tpu.memory_space<vmem_shared>> -> memref<168x128xf32, #tpu.memory_space<vmem_shared>>
        %dma_wait3A_126 = arith.constant 0 : i32
        %dma_wait3A_127 = tpu.memref_slice %arg11[%add3A, %dma_wait3A_126] : memref<5376x128xf32, #tpu.memory_space<vmem_shared>> -> memref<168x128xf32, #tpu.memory_space<vmem_shared>>
        %dma_wait3A_128 = arith.constant 0 : i32
        %dma_wait3A_129 = arith.constant 0 : i32
        %dma_wait3A_130 = tpu.memref_slice %arg10[%dma_wait3A_128, %dma_wait3A_129] : memref<168x128xf32, #tpu.memory_space<vmem>> -> memref<168x128xf32, #tpu.memory_space<vmem>>
        tpu.wait_dma2 semaphore(%run_scoped3A_110 : memref<!tpu.dma_semaphore, #tpu.memory_space<semaphore_mem>>) src(%dma_wait3A_130 : memref<168x128xf32, #tpu.memory_space<vmem>>) dst(%dma_wait3A_127 : memref<168x128xf32, #tpu.memory_space<vmem_shared>>)
        tpu.yield
      }) : () -> ()
    }
    %scan3A_60 = arith.constant 2 : i32
    %barrier3A_61 = arith.constant 0 : index
    tpu.barrier barrier_id(%barrier3A_61)
    %dma_start3A_62 = arith.constant 0 : i32
    %dma_start3A_63 = arith.constant 0 : i32
    %dma_start3A_64 = tpu.memref_slice %arg6[%dma_start3A_62, %dma_start3A_63] : memref<100x100xi32, #tpu.memory_space<vmem>> -> memref<1x100xi32, #tpu.memory_space<vmem>>
    %dma_start3A_65 = tpu.memref_squeeze %dma_start3A_64 : memref<1x100xi32, #tpu.memory_space<vmem>> -> memref<100xi32, #tpu.memory_space<vmem>>
    %dma_start3A_66 = arith.constant 0 : i32
    %dma_start3A_67 = arith.constant 0 : i32
    %dma_start3A_68 = tpu.memref_slice %arg2[%dma_start3A_66, %dma_start3A_67] : memref<20000x128xf32, #tpu.memory_space<hbm>> -> memref<20000x128xf32, #tpu.memory_space<hbm>>
    tpu.enqueue_indirect_dma source(%dma_start3A_68 : memref<20000x128xf32, #tpu.memory_space<hbm>>) target(%arg8 : memref<100x128xf32, #tpu.memory_space<vmem>>) offsets(%dma_start3A_65 : memref<100xi32, #tpu.memory_space<vmem>>) semaphore(%arg12 : memref<!tpu.dma_semaphore, #tpu.memory_space<semaphore_mem>>)
    %dma_start3A_69 = arith.constant 1 : i32
    %dma_start3A_70 = arith.constant 0 : i32
    %dma_start3A_71 = tpu.memref_slice %arg6[%dma_start3A_69, %dma_start3A_70] : memref<100x100xi32, #tpu.memory_space<vmem>> -> memref<1x100xi32, #tpu.memory_space<vmem>>
    %dma_start3A_72 = tpu.memref_squeeze %dma_start3A_71 : memref<1x100xi32, #tpu.memory_space<vmem>> -> memref<100xi32, #tpu.memory_space<vmem>>
    %dma_start3A_73 = arith.constant 0 : i32
    %dma_start3A_74 = arith.constant 0 : i32
    %dma_start3A_75 = tpu.memref_slice %arg2[%dma_start3A_73, %dma_start3A_74] : memref<20000x128xf32, #tpu.memory_space<hbm>> -> memref<20000x128xf32, #tpu.memory_space<hbm>>
    tpu.enqueue_indirect_dma source(%dma_start3A_75 : memref<20000x128xf32, #tpu.memory_space<hbm>>) target(%arg9 : memref<100x128xf32, #tpu.memory_space<vmem>>) offsets(%dma_start3A_72 : memref<100xi32, #tpu.memory_space<vmem>>) semaphore(%arg13 : memref<!tpu.dma_semaphore, #tpu.memory_space<semaphore_mem>>)
    %scan3A_76 = arith.constant 0 : i32
    %scan3A_77 = arith.constant 0 : i32
    %scan3A_78 = arith.constant 49 : i32
    %scan3A_79 = arith.addi %scan3A_77, %scan3A_78 : i32
    %scan3A_80 = arith.constant 1 : i32
    scf.for %scan3A_106 = %scan3A_77 to %scan3A_79 step %scan3A_80  : i32 {
      %mul3A = arith.constant 2 : i32
      %mul3A_107 = arith.muli %mul3A, %scan3A_106 : i32
      %dma_wait3A_108 = arith.constant 0 : i32
      %dma_wait3A_109 = tpu.memref_slice %arg6[%mul3A_107, %dma_wait3A_108] : memref<100x100xi32, #tpu.memory_space<vmem>> -> memref<1x100xi32, #tpu.memory_space<vmem>>
      %dma_wait3A_110 = tpu.memref_squeeze %dma_wait3A_109 : memref<1x100xi32, #tpu.memory_space<vmem>> -> memref<100xi32, #tpu.memory_space<vmem>>
      %dma_wait3A_111 = arith.constant 0 : i32
      %dma_wait3A_112 = arith.constant 0 : i32
      %dma_wait3A_113 = tpu.memref_slice %arg2[%dma_wait3A_111, %dma_wait3A_112] : memref<20000x128xf32, #tpu.memory_space<hbm>> -> memref<20000x128xf32, #tpu.memory_space<hbm>>
      tpu.wait_indirect_dma semaphore(%arg12 : memref<!tpu.dma_semaphore, #tpu.memory_space<semaphore_mem>>) src(%dma_wait3A_113 : memref<20000x128xf32, #tpu.memory_space<hbm>>) dst(%arg8 : memref<100x128xf32, #tpu.memory_space<vmem>>)
      "tpu.region"() ({
        %run_scoped3A_139 = tpu.sem_alloc : memref<!tpu.dma_semaphore, #tpu.memory_space<semaphore_mem>>
        %dma_start3A_140 = arith.constant 0 : i32
        %dma_start3A_141 = tpu.memref_slice %arg7[%mul3A_107, %dma_start3A_140] : memref<100x100xi32, #tpu.memory_space<vmem>> -> memref<1x100xi32, #tpu.memory_space<vmem>>
        %dma_start3A_142 = tpu.memref_squeeze %dma_start3A_141 : memref<1x100xi32, #tpu.memory_space<vmem>> -> memref<100xi32, #tpu.memory_space<vmem>>
        %dma_start3A_143 = arith.constant 0 : i32
        %dma_start3A_144 = arith.constant 0 : i32
        %dma_start3A_145 = tpu.memref_slice %arg11[%dma_start3A_143, %dma_start3A_144] : memref<5376x128xf32, #tpu.memory_space<vmem_shared>> -> memref<5376x128xf32, #tpu.memory_space<vmem_shared>>
        tpu.enqueue_indirect_dma source(%arg8 : memref<100x128xf32, #tpu.memory_space<vmem>>) target(%dma_start3A_145 : memref<5376x128xf32, #tpu.memory_space<vmem_shared>>) offsets(%dma_start3A_142 : memref<100xi32, #tpu.memory_space<vmem>>) semaphore(%run_scoped3A_139 : memref<!tpu.dma_semaphore, #tpu.memory_space<semaphore_mem>>) {add = true}
        %dma_wait3A_146 = arith.constant 0 : i32
        %dma_wait3A_147 = tpu.memref_slice %arg7[%mul3A_107, %dma_wait3A_146] : memref<100x100xi32, #tpu.memory_space<vmem>> -> memref<1x100xi32, #tpu.memory_space<vmem>>
        %dma_wait3A_148 = tpu.memref_squeeze %dma_wait3A_147 : memref<1x100xi32, #tpu.memory_space<vmem>> -> memref<100xi32, #tpu.memory_space<vmem>>
        %dma_wait3A_149 = arith.constant 0 : i32
        %dma_wait3A_150 = arith.constant 0 : i32
        %dma_wait3A_151 = tpu.memref_slice %arg11[%dma_wait3A_149, %dma_wait3A_150] : memref<5376x128xf32, #tpu.memory_space<vmem_shared>> -> memref<5376x128xf32, #tpu.memory_space<vmem_shared>>
        tpu.wait_indirect_dma semaphore(%run_scoped3A_139 : memref<!tpu.dma_semaphore, #tpu.memory_space<semaphore_mem>>) src(%arg8 : memref<100x128xf32, #tpu.memory_space<vmem>>) dst(%dma_wait3A_151 : memref<5376x128xf32, #tpu.memory_space<vmem_shared>>)
        tpu.yield
      }) : () -> ()
      %add3A = arith.constant 2 : i32
      %add3A_114 = arith.addi %mul3A_107, %add3A : i32
      %dma_start3A_115 = arith.constant 0 : i32
      %dma_start3A_116 = tpu.memref_slice %arg6[%add3A_114, %dma_start3A_115] : memref<100x100xi32, #tpu.memory_space<vmem>> -> memref<1x100xi32, #tpu.memory_space<vmem>>
      %dma_start3A_117 = tpu.memref_squeeze %dma_start3A_116 : memref<1x100xi32, #tpu.memory_space<vmem>> -> memref<100xi32, #tpu.memory_space<vmem>>
      %dma_start3A_118 = arith.constant 0 : i32
      %dma_start3A_119 = arith.constant 0 : i32
      %dma_start3A_120 = tpu.memref_slice %arg2[%dma_start3A_118, %dma_start3A_119] : memref<20000x128xf32, #tpu.memory_space<hbm>> -> memref<20000x128xf32, #tpu.memory_space<hbm>>
      tpu.enqueue_indirect_dma source(%dma_start3A_120 : memref<20000x128xf32, #tpu.memory_space<hbm>>) target(%arg8 : memref<100x128xf32, #tpu.memory_space<vmem>>) offsets(%dma_start3A_117 : memref<100xi32, #tpu.memory_space<vmem>>) semaphore(%arg12 : memref<!tpu.dma_semaphore, #tpu.memory_space<semaphore_mem>>)
      %add3A_121 = arith.constant 1 : i32
      %add3A_122 = arith.addi %mul3A_107, %add3A_121 : i32
      %dma_wait3A_123 = arith.constant 0 : i32
      %dma_wait3A_124 = tpu.memref_slice %arg6[%add3A_122, %dma_wait3A_123] : memref<100x100xi32, #tpu.memory_space<vmem>> -> memref<1x100xi32, #tpu.memory_space<vmem>>
      %dma_wait3A_125 = tpu.memref_squeeze %dma_wait3A_124 : memref<1x100xi32, #tpu.memory_space<vmem>> -> memref<100xi32, #tpu.memory_space<vmem>>
      %dma_wait3A_126 = arith.constant 0 : i32
      %dma_wait3A_127 = arith.constant 0 : i32
      %dma_wait3A_128 = tpu.memref_slice %arg2[%dma_wait3A_126, %dma_wait3A_127] : memref<20000x128xf32, #tpu.memory_space<hbm>> -> memref<20000x128xf32, #tpu.memory_space<hbm>>
      tpu.wait_indirect_dma semaphore(%arg13 : memref<!tpu.dma_semaphore, #tpu.memory_space<semaphore_mem>>) src(%dma_wait3A_128 : memref<20000x128xf32, #tpu.memory_space<hbm>>) dst(%arg9 : memref<100x128xf32, #tpu.memory_space<vmem>>)
      %add3A_129 = arith.constant 1 : i32
      %add3A_130 = arith.addi %mul3A_107, %add3A_129 : i32
      "tpu.region"() ({
        %run_scoped3A_139 = tpu.sem_alloc : memref<!tpu.dma_semaphore, #tpu.memory_space<semaphore_mem>>
        %dma_start3A_140 = arith.constant 0 : i32
        %dma_start3A_141 = tpu.memref_slice %arg7[%add3A_130, %dma_start3A_140] : memref<100x100xi32, #tpu.memory_space<vmem>> -> memref<1x100xi32, #tpu.memory_space<vmem>>
        %dma_start3A_142 = tpu.memref_squeeze %dma_start3A_141 : memref<1x100xi32, #tpu.memory_space<vmem>> -> memref<100xi32, #tpu.memory_space<vmem>>
        %dma_start3A_143 = arith.constant 0 : i32
        %dma_start3A_144 = arith.constant 0 : i32
        %dma_start3A_145 = tpu.memref_slice %arg11[%dma_start3A_143, %dma_start3A_144] : memref<5376x128xf32, #tpu.memory_space<vmem_shared>> -> memref<5376x128xf32, #tpu.memory_space<vmem_shared>>
        tpu.enqueue_indirect_dma source(%arg9 : memref<100x128xf32, #tpu.memory_space<vmem>>) target(%dma_start3A_145 : memref<5376x128xf32, #tpu.memory_space<vmem_shared>>) offsets(%dma_start3A_142 : memref<100xi32, #tpu.memory_space<vmem>>) semaphore(%run_scoped3A_139 : memref<!tpu.dma_semaphore, #tpu.memory_space<semaphore_mem>>) {add = true}
        %dma_wait3A_146 = arith.constant 0 : i32
        %dma_wait3A_147 = tpu.memref_slice %arg7[%add3A_130, %dma_wait3A_146] : memref<100x100xi32, #tpu.memory_space<vmem>> -> memref<1x100xi32, #tpu.memory_space<vmem>>
        %dma_wait3A_148 = tpu.memref_squeeze %dma_wait3A_147 : memref<1x100xi32, #tpu.memory_space<vmem>> -> memref<100xi32, #tpu.memory_space<vmem>>
        %dma_wait3A_149 = arith.constant 0 : i32
        %dma_wait3A_150 = arith.constant 0 : i32
        %dma_wait3A_151 = tpu.memref_slice %arg11[%dma_wait3A_149, %dma_wait3A_150] : memref<5376x128xf32, #tpu.memory_space<vmem_shared>> -> memref<5376x128xf32, #tpu.memory_space<vmem_shared>>
        tpu.wait_indirect_dma semaphore(%run_scoped3A_139 : memref<!tpu.dma_semaphore, #tpu.memory_space<semaphore_mem>>) src(%arg9 : memref<100x128xf32, #tpu.memory_space<vmem>>) dst(%dma_wait3A_151 : memref<5376x128xf32, #tpu.memory_space<vmem_shared>>)
        tpu.yield
      }) : () -> ()
      %add3A_131 = arith.constant 3 : i32
      %add3A_132 = arith.addi %mul3A_107, %add3A_131 : i32
      %dma_start3A_133 = arith.constant 0 : i32
      %dma_start3A_134 = tpu.memref_slice %arg6[%add3A_132, %dma_start3A_133] : memref<100x100xi32, #tpu.memory_space<vmem>> -> memref<1x100xi32, #tpu.memory_space<vmem>>
      %dma_start3A_135 = tpu.memref_squeeze %dma_start3A_134 : memref<1x100xi32, #tpu.memory_space<vmem>> -> memref<100xi32, #tpu.memory_space<vmem>>
      %dma_start3A_136 = arith.constant 0 : i32
      %dma_start3A_137 = arith.constant 0 : i32
      %dma_start3A_138 = tpu.memref_slice %arg2[%dma_start3A_136, %dma_start3A_137] : memref<20000x128xf32, #tpu.memory_space<hbm>> -> memref<20000x128xf32, #tpu.memory_space<hbm>>
      tpu.enqueue_indirect_dma source(%dma_start3A_138 : memref<20000x128xf32, #tpu.memory_space<hbm>>) target(%arg9 : memref<100x128xf32, #tpu.memory_space<vmem>>) offsets(%dma_start3A_135 : memref<100xi32, #tpu.memory_space<vmem>>) semaphore(%arg13 : memref<!tpu.dma_semaphore, #tpu.memory_space<semaphore_mem>>)
    }
    %scan3A_81 = arith.constant 49 : i32
    %dma_wait3A_82 = arith.constant 98 : i32
    %dma_wait3A_83 = arith.constant 0 : i32
    %dma_wait3A_84 = tpu.memref_slice %arg6[%dma_wait3A_82, %dma_wait3A_83] : memref<100x100xi32, #tpu.memory_space<vmem>> -> memref<1x100xi32, #tpu.memory_space<vmem>>
    %dma_wait3A_85 = tpu.memref_squeeze %dma_wait3A_84 : memref<1x100xi32, #tpu.memory_space<vmem>> -> memref<100xi32, #tpu.memory_space<vmem>>
    %dma_wait3A_86 = arith.constant 0 : i32
    %dma_wait3A_87 = arith.constant 0 : i32
    %dma_wait3A_88 = tpu.memref_slice %arg2[%dma_wait3A_86, %dma_wait3A_87] : memref<20000x128xf32, #tpu.memory_space<hbm>> -> memref<20000x128xf32, #tpu.memory_space<hbm>>
    tpu.wait_indirect_dma semaphore(%arg12 : memref<!tpu.dma_semaphore, #tpu.memory_space<semaphore_mem>>) src(%dma_wait3A_88 : memref<20000x128xf32, #tpu.memory_space<hbm>>) dst(%arg8 : memref<100x128xf32, #tpu.memory_space<vmem>>)
    %run_scoped3A_89 = arith.constant 98 : i32
    "tpu.region"() ({
      %run_scoped3A_106 = tpu.sem_alloc : memref<!tpu.dma_semaphore, #tpu.memory_space<semaphore_mem>>
      %dma_start3A_107 = arith.constant 0 : i32
      %dma_start3A_108 = tpu.memref_slice %arg7[%run_scoped3A_89, %dma_start3A_107] : memref<100x100xi32, #tpu.memory_space<vmem>> -> memref<1x100xi32, #tpu.memory_space<vmem>>
      %dma_start3A_109 = tpu.memref_squeeze %dma_start3A_108 : memref<1x100xi32, #tpu.memory_space<vmem>> -> memref<100xi32, #tpu.memory_space<vmem>>
      %dma_start3A_110 = arith.constant 0 : i32
      %dma_start3A_111 = arith.constant 0 : i32
      %dma_start3A_112 = tpu.memref_slice %arg11[%dma_start3A_110, %dma_start3A_111] : memref<5376x128xf32, #tpu.memory_space<vmem_shared>> -> memref<5376x128xf32, #tpu.memory_space<vmem_shared>>
      tpu.enqueue_indirect_dma source(%arg8 : memref<100x128xf32, #tpu.memory_space<vmem>>) target(%dma_start3A_112 : memref<5376x128xf32, #tpu.memory_space<vmem_shared>>) offsets(%dma_start3A_109 : memref<100xi32, #tpu.memory_space<vmem>>) semaphore(%run_scoped3A_106 : memref<!tpu.dma_semaphore, #tpu.memory_space<semaphore_mem>>) {add = true}
      %dma_wait3A_113 = arith.constant 0 : i32
      %dma_wait3A_114 = tpu.memref_slice %arg7[%run_scoped3A_89, %dma_wait3A_113] : memref<100x100xi32, #tpu.memory_space<vmem>> -> memref<1x100xi32, #tpu.memory_space<vmem>>
      %dma_wait3A_115 = tpu.memref_squeeze %dma_wait3A_114 : memref<1x100xi32, #tpu.memory_space<vmem>> -> memref<100xi32, #tpu.memory_space<vmem>>
      %dma_wait3A_116 = arith.constant 0 : i32
      %dma_wait3A_117 = arith.constant 0 : i32
      %dma_wait3A_118 = tpu.memref_slice %arg11[%dma_wait3A_116, %dma_wait3A_117] : memref<5376x128xf32, #tpu.memory_space<vmem_shared>> -> memref<5376x128xf32, #tpu.memory_space<vmem_shared>>
      tpu.wait_indirect_dma semaphore(%run_scoped3A_106 : memref<!tpu.dma_semaphore, #tpu.memory_space<semaphore_mem>>) src(%arg8 : memref<100x128xf32, #tpu.memory_space<vmem>>) dst(%dma_wait3A_118 : memref<5376x128xf32, #tpu.memory_space<vmem_shared>>)
      tpu.yield
    }) : () -> ()
    %dma_wait3A_90 = arith.constant 99 : i32
    %dma_wait3A_91 = arith.constant 0 : i32
    %dma_wait3A_92 = tpu.memref_slice %arg6[%dma_wait3A_90, %dma_wait3A_91] : memref<100x100xi32, #tpu.memory_space<vmem>> -> memref<1x100xi32, #tpu.memory_space<vmem>>
    %dma_wait3A_93 = tpu.memref_squeeze %dma_wait3A_92 : memref<1x100xi32, #tpu.memory_space<vmem>> -> memref<100xi32, #tpu.memory_space<vmem>>
    %dma_wait3A_94 = arith.constant 0 : i32
    %dma_wait3A_95 = arith.constant 0 : i32
    %dma_wait3A_96 = tpu.memref_slice %arg2[%dma_wait3A_94, %dma_wait3A_95] : memref<20000x128xf32, #tpu.memory_space<hbm>> -> memref<20000x128xf32, #tpu.memory_space<hbm>>
    tpu.wait_indirect_dma semaphore(%arg13 : memref<!tpu.dma_semaphore, #tpu.memory_space<semaphore_mem>>) src(%dma_wait3A_96 : memref<20000x128xf32, #tpu.memory_space<hbm>>) dst(%arg9 : memref<100x128xf32, #tpu.memory_space<vmem>>)
    %run_scoped3A_97 = arith.constant 99 : i32
    "tpu.region"() ({
      %run_scoped3A_106 = tpu.sem_alloc : memref<!tpu.dma_semaphore, #tpu.memory_space<semaphore_mem>>
      %dma_start3A_107 = arith.constant 0 : i32
      %dma_start3A_108 = tpu.memref_slice %arg7[%run_scoped3A_97, %dma_start3A_107] : memref<100x100xi32, #tpu.memory_space<vmem>> -> memref<1x100xi32, #tpu.memory_space<vmem>>
      %dma_start3A_109 = tpu.memref_squeeze %dma_start3A_108 : memref<1x100xi32, #tpu.memory_space<vmem>> -> memref<100xi32, #tpu.memory_space<vmem>>
      %dma_start3A_110 = arith.constant 0 : i32
      %dma_start3A_111 = arith.constant 0 : i32
      %dma_start3A_112 = tpu.memref_slice %arg11[%dma_start3A_110, %dma_start3A_111] : memref<5376x128xf32, #tpu.memory_space<vmem_shared>> -> memref<5376x128xf32, #tpu.memory_space<vmem_shared>>
      tpu.enqueue_indirect_dma source(%arg9 : memref<100x128xf32, #tpu.memory_space<vmem>>) target(%dma_start3A_112 : memref<5376x128xf32, #tpu.memory_space<vmem_shared>>) offsets(%dma_start3A_109 : memref<100xi32, #tpu.memory_space<vmem>>) semaphore(%run_scoped3A_106 : memref<!tpu.dma_semaphore, #tpu.memory_space<semaphore_mem>>) {add = true}
      %dma_wait3A_113 = arith.constant 0 : i32
      %dma_wait3A_114 = tpu.memref_slice %arg7[%run_scoped3A_97, %dma_wait3A_113] : memref<100x100xi32, #tpu.memory_space<vmem>> -> memref<1x100xi32, #tpu.memory_space<vmem>>
      %dma_wait3A_115 = tpu.memref_squeeze %dma_wait3A_114 : memref<1x100xi32, #tpu.memory_space<vmem>> -> memref<100xi32, #tpu.memory_space<vmem>>
      %dma_wait3A_116 = arith.constant 0 : i32
      %dma_wait3A_117 = arith.constant 0 : i32
      %dma_wait3A_118 = tpu.memref_slice %arg11[%dma_wait3A_116, %dma_wait3A_117] : memref<5376x128xf32, #tpu.memory_space<vmem_shared>> -> memref<5376x128xf32, #tpu.memory_space<vmem_shared>>
      tpu.wait_indirect_dma semaphore(%run_scoped3A_106 : memref<!tpu.dma_semaphore, #tpu.memory_space<semaphore_mem>>) src(%arg9 : memref<100x128xf32, #tpu.memory_space<vmem>>) dst(%dma_wait3A_118 : memref<5376x128xf32, #tpu.memory_space<vmem_shared>>)
      tpu.yield
    }) : () -> ()
    %barrier3A_98 = arith.constant 0 : index
    tpu.barrier barrier_id(%barrier3A_98)
    %scan3A_99 = arith.constant 0 : i32
    %scan3A_100 = arith.constant 0 : i32
    %scan3A_101 = arith.constant 2 : i32
    %scan3A_102 = arith.addi %scan3A_100, %scan3A_101 : i32
    %scan3A_103 = arith.constant 1 : i32
    scf.for %scan3A_106 = %scan3A_100 to %scan3A_102 step %scan3A_103  : i32 {
      %mul3A = arith.constant 320 : i32
      %mul3A_107 = arith.muli %arg1, %mul3A : i32
      %mul3A_108 = arith.constant 160 : i32
      %mul3A_109 = arith.muli %scan3A_106, %mul3A_108 : i32
      %add3A = arith.addi %mul3A_107, %mul3A_109 : i32
      %mul3A_110 = arith.constant 320 : i32
      %mul3A_111 = arith.muli %arg1, %mul3A_110 : i32
      %add3A_112 = arith.constant 5120 : i32
      %add3A_113 = arith.addi %add3A_112, %mul3A_111 : i32
      %mul3A_114 = arith.constant 160 : i32
      %mul3A_115 = arith.muli %scan3A_106, %mul3A_114 : i32
      %add3A_116 = arith.addi %add3A_113, %mul3A_115 : i32
      "tpu.region"() ({
        %run_scoped3A_117 = tpu.sem_alloc : memref<!tpu.dma_semaphore, #tpu.memory_space<semaphore_mem>>
        %dma_start3A_118 = arith.constant 0 : i32
        %dma_start3A_119 = tpu.memref_slice %arg5[%arg0, %add3A_116, %dma_start3A_118] : memref<2x10240x128xf32, #tpu.memory_space<hbm>> -> memref<1x160x128xf32, #tpu.memory_space<hbm>>
        %dma_start3A_120 = tpu.memref_squeeze %dma_start3A_119 : memref<1x160x128xf32, #tpu.memory_space<hbm>> -> memref<160x128xf32, #tpu.memory_space<hbm>>
        %dma_start3A_121 = arith.constant 0 : i32
        %dma_start3A_122 = tpu.memref_slice %arg11[%add3A, %dma_start3A_121] : memref<5376x128xf32, #tpu.memory_space<vmem_shared>> -> memref<160x128xf32, #tpu.memory_space<vmem_shared>>
        tpu.enqueue_dma source(%dma_start3A_122 : memref<160x128xf32, #tpu.memory_space<vmem_shared>>) target(%dma_start3A_120 : memref<160x128xf32, #tpu.memory_space<hbm>>) target_semaphore(%run_scoped3A_117 : memref<!tpu.dma_semaphore, #tpu.memory_space<semaphore_mem>>)
        %dma_wait3A_123 = arith.constant 0 : i32
        %dma_wait3A_124 = tpu.memref_slice %arg5[%arg0, %add3A_116, %dma_wait3A_123] : memref<2x10240x128xf32, #tpu.memory_space<hbm>> -> memref<1x160x128xf32, #tpu.memory_space<hbm>>
        %dma_wait3A_125 = tpu.memref_squeeze %dma_wait3A_124 : memref<1x160x128xf32, #tpu.memory_space<hbm>> -> memref<160x128xf32, #tpu.memory_space<hbm>>
        %dma_wait3A_126 = arith.constant 0 : i32
        %dma_wait3A_127 = tpu.memref_slice %arg11[%add3A, %dma_wait3A_126] : memref<5376x128xf32, #tpu.memory_space<vmem_shared>> -> memref<160x128xf32, #tpu.memory_space<vmem_shared>>
        tpu.wait_dma2 semaphore(%run_scoped3A_117 : memref<!tpu.dma_semaphore, #tpu.memory_space<semaphore_mem>>) src(%dma_wait3A_127 : memref<160x128xf32, #tpu.memory_space<vmem_shared>>) dst(%dma_wait3A_125 : memref<160x128xf32, #tpu.memory_space<hbm>>)
        tpu.yield
      }) : () -> ()
    }
    %scan3A_104 = arith.constant 2 : i32
    %barrier3A_105 = arith.constant 0 : index
    tpu.barrier barrier_id(%barrier3A_105)
    return
  }
}

#map = affine_map<(d0, d1) -> (0, 0, 0, 0, 0)>
#map1 = affine_map<(d0, d1) -> (0, 0, 0)>
module attributes {stable_mosaic.version = 14 : i64} {
  func.func @_deg_body(%arg0: i32, %arg1: i32, %arg2: memref<2x2x16x125x40xi32, #tpu.memory_space<hbm>>, %arg3: memref<2x10240x128xf32, #tpu.memory_space<hbm>>, %arg4: memref<125x40xi32, #tpu.memory_space<vmem>>, %arg5: memref<40x128xf32, #tpu.memory_space<vmem>>, %arg6: memref<168x128xf32, #tpu.memory_space<vmem>>, %arg7: memref<5376x128xf32, #tpu.memory_space<vmem_shared>>) attributes {dimension_semantics = [#tpu.dimension_semantics<core_parallel>, #tpu.dimension_semantics<subcore_parallel>], iteration_bounds = array<i64: 2, 16>, scalar_prefetch = 0 : i64, scratch_operands = 4 : i64, tpu.core_type = #tpu.core_type<sc_vector_subcore>, window_params = [{transform_indices = #map}, {transform_indices = #map1}]} {
    %broadcast_in_dim3A = arith.constant 1.000000e+00 : f32
    %broadcast_in_dim3A_0 = vector.broadcast %broadcast_in_dim3A : f32 to vector<16xf32>
    %scan3A = arith.constant 0 : i32
    %scan3A_1 = arith.constant 0 : i32
    %scan3A_2 = arith.constant 40 : i32
    %scan3A_3 = arith.addi %scan3A_1, %scan3A_2 : i32
    %scan3A_4 = arith.constant 1 : i32
    scf.for %scan3A_56 = %scan3A_1 to %scan3A_3 step %scan3A_4  : i32 {
      %swap3A = arith.index_cast %scan3A_56 : i32 to index
      %swap3A_57 = arith.constant 0 : index
      %swap3A_58 = tpu.vector_load %arg5[%swap3A, %swap3A_57] {strides = array<i32>} : memref<40x128xf32, #tpu.memory_space<vmem>>, vector<1x16xf32>,
      %swap3A_59 = vector.shape_cast %swap3A_58 : vector<1x16xf32> to vector<16xf32>
      %swap3A_60 = vector.shape_cast %broadcast_in_dim3A_0 : vector<16xf32> to vector<1x16xf32>
      tpu.vector_store %arg5[%swap3A, %swap3A_57], %swap3A_60 {strides = array<i32>} : memref<40x128xf32, #tpu.memory_space<vmem>>, vector<1x16xf32>,
      %swap3A_61 = arith.index_cast %scan3A_56 : i32 to index
      %swap3A_62 = arith.constant 16 : index
      %swap3A_63 = tpu.vector_load %arg5[%swap3A_61, %swap3A_62] {strides = array<i32>} : memref<40x128xf32, #tpu.memory_space<vmem>>, vector<1x16xf32>,
      %swap3A_64 = vector.shape_cast %swap3A_63 : vector<1x16xf32> to vector<16xf32>
      %swap3A_65 = vector.shape_cast %broadcast_in_dim3A_0 : vector<16xf32> to vector<1x16xf32>
      tpu.vector_store %arg5[%swap3A_61, %swap3A_62], %swap3A_65 {strides = array<i32>} : memref<40x128xf32, #tpu.memory_space<vmem>>, vector<1x16xf32>,
      %swap3A_66 = arith.index_cast %scan3A_56 : i32 to index
      %swap3A_67 = arith.constant 32 : index
      %swap3A_68 = tpu.vector_load %arg5[%swap3A_66, %swap3A_67] {strides = array<i32>} : memref<40x128xf32, #tpu.memory_space<vmem>>, vector<1x16xf32>,
      %swap3A_69 = vector.shape_cast %swap3A_68 : vector<1x16xf32> to vector<16xf32>
      %swap3A_70 = vector.shape_cast %broadcast_in_dim3A_0 : vector<16xf32> to vector<1x16xf32>
      tpu.vector_store %arg5[%swap3A_66, %swap3A_67], %swap3A_70 {strides = array<i32>} : memref<40x128xf32, #tpu.memory_space<vmem>>, vector<1x16xf32>,
      %swap3A_71 = arith.index_cast %scan3A_56 : i32 to index
      %swap3A_72 = arith.constant 48 : index
      %swap3A_73 = tpu.vector_load %arg5[%swap3A_71, %swap3A_72] {strides = array<i32>} : memref<40x128xf32, #tpu.memory_space<vmem>>, vector<1x16xf32>,
      %swap3A_74 = vector.shape_cast %swap3A_73 : vector<1x16xf32> to vector<16xf32>
      %swap3A_75 = vector.shape_cast %broadcast_in_dim3A_0 : vector<16xf32> to vector<1x16xf32>
      tpu.vector_store %arg5[%swap3A_71, %swap3A_72], %swap3A_75 {strides = array<i32>} : memref<40x128xf32, #tpu.memory_space<vmem>>, vector<1x16xf32>,
      %swap3A_76 = arith.index_cast %scan3A_56 : i32 to index
      %swap3A_77 = arith.constant 64 : index
      %swap3A_78 = tpu.vector_load %arg5[%swap3A_76, %swap3A_77] {strides = array<i32>} : memref<40x128xf32, #tpu.memory_space<vmem>>, vector<1x16xf32>,
      %swap3A_79 = vector.shape_cast %swap3A_78 : vector<1x16xf32> to vector<16xf32>
      %swap3A_80 = vector.shape_cast %broadcast_in_dim3A_0 : vector<16xf32> to vector<1x16xf32>
      tpu.vector_store %arg5[%swap3A_76, %swap3A_77], %swap3A_80 {strides = array<i32>} : memref<40x128xf32, #tpu.memory_space<vmem>>, vector<1x16xf32>,
      %swap3A_81 = arith.index_cast %scan3A_56 : i32 to index
      %swap3A_82 = arith.constant 80 : index
      %swap3A_83 = tpu.vector_load %arg5[%swap3A_81, %swap3A_82] {strides = array<i32>} : memref<40x128xf32, #tpu.memory_space<vmem>>, vector<1x16xf32>,
      %swap3A_84 = vector.shape_cast %swap3A_83 : vector<1x16xf32> to vector<16xf32>
      %swap3A_85 = vector.shape_cast %broadcast_in_dim3A_0 : vector<16xf32> to vector<1x16xf32>
      tpu.vector_store %arg5[%swap3A_81, %swap3A_82], %swap3A_85 {strides = array<i32>} : memref<40x128xf32, #tpu.memory_space<vmem>>, vector<1x16xf32>,
      %swap3A_86 = arith.index_cast %scan3A_56 : i32 to index
      %swap3A_87 = arith.constant 96 : index
      %swap3A_88 = tpu.vector_load %arg5[%swap3A_86, %swap3A_87] {strides = array<i32>} : memref<40x128xf32, #tpu.memory_space<vmem>>, vector<1x16xf32>,
      %swap3A_89 = vector.shape_cast %swap3A_88 : vector<1x16xf32> to vector<16xf32>
      %swap3A_90 = vector.shape_cast %broadcast_in_dim3A_0 : vector<16xf32> to vector<1x16xf32>
      tpu.vector_store %arg5[%swap3A_86, %swap3A_87], %swap3A_90 {strides = array<i32>} : memref<40x128xf32, #tpu.memory_space<vmem>>, vector<1x16xf32>,
      %swap3A_91 = arith.index_cast %scan3A_56 : i32 to index
      %swap3A_92 = arith.constant 112 : index
      %swap3A_93 = tpu.vector_load %arg5[%swap3A_91, %swap3A_92] {strides = array<i32>} : memref<40x128xf32, #tpu.memory_space<vmem>>, vector<1x16xf32>,
      %swap3A_94 = vector.shape_cast %swap3A_93 : vector<1x16xf32> to vector<16xf32>
      %swap3A_95 = vector.shape_cast %broadcast_in_dim3A_0 : vector<16xf32> to vector<1x16xf32>
      tpu.vector_store %arg5[%swap3A_91, %swap3A_92], %swap3A_95 {strides = array<i32>} : memref<40x128xf32, #tpu.memory_space<vmem>>, vector<1x16xf32>,
    }
    %scan3A_5 = arith.constant 40 : i32
    %broadcast_in_dim3A_6 = arith.constant 0.000000e+00 : f32
    %broadcast_in_dim3A_7 = vector.broadcast %broadcast_in_dim3A_6 : f32 to vector<16xf32>
    %scan3A_8 = arith.constant 0 : i32
    %scan3A_9 = arith.constant 0 : i32
    %scan3A_10 = arith.constant 168 : i32
    %scan3A_11 = arith.addi %scan3A_9, %scan3A_10 : i32
    %scan3A_12 = arith.constant 1 : i32
    scf.for %scan3A_56 = %scan3A_9 to %scan3A_11 step %scan3A_12  : i32 {
      %swap3A = arith.index_cast %scan3A_56 : i32 to index
      %swap3A_57 = arith.constant 0 : index
      %swap3A_58 = tpu.vector_load %arg6[%swap3A, %swap3A_57] {strides = array<i32>} : memref<168x128xf32, #tpu.memory_space<vmem>>, vector<1x16xf32>,
      %swap3A_59 = vector.shape_cast %swap3A_58 : vector<1x16xf32> to vector<16xf32>
      %swap3A_60 = vector.shape_cast %broadcast_in_dim3A_7 : vector<16xf32> to vector<1x16xf32>
      tpu.vector_store %arg6[%swap3A, %swap3A_57], %swap3A_60 {strides = array<i32>} : memref<168x128xf32, #tpu.memory_space<vmem>>, vector<1x16xf32>,
      %swap3A_61 = arith.index_cast %scan3A_56 : i32 to index
      %swap3A_62 = arith.constant 16 : index
      %swap3A_63 = tpu.vector_load %arg6[%swap3A_61, %swap3A_62] {strides = array<i32>} : memref<168x128xf32, #tpu.memory_space<vmem>>, vector<1x16xf32>,
      %swap3A_64 = vector.shape_cast %swap3A_63 : vector<1x16xf32> to vector<16xf32>
      %swap3A_65 = vector.shape_cast %broadcast_in_dim3A_7 : vector<16xf32> to vector<1x16xf32>
      tpu.vector_store %arg6[%swap3A_61, %swap3A_62], %swap3A_65 {strides = array<i32>} : memref<168x128xf32, #tpu.memory_space<vmem>>, vector<1x16xf32>,
      %swap3A_66 = arith.index_cast %scan3A_56 : i32 to index
      %swap3A_67 = arith.constant 32 : index
      %swap3A_68 = tpu.vector_load %arg6[%swap3A_66, %swap3A_67] {strides = array<i32>} : memref<168x128xf32, #tpu.memory_space<vmem>>, vector<1x16xf32>,
      %swap3A_69 = vector.shape_cast %swap3A_68 : vector<1x16xf32> to vector<16xf32>
      %swap3A_70 = vector.shape_cast %broadcast_in_dim3A_7 : vector<16xf32> to vector<1x16xf32>
      tpu.vector_store %arg6[%swap3A_66, %swap3A_67], %swap3A_70 {strides = array<i32>} : memref<168x128xf32, #tpu.memory_space<vmem>>, vector<1x16xf32>,
      %swap3A_71 = arith.index_cast %scan3A_56 : i32 to index
      %swap3A_72 = arith.constant 48 : index
      %swap3A_73 = tpu.vector_load %arg6[%swap3A_71, %swap3A_72] {strides = array<i32>} : memref<168x128xf32, #tpu.memory_space<vmem>>, vector<1x16xf32>,
      %swap3A_74 = vector.shape_cast %swap3A_73 : vector<1x16xf32> to vector<16xf32>
      %swap3A_75 = vector.shape_cast %broadcast_in_dim3A_7 : vector<16xf32> to vector<1x16xf32>
      tpu.vector_store %arg6[%swap3A_71, %swap3A_72], %swap3A_75 {strides = array<i32>} : memref<168x128xf32, #tpu.memory_space<vmem>>, vector<1x16xf32>,
      %swap3A_76 = arith.index_cast %scan3A_56 : i32 to index
      %swap3A_77 = arith.constant 64 : index
      %swap3A_78 = tpu.vector_load %arg6[%swap3A_76, %swap3A_77] {strides = array<i32>} : memref<168x128xf32, #tpu.memory_space<vmem>>, vector<1x16xf32>,
      %swap3A_79 = vector.shape_cast %swap3A_78 : vector<1x16xf32> to vector<16xf32>
      %swap3A_80 = vector.shape_cast %broadcast_in_dim3A_7 : vector<16xf32> to vector<1x16xf32>
      tpu.vector_store %arg6[%swap3A_76, %swap3A_77], %swap3A_80 {strides = array<i32>} : memref<168x128xf32, #tpu.memory_space<vmem>>, vector<1x16xf32>,
      %swap3A_81 = arith.index_cast %scan3A_56 : i32 to index
      %swap3A_82 = arith.constant 80 : index
      %swap3A_83 = tpu.vector_load %arg6[%swap3A_81, %swap3A_82] {strides = array<i32>} : memref<168x128xf32, #tpu.memory_space<vmem>>, vector<1x16xf32>,
      %swap3A_84 = vector.shape_cast %swap3A_83 : vector<1x16xf32> to vector<16xf32>
      %swap3A_85 = vector.shape_cast %broadcast_in_dim3A_7 : vector<16xf32> to vector<1x16xf32>
      tpu.vector_store %arg6[%swap3A_81, %swap3A_82], %swap3A_85 {strides = array<i32>} : memref<168x128xf32, #tpu.memory_space<vmem>>, vector<1x16xf32>,
      %swap3A_86 = arith.index_cast %scan3A_56 : i32 to index
      %swap3A_87 = arith.constant 96 : index
      %swap3A_88 = tpu.vector_load %arg6[%swap3A_86, %swap3A_87] {strides = array<i32>} : memref<168x128xf32, #tpu.memory_space<vmem>>, vector<1x16xf32>,
      %swap3A_89 = vector.shape_cast %swap3A_88 : vector<1x16xf32> to vector<16xf32>
      %swap3A_90 = vector.shape_cast %broadcast_in_dim3A_7 : vector<16xf32> to vector<1x16xf32>
      tpu.vector_store %arg6[%swap3A_86, %swap3A_87], %swap3A_90 {strides = array<i32>} : memref<168x128xf32, #tpu.memory_space<vmem>>, vector<1x16xf32>,
      %swap3A_91 = arith.index_cast %scan3A_56 : i32 to index
      %swap3A_92 = arith.constant 112 : index
      %swap3A_93 = tpu.vector_load %arg6[%swap3A_91, %swap3A_92] {strides = array<i32>} : memref<168x128xf32, #tpu.memory_space<vmem>>, vector<1x16xf32>,
      %swap3A_94 = vector.shape_cast %swap3A_93 : vector<1x16xf32> to vector<16xf32>
      %swap3A_95 = vector.shape_cast %broadcast_in_dim3A_7 : vector<16xf32> to vector<1x16xf32>
      tpu.vector_store %arg6[%swap3A_91, %swap3A_92], %swap3A_95 {strides = array<i32>} : memref<168x128xf32, #tpu.memory_space<vmem>>, vector<1x16xf32>,
    }
    %scan3A_13 = arith.constant 168 : i32
    %run_scoped3A = arith.constant 0 : i32
    "tpu.region"() ({
      %run_scoped3A_56 = tpu.sem_alloc : memref<!tpu.dma_semaphore, #tpu.memory_space<semaphore_mem>>
      %dma_start3A = arith.constant 0 : i32
      %dma_start3A_57 = arith.constant 0 : i32
      %dma_start3A_58 = tpu.memref_slice %arg2[%run_scoped3A, %arg0, %arg1, %dma_start3A, %dma_start3A_57] : memref<2x2x16x125x40xi32, #tpu.memory_space<hbm>> -> memref<1x1x1x125x40xi32, #tpu.memory_space<hbm>>
      %dma_start3A_59 = tpu.memref_squeeze %dma_start3A_58 : memref<1x1x1x125x40xi32, #tpu.memory_space<hbm>> -> memref<125x40xi32, #tpu.memory_space<hbm>>
      %dma_start3A_60 = arith.constant 0 : i32
      %dma_start3A_61 = arith.constant 0 : i32
      %dma_start3A_62 = tpu.memref_slice %arg2[%run_scoped3A, %arg0, %arg1, %dma_start3A_60, %dma_start3A_61] : memref<2x2x16x125x40xi32, #tpu.memory_space<hbm>> -> memref<1x1x1x125x40xi32, #tpu.memory_space<hbm>>
      %dma_start3A_63 = tpu.memref_squeeze %dma_start3A_62 : memref<1x1x1x125x40xi32, #tpu.memory_space<hbm>> -> memref<125x40xi32, #tpu.memory_space<hbm>>
      tpu.enqueue_dma source(%dma_start3A_63 : memref<125x40xi32, #tpu.memory_space<hbm>>) target(%arg4 : memref<125x40xi32, #tpu.memory_space<vmem>>) target_semaphore(%run_scoped3A_56 : memref<!tpu.dma_semaphore, #tpu.memory_space<semaphore_mem>>)
      %dma_wait3A = arith.constant 0 : i32
      %dma_wait3A_64 = arith.constant 0 : i32
      %dma_wait3A_65 = tpu.memref_slice %arg2[%run_scoped3A, %arg0, %arg1, %dma_wait3A, %dma_wait3A_64] : memref<2x2x16x125x40xi32, #tpu.memory_space<hbm>> -> memref<1x1x1x125x40xi32, #tpu.memory_space<hbm>>
      %dma_wait3A_66 = tpu.memref_squeeze %dma_wait3A_65 : memref<1x1x1x125x40xi32, #tpu.memory_space<hbm>> -> memref<125x40xi32, #tpu.memory_space<hbm>>
      %dma_wait3A_67 = arith.constant 0 : i32
      %dma_wait3A_68 = arith.constant 0 : i32
      %dma_wait3A_69 = tpu.memref_slice %arg2[%run_scoped3A, %arg0, %arg1, %dma_wait3A_67, %dma_wait3A_68] : memref<2x2x16x125x40xi32, #tpu.memory_space<hbm>> -> memref<1x1x1x125x40xi32, #tpu.memory_space<hbm>>
      %dma_wait3A_70 = tpu.memref_squeeze %dma_wait3A_69 : memref<1x1x1x125x40xi32, #tpu.memory_space<hbm>> -> memref<125x40xi32, #tpu.memory_space<hbm>>
      tpu.wait_dma2 semaphore(%run_scoped3A_56 : memref<!tpu.dma_semaphore, #tpu.memory_space<semaphore_mem>>) src(%dma_wait3A_70 : memref<125x40xi32, #tpu.memory_space<hbm>>) dst(%arg4 : memref<125x40xi32, #tpu.memory_space<vmem>>)
      tpu.yield
    }) : () -> ()
    %scan3A_14 = arith.constant 0 : i32
    %scan3A_15 = arith.constant 0 : i32
    %scan3A_16 = arith.constant 2 : i32
    %scan3A_17 = arith.addi %scan3A_15, %scan3A_16 : i32
    %scan3A_18 = arith.constant 1 : i32
    scf.for %scan3A_56 = %scan3A_15 to %scan3A_17 step %scan3A_18  : i32 {
      %mul3A = arith.constant 336 : i32
      %mul3A_57 = arith.muli %arg1, %mul3A : i32
      %mul3A_58 = arith.constant 168 : i32
      %mul3A_59 = arith.muli %scan3A_56, %mul3A_58 : i32
      %add3A = arith.addi %mul3A_57, %mul3A_59 : i32
      "tpu.region"() ({
        %run_scoped3A_60 = tpu.sem_alloc : memref<!tpu.dma_semaphore, #tpu.memory_space<semaphore_mem>>
        %dma_start3A = arith.constant 0 : i32
        %dma_start3A_61 = arith.constant 0 : i32
        %dma_start3A_62 = tpu.memref_slice %arg6[%dma_start3A, %dma_start3A_61] : memref<168x128xf32, #tpu.memory_space<vmem>> -> memref<168x128xf32, #tpu.memory_space<vmem>>
        %dma_start3A_63 = arith.constant 0 : i32
        %dma_start3A_64 = tpu.memref_slice %arg7[%add3A, %dma_start3A_63] : memref<5376x128xf32, #tpu.memory_space<vmem_shared>> -> memref<168x128xf32, #tpu.memory_space<vmem_shared>>
        %dma_start3A_65 = arith.constant 0 : i32
        %dma_start3A_66 = tpu.memref_slice %arg7[%add3A, %dma_start3A_65] : memref<5376x128xf32, #tpu.memory_space<vmem_shared>> -> memref<168x128xf32, #tpu.memory_space<vmem_shared>>
        %dma_start3A_67 = arith.constant 0 : i32
        %dma_start3A_68 = arith.constant 0 : i32
        %dma_start3A_69 = tpu.memref_slice %arg6[%dma_start3A_67, %dma_start3A_68] : memref<168x128xf32, #tpu.memory_space<vmem>> -> memref<168x128xf32, #tpu.memory_space<vmem>>
        tpu.enqueue_dma source(%dma_start3A_69 : memref<168x128xf32, #tpu.memory_space<vmem>>) target(%dma_start3A_66 : memref<168x128xf32, #tpu.memory_space<vmem_shared>>) target_semaphore(%run_scoped3A_60 : memref<!tpu.dma_semaphore, #tpu.memory_space<semaphore_mem>>)
        %dma_wait3A = arith.constant 0 : i32
        %dma_wait3A_70 = arith.constant 0 : i32
        %dma_wait3A_71 = tpu.memref_slice %arg6[%dma_wait3A, %dma_wait3A_70] : memref<168x128xf32, #tpu.memory_space<vmem>> -> memref<168x128xf32, #tpu.memory_space<vmem>>
        %dma_wait3A_72 = arith.constant 0 : i32
        %dma_wait3A_73 = tpu.memref_slice %arg7[%add3A, %dma_wait3A_72] : memref<5376x128xf32, #tpu.memory_space<vmem_shared>> -> memref<168x128xf32, #tpu.memory_space<vmem_shared>>
        %dma_wait3A_74 = arith.constant 0 : i32
        %dma_wait3A_75 = tpu.memref_slice %arg7[%add3A, %dma_wait3A_74] : memref<5376x128xf32, #tpu.memory_space<vmem_shared>> -> memref<168x128xf32, #tpu.memory_space<vmem_shared>>
        %dma_wait3A_76 = arith.constant 0 : i32
        %dma_wait3A_77 = arith.constant 0 : i32
        %dma_wait3A_78 = tpu.memref_slice %arg6[%dma_wait3A_76, %dma_wait3A_77] : memref<168x128xf32, #tpu.memory_space<vmem>> -> memref<168x128xf32, #tpu.memory_space<vmem>>
        tpu.wait_dma2 semaphore(%run_scoped3A_60 : memref<!tpu.dma_semaphore, #tpu.memory_space<semaphore_mem>>) src(%dma_wait3A_78 : memref<168x128xf32, #tpu.memory_space<vmem>>) dst(%dma_wait3A_75 : memref<168x128xf32, #tpu.memory_space<vmem_shared>>)
        tpu.yield
      }) : () -> ()
    }
    %scan3A_19 = arith.constant 2 : i32
    %barrier3A = arith.constant 0 : index
    tpu.barrier barrier_id(%barrier3A)
    %scan3A_20 = arith.constant 0 : i32
    %scan3A_21 = arith.constant 0 : i32
    %scan3A_22 = arith.constant 125 : i32
    %scan3A_23 = arith.addi %scan3A_21, %scan3A_22 : i32
    %scan3A_24 = arith.constant 1 : i32
    scf.for %scan3A_56 = %scan3A_21 to %scan3A_23 step %scan3A_24  : i32 {
      "tpu.region"() ({
        %run_scoped3A_57 = tpu.sem_alloc : memref<!tpu.dma_semaphore, #tpu.memory_space<semaphore_mem>>
        %dma_start3A = arith.constant 0 : i32
        %dma_start3A_58 = tpu.memref_slice %arg4[%scan3A_56, %dma_start3A] : memref<125x40xi32, #tpu.memory_space<vmem>> -> memref<1x40xi32, #tpu.memory_space<vmem>>
        %dma_start3A_59 = tpu.memref_squeeze %dma_start3A_58 : memref<1x40xi32, #tpu.memory_space<vmem>> -> memref<40xi32, #tpu.memory_space<vmem>>
        %dma_start3A_60 = arith.constant 0 : i32
        %dma_start3A_61 = arith.constant 0 : i32
        %dma_start3A_62 = tpu.memref_slice %arg7[%dma_start3A_60, %dma_start3A_61] : memref<5376x128xf32, #tpu.memory_space<vmem_shared>> -> memref<5376x128xf32, #tpu.memory_space<vmem_shared>>
        tpu.enqueue_indirect_dma source(%arg5 : memref<40x128xf32, #tpu.memory_space<vmem>>) target(%dma_start3A_62 : memref<5376x128xf32, #tpu.memory_space<vmem_shared>>) offsets(%dma_start3A_59 : memref<40xi32, #tpu.memory_space<vmem>>) semaphore(%run_scoped3A_57 : memref<!tpu.dma_semaphore, #tpu.memory_space<semaphore_mem>>) {add = true}
        %dma_wait3A = arith.constant 0 : i32
        %dma_wait3A_63 = tpu.memref_slice %arg4[%scan3A_56, %dma_wait3A] : memref<125x40xi32, #tpu.memory_space<vmem>> -> memref<1x40xi32, #tpu.memory_space<vmem>>
        %dma_wait3A_64 = tpu.memref_squeeze %dma_wait3A_63 : memref<1x40xi32, #tpu.memory_space<vmem>> -> memref<40xi32, #tpu.memory_space<vmem>>
        %dma_wait3A_65 = arith.constant 0 : i32
        %dma_wait3A_66 = arith.constant 0 : i32
        %dma_wait3A_67 = tpu.memref_slice %arg7[%dma_wait3A_65, %dma_wait3A_66] : memref<5376x128xf32, #tpu.memory_space<vmem_shared>> -> memref<5376x128xf32, #tpu.memory_space<vmem_shared>>
        tpu.wait_indirect_dma semaphore(%run_scoped3A_57 : memref<!tpu.dma_semaphore, #tpu.memory_space<semaphore_mem>>) src(%arg5 : memref<40x128xf32, #tpu.memory_space<vmem>>) dst(%dma_wait3A_67 : memref<5376x128xf32, #tpu.memory_space<vmem_shared>>)
        tpu.yield
      }) : () -> ()
    }
    %scan3A_25 = arith.constant 125 : i32
    %barrier3A_26 = arith.constant 0 : index
    tpu.barrier barrier_id(%barrier3A_26)
    %scan3A_27 = arith.constant 0 : i32
    %scan3A_28 = arith.constant 0 : i32
    %scan3A_29 = arith.constant 2 : i32
    %scan3A_30 = arith.addi %scan3A_28, %scan3A_29 : i32
    %scan3A_31 = arith.constant 1 : i32
    scf.for %scan3A_56 = %scan3A_28 to %scan3A_30 step %scan3A_31  : i32 {
      %mul3A = arith.constant 320 : i32
      %mul3A_57 = arith.muli %arg1, %mul3A : i32
      %mul3A_58 = arith.constant 160 : i32
      %mul3A_59 = arith.muli %scan3A_56, %mul3A_58 : i32
      %add3A = arith.addi %mul3A_57, %mul3A_59 : i32
      %mul3A_60 = arith.constant 320 : i32
      %mul3A_61 = arith.muli %arg1, %mul3A_60 : i32
      %add3A_62 = arith.constant 0 : i32
      %add3A_63 = arith.addi %add3A_62, %mul3A_61 : i32
      %mul3A_64 = arith.constant 160 : i32
      %mul3A_65 = arith.muli %scan3A_56, %mul3A_64 : i32
      %add3A_66 = arith.addi %add3A_63, %mul3A_65 : i32
      "tpu.region"() ({
        %run_scoped3A_67 = tpu.sem_alloc : memref<!tpu.dma_semaphore, #tpu.memory_space<semaphore_mem>>
        %dma_start3A = arith.constant 0 : i32
        %dma_start3A_68 = tpu.memref_slice %arg3[%arg0, %add3A_66, %dma_start3A] : memref<2x10240x128xf32, #tpu.memory_space<hbm>> -> memref<1x160x128xf32, #tpu.memory_space<hbm>>
        %dma_start3A_69 = tpu.memref_squeeze %dma_start3A_68 : memref<1x160x128xf32, #tpu.memory_space<hbm>> -> memref<160x128xf32, #tpu.memory_space<hbm>>
        %dma_start3A_70 = arith.constant 0 : i32
        %dma_start3A_71 = tpu.memref_slice %arg7[%add3A, %dma_start3A_70] : memref<5376x128xf32, #tpu.memory_space<vmem_shared>> -> memref<160x128xf32, #tpu.memory_space<vmem_shared>>
        tpu.enqueue_dma source(%dma_start3A_71 : memref<160x128xf32, #tpu.memory_space<vmem_shared>>) target(%dma_start3A_69 : memref<160x128xf32, #tpu.memory_space<hbm>>) target_semaphore(%run_scoped3A_67 : memref<!tpu.dma_semaphore, #tpu.memory_space<semaphore_mem>>)
        %dma_wait3A = arith.constant 0 : i32
        %dma_wait3A_72 = tpu.memref_slice %arg3[%arg0, %add3A_66, %dma_wait3A] : memref<2x10240x128xf32, #tpu.memory_space<hbm>> -> memref<1x160x128xf32, #tpu.memory_space<hbm>>
        %dma_wait3A_73 = tpu.memref_squeeze %dma_wait3A_72 : memref<1x160x128xf32, #tpu.memory_space<hbm>> -> memref<160x128xf32, #tpu.memory_space<hbm>>
        %dma_wait3A_74 = arith.constant 0 : i32
        %dma_wait3A_75 = tpu.memref_slice %arg7[%add3A, %dma_wait3A_74] : memref<5376x128xf32, #tpu.memory_space<vmem_shared>> -> memref<160x128xf32, #tpu.memory_space<vmem_shared>>
        tpu.wait_dma2 semaphore(%run_scoped3A_67 : memref<!tpu.dma_semaphore, #tpu.memory_space<semaphore_mem>>) src(%dma_wait3A_75 : memref<160x128xf32, #tpu.memory_space<vmem_shared>>) dst(%dma_wait3A_73 : memref<160x128xf32, #tpu.memory_space<hbm>>)
        tpu.yield
      }) : () -> ()
    }
    %scan3A_32 = arith.constant 2 : i32
    %barrier3A_33 = arith.constant 0 : index
    tpu.barrier barrier_id(%barrier3A_33)
    %run_scoped3A_34 = arith.constant 1 : i32
    "tpu.region"() ({
      %run_scoped3A_56 = tpu.sem_alloc : memref<!tpu.dma_semaphore, #tpu.memory_space<semaphore_mem>>
      %dma_start3A = arith.constant 0 : i32
      %dma_start3A_57 = arith.constant 0 : i32
      %dma_start3A_58 = tpu.memref_slice %arg2[%run_scoped3A_34, %arg0, %arg1, %dma_start3A, %dma_start3A_57] : memref<2x2x16x125x40xi32, #tpu.memory_space<hbm>> -> memref<1x1x1x125x40xi32, #tpu.memory_space<hbm>>
      %dma_start3A_59 = tpu.memref_squeeze %dma_start3A_58 : memref<1x1x1x125x40xi32, #tpu.memory_space<hbm>> -> memref<125x40xi32, #tpu.memory_space<hbm>>
      %dma_start3A_60 = arith.constant 0 : i32
      %dma_start3A_61 = arith.constant 0 : i32
      %dma_start3A_62 = tpu.memref_slice %arg2[%run_scoped3A_34, %arg0, %arg1, %dma_start3A_60, %dma_start3A_61] : memref<2x2x16x125x40xi32, #tpu.memory_space<hbm>> -> memref<1x1x1x125x40xi32, #tpu.memory_space<hbm>>
      %dma_start3A_63 = tpu.memref_squeeze %dma_start3A_62 : memref<1x1x1x125x40xi32, #tpu.memory_space<hbm>> -> memref<125x40xi32, #tpu.memory_space<hbm>>
      tpu.enqueue_dma source(%dma_start3A_63 : memref<125x40xi32, #tpu.memory_space<hbm>>) target(%arg4 : memref<125x40xi32, #tpu.memory_space<vmem>>) target_semaphore(%run_scoped3A_56 : memref<!tpu.dma_semaphore, #tpu.memory_space<semaphore_mem>>)
      %dma_wait3A = arith.constant 0 : i32
      %dma_wait3A_64 = arith.constant 0 : i32
      %dma_wait3A_65 = tpu.memref_slice %arg2[%run_scoped3A_34, %arg0, %arg1, %dma_wait3A, %dma_wait3A_64] : memref<2x2x16x125x40xi32, #tpu.memory_space<hbm>> -> memref<1x1x1x125x40xi32, #tpu.memory_space<hbm>>
      %dma_wait3A_66 = tpu.memref_squeeze %dma_wait3A_65 : memref<1x1x1x125x40xi32, #tpu.memory_space<hbm>> -> memref<125x40xi32, #tpu.memory_space<hbm>>
      %dma_wait3A_67 = arith.constant 0 : i32
      %dma_wait3A_68 = arith.constant 0 : i32
      %dma_wait3A_69 = tpu.memref_slice %arg2[%run_scoped3A_34, %arg0, %arg1, %dma_wait3A_67, %dma_wait3A_68] : memref<2x2x16x125x40xi32, #tpu.memory_space<hbm>> -> memref<1x1x1x125x40xi32, #tpu.memory_space<hbm>>
      %dma_wait3A_70 = tpu.memref_squeeze %dma_wait3A_69 : memref<1x1x1x125x40xi32, #tpu.memory_space<hbm>> -> memref<125x40xi32, #tpu.memory_space<hbm>>
      tpu.wait_dma2 semaphore(%run_scoped3A_56 : memref<!tpu.dma_semaphore, #tpu.memory_space<semaphore_mem>>) src(%dma_wait3A_70 : memref<125x40xi32, #tpu.memory_space<hbm>>) dst(%arg4 : memref<125x40xi32, #tpu.memory_space<vmem>>)
      tpu.yield
    }) : () -> ()
    %scan3A_35 = arith.constant 0 : i32
    %scan3A_36 = arith.constant 0 : i32
    %scan3A_37 = arith.constant 2 : i32
    %scan3A_38 = arith.addi %scan3A_36, %scan3A_37 : i32
    %scan3A_39 = arith.constant 1 : i32
    scf.for %scan3A_56 = %scan3A_36 to %scan3A_38 step %scan3A_39  : i32 {
      %mul3A = arith.constant 336 : i32
      %mul3A_57 = arith.muli %arg1, %mul3A : i32
      %mul3A_58 = arith.constant 168 : i32
      %mul3A_59 = arith.muli %scan3A_56, %mul3A_58 : i32
      %add3A = arith.addi %mul3A_57, %mul3A_59 : i32
      "tpu.region"() ({
        %run_scoped3A_60 = tpu.sem_alloc : memref<!tpu.dma_semaphore, #tpu.memory_space<semaphore_mem>>
        %dma_start3A = arith.constant 0 : i32
        %dma_start3A_61 = arith.constant 0 : i32
        %dma_start3A_62 = tpu.memref_slice %arg6[%dma_start3A, %dma_start3A_61] : memref<168x128xf32, #tpu.memory_space<vmem>> -> memref<168x128xf32, #tpu.memory_space<vmem>>
        %dma_start3A_63 = arith.constant 0 : i32
        %dma_start3A_64 = tpu.memref_slice %arg7[%add3A, %dma_start3A_63] : memref<5376x128xf32, #tpu.memory_space<vmem_shared>> -> memref<168x128xf32, #tpu.memory_space<vmem_shared>>
        %dma_start3A_65 = arith.constant 0 : i32
        %dma_start3A_66 = tpu.memref_slice %arg7[%add3A, %dma_start3A_65] : memref<5376x128xf32, #tpu.memory_space<vmem_shared>> -> memref<168x128xf32, #tpu.memory_space<vmem_shared>>
        %dma_start3A_67 = arith.constant 0 : i32
        %dma_start3A_68 = arith.constant 0 : i32
        %dma_start3A_69 = tpu.memref_slice %arg6[%dma_start3A_67, %dma_start3A_68] : memref<168x128xf32, #tpu.memory_space<vmem>> -> memref<168x128xf32, #tpu.memory_space<vmem>>
        tpu.enqueue_dma source(%dma_start3A_69 : memref<168x128xf32, #tpu.memory_space<vmem>>) target(%dma_start3A_66 : memref<168x128xf32, #tpu.memory_space<vmem_shared>>) target_semaphore(%run_scoped3A_60 : memref<!tpu.dma_semaphore, #tpu.memory_space<semaphore_mem>>)
        %dma_wait3A = arith.constant 0 : i32
        %dma_wait3A_70 = arith.constant 0 : i32
        %dma_wait3A_71 = tpu.memref_slice %arg6[%dma_wait3A, %dma_wait3A_70] : memref<168x128xf32, #tpu.memory_space<vmem>> -> memref<168x128xf32, #tpu.memory_space<vmem>>
        %dma_wait3A_72 = arith.constant 0 : i32
        %dma_wait3A_73 = tpu.memref_slice %arg7[%add3A, %dma_wait3A_72] : memref<5376x128xf32, #tpu.memory_space<vmem_shared>> -> memref<168x128xf32, #tpu.memory_space<vmem_shared>>
        %dma_wait3A_74 = arith.constant 0 : i32
        %dma_wait3A_75 = tpu.memref_slice %arg7[%add3A, %dma_wait3A_74] : memref<5376x128xf32, #tpu.memory_space<vmem_shared>> -> memref<168x128xf32, #tpu.memory_space<vmem_shared>>
        %dma_wait3A_76 = arith.constant 0 : i32
        %dma_wait3A_77 = arith.constant 0 : i32
        %dma_wait3A_78 = tpu.memref_slice %arg6[%dma_wait3A_76, %dma_wait3A_77] : memref<168x128xf32, #tpu.memory_space<vmem>> -> memref<168x128xf32, #tpu.memory_space<vmem>>
        tpu.wait_dma2 semaphore(%run_scoped3A_60 : memref<!tpu.dma_semaphore, #tpu.memory_space<semaphore_mem>>) src(%dma_wait3A_78 : memref<168x128xf32, #tpu.memory_space<vmem>>) dst(%dma_wait3A_75 : memref<168x128xf32, #tpu.memory_space<vmem_shared>>)
        tpu.yield
      }) : () -> ()
    }
    %scan3A_40 = arith.constant 2 : i32
    %barrier3A_41 = arith.constant 0 : index
    tpu.barrier barrier_id(%barrier3A_41)
    %scan3A_42 = arith.constant 0 : i32
    %scan3A_43 = arith.constant 0 : i32
    %scan3A_44 = arith.constant 125 : i32
    %scan3A_45 = arith.addi %scan3A_43, %scan3A_44 : i32
    %scan3A_46 = arith.constant 1 : i32
    scf.for %scan3A_56 = %scan3A_43 to %scan3A_45 step %scan3A_46  : i32 {
      "tpu.region"() ({
        %run_scoped3A_57 = tpu.sem_alloc : memref<!tpu.dma_semaphore, #tpu.memory_space<semaphore_mem>>
        %dma_start3A = arith.constant 0 : i32
        %dma_start3A_58 = tpu.memref_slice %arg4[%scan3A_56, %dma_start3A] : memref<125x40xi32, #tpu.memory_space<vmem>> -> memref<1x40xi32, #tpu.memory_space<vmem>>
        %dma_start3A_59 = tpu.memref_squeeze %dma_start3A_58 : memref<1x40xi32, #tpu.memory_space<vmem>> -> memref<40xi32, #tpu.memory_space<vmem>>
        %dma_start3A_60 = arith.constant 0 : i32
        %dma_start3A_61 = arith.constant 0 : i32
        %dma_start3A_62 = tpu.memref_slice %arg7[%dma_start3A_60, %dma_start3A_61] : memref<5376x128xf32, #tpu.memory_space<vmem_shared>> -> memref<5376x128xf32, #tpu.memory_space<vmem_shared>>
        tpu.enqueue_indirect_dma source(%arg5 : memref<40x128xf32, #tpu.memory_space<vmem>>) target(%dma_start3A_62 : memref<5376x128xf32, #tpu.memory_space<vmem_shared>>) offsets(%dma_start3A_59 : memref<40xi32, #tpu.memory_space<vmem>>) semaphore(%run_scoped3A_57 : memref<!tpu.dma_semaphore, #tpu.memory_space<semaphore_mem>>) {add = true}
        %dma_wait3A = arith.constant 0 : i32
        %dma_wait3A_63 = tpu.memref_slice %arg4[%scan3A_56, %dma_wait3A] : memref<125x40xi32, #tpu.memory_space<vmem>> -> memref<1x40xi32, #tpu.memory_space<vmem>>
        %dma_wait3A_64 = tpu.memref_squeeze %dma_wait3A_63 : memref<1x40xi32, #tpu.memory_space<vmem>> -> memref<40xi32, #tpu.memory_space<vmem>>
        %dma_wait3A_65 = arith.constant 0 : i32
        %dma_wait3A_66 = arith.constant 0 : i32
        %dma_wait3A_67 = tpu.memref_slice %arg7[%dma_wait3A_65, %dma_wait3A_66] : memref<5376x128xf32, #tpu.memory_space<vmem_shared>> -> memref<5376x128xf32, #tpu.memory_space<vmem_shared>>
        tpu.wait_indirect_dma semaphore(%run_scoped3A_57 : memref<!tpu.dma_semaphore, #tpu.memory_space<semaphore_mem>>) src(%arg5 : memref<40x128xf32, #tpu.memory_space<vmem>>) dst(%dma_wait3A_67 : memref<5376x128xf32, #tpu.memory_space<vmem_shared>>)
        tpu.yield
      }) : () -> ()
    }
    %scan3A_47 = arith.constant 125 : i32
    %barrier3A_48 = arith.constant 0 : index
    tpu.barrier barrier_id(%barrier3A_48)
    %scan3A_49 = arith.constant 0 : i32
    %scan3A_50 = arith.constant 0 : i32
    %scan3A_51 = arith.constant 2 : i32
    %scan3A_52 = arith.addi %scan3A_50, %scan3A_51 : i32
    %scan3A_53 = arith.constant 1 : i32
    scf.for %scan3A_56 = %scan3A_50 to %scan3A_52 step %scan3A_53  : i32 {
      %mul3A = arith.constant 320 : i32
      %mul3A_57 = arith.muli %arg1, %mul3A : i32
      %mul3A_58 = arith.constant 160 : i32
      %mul3A_59 = arith.muli %scan3A_56, %mul3A_58 : i32
      %add3A = arith.addi %mul3A_57, %mul3A_59 : i32
      %mul3A_60 = arith.constant 320 : i32
      %mul3A_61 = arith.muli %arg1, %mul3A_60 : i32
      %add3A_62 = arith.constant 5120 : i32
      %add3A_63 = arith.addi %add3A_62, %mul3A_61 : i32
      %mul3A_64 = arith.constant 160 : i32
      %mul3A_65 = arith.muli %scan3A_56, %mul3A_64 : i32
      %add3A_66 = arith.addi %add3A_63, %mul3A_65 : i32
      "tpu.region"() ({
        %run_scoped3A_67 = tpu.sem_alloc : memref<!tpu.dma_semaphore, #tpu.memory_space<semaphore_mem>>
        %dma_start3A = arith.constant 0 : i32
        %dma_start3A_68 = tpu.memref_slice %arg3[%arg0, %add3A_66, %dma_start3A] : memref<2x10240x128xf32, #tpu.memory_space<hbm>> -> memref<1x160x128xf32, #tpu.memory_space<hbm>>
        %dma_start3A_69 = tpu.memref_squeeze %dma_start3A_68 : memref<1x160x128xf32, #tpu.memory_space<hbm>> -> memref<160x128xf32, #tpu.memory_space<hbm>>
        %dma_start3A_70 = arith.constant 0 : i32
        %dma_start3A_71 = tpu.memref_slice %arg7[%add3A, %dma_start3A_70] : memref<5376x128xf32, #tpu.memory_space<vmem_shared>> -> memref<160x128xf32, #tpu.memory_space<vmem_shared>>
        tpu.enqueue_dma source(%dma_start3A_71 : memref<160x128xf32, #tpu.memory_space<vmem_shared>>) target(%dma_start3A_69 : memref<160x128xf32, #tpu.memory_space<hbm>>) target_semaphore(%run_scoped3A_67 : memref<!tpu.dma_semaphore, #tpu.memory_space<semaphore_mem>>)
        %dma_wait3A = arith.constant 0 : i32
        %dma_wait3A_72 = tpu.memref_slice %arg3[%arg0, %add3A_66, %dma_wait3A] : memref<2x10240x128xf32, #tpu.memory_space<hbm>> -> memref<1x160x128xf32, #tpu.memory_space<hbm>>
        %dma_wait3A_73 = tpu.memref_squeeze %dma_wait3A_72 : memref<1x160x128xf32, #tpu.memory_space<hbm>> -> memref<160x128xf32, #tpu.memory_space<hbm>>
        %dma_wait3A_74 = arith.constant 0 : i32
        %dma_wait3A_75 = tpu.memref_slice %arg7[%add3A, %dma_wait3A_74] : memref<5376x128xf32, #tpu.memory_space<vmem_shared>> -> memref<160x128xf32, #tpu.memory_space<vmem_shared>>
        tpu.wait_dma2 semaphore(%run_scoped3A_67 : memref<!tpu.dma_semaphore, #tpu.memory_space<semaphore_mem>>) src(%dma_wait3A_75 : memref<160x128xf32, #tpu.memory_space<vmem_shared>>) dst(%dma_wait3A_73 : memref<160x128xf32, #tpu.memory_space<hbm>>)
        tpu.yield
      }) : () -> ()
    }
    %scan3A_54 = arith.constant 2 : i32
    %barrier3A_55 = arith.constant 0 : index
    tpu.barrier barrier_id(%barrier3A_55)
    return
  }
}

#map = affine_map<(d0, d1) -> (0, 0)>
#map1 = affine_map<(d0, d1) -> (0, 0, 0, 0)>
#map2 = affine_map<(d0, d1) -> (0, 0, 0)>
module attributes {stable_mosaic.version = 14 : i64} {
  func.func @_row_body(%arg0: i32, %arg1: i32, %arg2: memref<20000x128xf32, #tpu.memory_space<hbm>>, %arg3: memref<2x16x100x100xi32, #tpu.memory_space<hbm>>, %arg4: memref<2x16x100x100xi32, #tpu.memory_space<hbm>>, %arg5: memref<2x10240x128xf32, #tpu.memory_space<hbm>>, %arg6: memref<100x100xi32, #tpu.memory_space<vmem>>, %arg7: memref<100x100xi32, #tpu.memory_space<vmem>>, %arg8: memref<100x128xf32, #tpu.memory_space<vmem>>, %arg9: memref<100x128xf32, #tpu.memory_space<vmem>>, %arg10: memref<168x128xf32, #tpu.memory_space<vmem>>, %arg11: memref<5376x128xf32, #tpu.memory_space<vmem_shared>>, %arg12: memref<!tpu.dma_semaphore, #tpu.memory_space<semaphore_mem>>, %arg13: memref<!tpu.dma_semaphore, #tpu.memory_space<semaphore_mem>>) attributes {dimension_semantics = [#tpu.dimension_semantics<core_parallel>, #tpu.dimension_semantics<subcore_parallel>], iteration_bounds = array<i64: 2, 16>, scalar_prefetch = 0 : i64, scratch_operands = 8 : i64, tpu.core_type = #tpu.core_type<sc_vector_subcore>, window_params = [{transform_indices = #map}, {transform_indices = #map1}, {transform_indices = #map1}, {transform_indices = #map2}]} {
    %broadcast_in_dim3A = arith.constant 0.000000e+00 : f32
    %broadcast_in_dim3A_0 = vector.broadcast %broadcast_in_dim3A : f32 to vector<16xf32>
    %scan3A = arith.constant 0 : i32
    %scan3A_1 = arith.constant 0 : i32
    %scan3A_2 = arith.constant 168 : i32
    %scan3A_3 = arith.addi %scan3A_1, %scan3A_2 : i32
    %scan3A_4 = arith.constant 1 : i32
    scf.for %scan3A_106 = %scan3A_1 to %scan3A_3 step %scan3A_4  : i32 {
      %swap3A = arith.index_cast %scan3A_106 : i32 to index
      %swap3A_107 = arith.constant 0 : index
      %swap3A_108 = tpu.vector_load %arg10[%swap3A, %swap3A_107] {strides = array<i32>} : memref<168x128xf32, #tpu.memory_space<vmem>>, vector<1x16xf32>,
      %swap3A_109 = vector.shape_cast %swap3A_108 : vector<1x16xf32> to vector<16xf32>
      %swap3A_110 = vector.shape_cast %broadcast_in_dim3A_0 : vector<16xf32> to vector<1x16xf32>
      tpu.vector_store %arg10[%swap3A, %swap3A_107], %swap3A_110 {strides = array<i32>} : memref<168x128xf32, #tpu.memory_space<vmem>>, vector<1x16xf32>,
      %swap3A_111 = arith.index_cast %scan3A_106 : i32 to index
      %swap3A_112 = arith.constant 16 : index
      %swap3A_113 = tpu.vector_load %arg10[%swap3A_111, %swap3A_112] {strides = array<i32>} : memref<168x128xf32, #tpu.memory_space<vmem>>, vector<1x16xf32>,
      %swap3A_114 = vector.shape_cast %swap3A_113 : vector<1x16xf32> to vector<16xf32>
      %swap3A_115 = vector.shape_cast %broadcast_in_dim3A_0 : vector<16xf32> to vector<1x16xf32>
      tpu.vector_store %arg10[%swap3A_111, %swap3A_112], %swap3A_115 {strides = array<i32>} : memref<168x128xf32, #tpu.memory_space<vmem>>, vector<1x16xf32>,
      %swap3A_116 = arith.index_cast %scan3A_106 : i32 to index
      %swap3A_117 = arith.constant 32 : index
      %swap3A_118 = tpu.vector_load %arg10[%swap3A_116, %swap3A_117] {strides = array<i32>} : memref<168x128xf32, #tpu.memory_space<vmem>>, vector<1x16xf32>,
      %swap3A_119 = vector.shape_cast %swap3A_118 : vector<1x16xf32> to vector<16xf32>
      %swap3A_120 = vector.shape_cast %broadcast_in_dim3A_0 : vector<16xf32> to vector<1x16xf32>
      tpu.vector_store %arg10[%swap3A_116, %swap3A_117], %swap3A_120 {strides = array<i32>} : memref<168x128xf32, #tpu.memory_space<vmem>>, vector<1x16xf32>,
      %swap3A_121 = arith.index_cast %scan3A_106 : i32 to index
      %swap3A_122 = arith.constant 48 : index
      %swap3A_123 = tpu.vector_load %arg10[%swap3A_121, %swap3A_122] {strides = array<i32>} : memref<168x128xf32, #tpu.memory_space<vmem>>, vector<1x16xf32>,
      %swap3A_124 = vector.shape_cast %swap3A_123 : vector<1x16xf32> to vector<16xf32>
      %swap3A_125 = vector.shape_cast %broadcast_in_dim3A_0 : vector<16xf32> to vector<1x16xf32>
      tpu.vector_store %arg10[%swap3A_121, %swap3A_122], %swap3A_125 {strides = array<i32>} : memref<168x128xf32, #tpu.memory_space<vmem>>, vector<1x16xf32>,
      %swap3A_126 = arith.index_cast %scan3A_106 : i32 to index
      %swap3A_127 = arith.constant 64 : index
      %swap3A_128 = tpu.vector_load %arg10[%swap3A_126, %swap3A_127] {strides = array<i32>} : memref<168x128xf32, #tpu.memory_space<vmem>>, vector<1x16xf32>,
      %swap3A_129 = vector.shape_cast %swap3A_128 : vector<1x16xf32> to vector<16xf32>
      %swap3A_130 = vector.shape_cast %broadcast_in_dim3A_0 : vector<16xf32> to vector<1x16xf32>
      tpu.vector_store %arg10[%swap3A_126, %swap3A_127], %swap3A_130 {strides = array<i32>} : memref<168x128xf32, #tpu.memory_space<vmem>>, vector<1x16xf32>,
      %swap3A_131 = arith.index_cast %scan3A_106 : i32 to index
      %swap3A_132 = arith.constant 80 : index
      %swap3A_133 = tpu.vector_load %arg10[%swap3A_131, %swap3A_132] {strides = array<i32>} : memref<168x128xf32, #tpu.memory_space<vmem>>, vector<1x16xf32>,
      %swap3A_134 = vector.shape_cast %swap3A_133 : vector<1x16xf32> to vector<16xf32>
      %swap3A_135 = vector.shape_cast %broadcast_in_dim3A_0 : vector<16xf32> to vector<1x16xf32>
      tpu.vector_store %arg10[%swap3A_131, %swap3A_132], %swap3A_135 {strides = array<i32>} : memref<168x128xf32, #tpu.memory_space<vmem>>, vector<1x16xf32>,
      %swap3A_136 = arith.index_cast %scan3A_106 : i32 to index
      %swap3A_137 = arith.constant 96 : index
      %swap3A_138 = tpu.vector_load %arg10[%swap3A_136, %swap3A_137] {strides = array<i32>} : memref<168x128xf32, #tpu.memory_space<vmem>>, vector<1x16xf32>,
      %swap3A_139 = vector.shape_cast %swap3A_138 : vector<1x16xf32> to vector<16xf32>
      %swap3A_140 = vector.shape_cast %broadcast_in_dim3A_0 : vector<16xf32> to vector<1x16xf32>
      tpu.vector_store %arg10[%swap3A_136, %swap3A_137], %swap3A_140 {strides = array<i32>} : memref<168x128xf32, #tpu.memory_space<vmem>>, vector<1x16xf32>,
      %swap3A_141 = arith.index_cast %scan3A_106 : i32 to index
      %swap3A_142 = arith.constant 112 : index
      %swap3A_143 = tpu.vector_load %arg10[%swap3A_141, %swap3A_142] {strides = array<i32>} : memref<168x128xf32, #tpu.memory_space<vmem>>, vector<1x16xf32>,
      %swap3A_144 = vector.shape_cast %swap3A_143 : vector<1x16xf32> to vector<16xf32>
      %swap3A_145 = vector.shape_cast %broadcast_in_dim3A_0 : vector<16xf32> to vector<1x16xf32>
      tpu.vector_store %arg10[%swap3A_141, %swap3A_142], %swap3A_145 {strides = array<i32>} : memref<168x128xf32, #tpu.memory_space<vmem>>, vector<1x16xf32>,
    }
    %scan3A_5 = arith.constant 168 : i32
    "tpu.region"() ({
      %run_scoped3A_106 = tpu.sem_alloc : memref<!tpu.dma_semaphore, #tpu.memory_space<semaphore_mem>>
      %dma_start3A_107 = arith.constant 0 : i32
      %dma_start3A_108 = arith.constant 0 : i32
      %dma_start3A_109 = tpu.memref_slice %arg3[%arg0, %arg1, %dma_start3A_107, %dma_start3A_108] : memref<2x16x100x100xi32, #tpu.memory_space<hbm>> -> memref<1x1x100x100xi32, #tpu.memory_space<hbm>>
      %dma_start3A_110 = tpu.memref_squeeze %dma_start3A_109 : memref<1x1x100x100xi32, #tpu.memory_space<hbm>> -> memref<100x100xi32, #tpu.memory_space<hbm>>
      %dma_start3A_111 = arith.constant 0 : i32
      %dma_start3A_112 = arith.constant 0 : i32
      %dma_start3A_113 = tpu.memref_slice %arg3[%arg0, %arg1, %dma_start3A_111, %dma_start3A_112] : memref<2x16x100x100xi32, #tpu.memory_space<hbm>> -> memref<1x1x100x100xi32, #tpu.memory_space<hbm>>
      %dma_start3A_114 = tpu.memref_squeeze %dma_start3A_113 : memref<1x1x100x100xi32, #tpu.memory_space<hbm>> -> memref<100x100xi32, #tpu.memory_space<hbm>>
      tpu.enqueue_dma source(%dma_start3A_114 : memref<100x100xi32, #tpu.memory_space<hbm>>) target(%arg6 : memref<100x100xi32, #tpu.memory_space<vmem>>) target_semaphore(%run_scoped3A_106 : memref<!tpu.dma_semaphore, #tpu.memory_space<semaphore_mem>>)
      %dma_wait3A_115 = arith.constant 0 : i32
      %dma_wait3A_116 = arith.constant 0 : i32
      %dma_wait3A_117 = tpu.memref_slice %arg3[%arg0, %arg1, %dma_wait3A_115, %dma_wait3A_116] : memref<2x16x100x100xi32, #tpu.memory_space<hbm>> -> memref<1x1x100x100xi32, #tpu.memory_space<hbm>>
      %dma_wait3A_118 = tpu.memref_squeeze %dma_wait3A_117 : memref<1x1x100x100xi32, #tpu.memory_space<hbm>> -> memref<100x100xi32, #tpu.memory_space<hbm>>
      %dma_wait3A_119 = arith.constant 0 : i32
      %dma_wait3A_120 = arith.constant 0 : i32
      %dma_wait3A_121 = tpu.memref_slice %arg3[%arg0, %arg1, %dma_wait3A_119, %dma_wait3A_120] : memref<2x16x100x100xi32, #tpu.memory_space<hbm>> -> memref<1x1x100x100xi32, #tpu.memory_space<hbm>>
      %dma_wait3A_122 = tpu.memref_squeeze %dma_wait3A_121 : memref<1x1x100x100xi32, #tpu.memory_space<hbm>> -> memref<100x100xi32, #tpu.memory_space<hbm>>
      tpu.wait_dma2 semaphore(%run_scoped3A_106 : memref<!tpu.dma_semaphore, #tpu.memory_space<semaphore_mem>>) src(%dma_wait3A_122 : memref<100x100xi32, #tpu.memory_space<hbm>>) dst(%arg6 : memref<100x100xi32, #tpu.memory_space<vmem>>)
      tpu.yield
    }) : () -> ()
    %run_scoped3A = arith.constant 0 : i32
    "tpu.region"() ({
      %run_scoped3A_106 = tpu.sem_alloc : memref<!tpu.dma_semaphore, #tpu.memory_space<semaphore_mem>>
      %dma_start3A_107 = arith.constant 0 : i32
      %dma_start3A_108 = arith.constant 0 : i32
      %dma_start3A_109 = tpu.memref_slice %arg4[%run_scoped3A, %arg1, %dma_start3A_107, %dma_start3A_108] : memref<2x16x100x100xi32, #tpu.memory_space<hbm>> -> memref<1x1x100x100xi32, #tpu.memory_space<hbm>>
      %dma_start3A_110 = tpu.memref_squeeze %dma_start3A_109 : memref<1x1x100x100xi32, #tpu.memory_space<hbm>> -> memref<100x100xi32, #tpu.memory_space<hbm>>
      %dma_start3A_111 = arith.constant 0 : i32
      %dma_start3A_112 = arith.constant 0 : i32
      %dma_start3A_113 = tpu.memref_slice %arg4[%run_scoped3A, %arg1, %dma_start3A_111, %dma_start3A_112] : memref<2x16x100x100xi32, #tpu.memory_space<hbm>> -> memref<1x1x100x100xi32, #tpu.memory_space<hbm>>
      %dma_start3A_114 = tpu.memref_squeeze %dma_start3A_113 : memref<1x1x100x100xi32, #tpu.memory_space<hbm>> -> memref<100x100xi32, #tpu.memory_space<hbm>>
      tpu.enqueue_dma source(%dma_start3A_114 : memref<100x100xi32, #tpu.memory_space<hbm>>) target(%arg7 : memref<100x100xi32, #tpu.memory_space<vmem>>) target_semaphore(%run_scoped3A_106 : memref<!tpu.dma_semaphore, #tpu.memory_space<semaphore_mem>>)
      %dma_wait3A_115 = arith.constant 0 : i32
      %dma_wait3A_116 = arith.constant 0 : i32
      %dma_wait3A_117 = tpu.memref_slice %arg4[%run_scoped3A, %arg1, %dma_wait3A_115, %dma_wait3A_116] : memref<2x16x100x100xi32, #tpu.memory_space<hbm>> -> memref<1x1x100x100xi32, #tpu.memory_space<hbm>>
      %dma_wait3A_118 = tpu.memref_squeeze %dma_wait3A_117 : memref<1x1x100x100xi32, #tpu.memory_space<hbm>> -> memref<100x100xi32, #tpu.memory_space<hbm>>
      %dma_wait3A_119 = arith.constant 0 : i32
      %dma_wait3A_120 = arith.constant 0 : i32
      %dma_wait3A_121 = tpu.memref_slice %arg4[%run_scoped3A, %arg1, %dma_wait3A_119, %dma_wait3A_120] : memref<2x16x100x100xi32, #tpu.memory_space<hbm>> -> memref<1x1x100x100xi32, #tpu.memory_space<hbm>>
      %dma_wait3A_122 = tpu.memref_squeeze %dma_wait3A_121 : memref<1x1x100x100xi32, #tpu.memory_space<hbm>> -> memref<100x100xi32, #tpu.memory_space<hbm>>
      tpu.wait_dma2 semaphore(%run_scoped3A_106 : memref<!tpu.dma_semaphore, #tpu.memory_space<semaphore_mem>>) src(%dma_wait3A_122 : memref<100x100xi32, #tpu.memory_space<hbm>>) dst(%arg7 : memref<100x100xi32, #tpu.memory_space<vmem>>)
      tpu.yield
    }) : () -> ()
    %scan3A_6 = arith.constant 0 : i32
    %scan3A_7 = arith.constant 0 : i32
    %scan3A_8 = arith.constant 2 : i32
    %scan3A_9 = arith.addi %scan3A_7, %scan3A_8 : i32
    %scan3A_10 = arith.constant 1 : i32
    scf.for %scan3A_106 = %scan3A_7 to %scan3A_9 step %scan3A_10  : i32 {
      %mul3A = arith.constant 336 : i32
      %mul3A_107 = arith.muli %arg1, %mul3A : i32
      %mul3A_108 = arith.constant 168 : i32
      %mul3A_109 = arith.muli %scan3A_106, %mul3A_108 : i32
      %add3A = arith.addi %mul3A_107, %mul3A_109 : i32
      "tpu.region"() ({
        %run_scoped3A_110 = tpu.sem_alloc : memref<!tpu.dma_semaphore, #tpu.memory_space<semaphore_mem>>
        %dma_start3A_111 = arith.constant 0 : i32
        %dma_start3A_112 = arith.constant 0 : i32
        %dma_start3A_113 = tpu.memref_slice %arg10[%dma_start3A_111, %dma_start3A_112] : memref<168x128xf32, #tpu.memory_space<vmem>> -> memref<168x128xf32, #tpu.memory_space<vmem>>
        %dma_start3A_114 = arith.constant 0 : i32
        %dma_start3A_115 = tpu.memref_slice %arg11[%add3A, %dma_start3A_114] : memref<5376x128xf32, #tpu.memory_space<vmem_shared>> -> memref<168x128xf32, #tpu.memory_space<vmem_shared>>
        %dma_start3A_116 = arith.constant 0 : i32
        %dma_start3A_117 = tpu.memref_slice %arg11[%add3A, %dma_start3A_116] : memref<5376x128xf32, #tpu.memory_space<vmem_shared>> -> memref<168x128xf32, #tpu.memory_space<vmem_shared>>
        %dma_start3A_118 = arith.constant 0 : i32
        %dma_start3A_119 = arith.constant 0 : i32
        %dma_start3A_120 = tpu.memref_slice %arg10[%dma_start3A_118, %dma_start3A_119] : memref<168x128xf32, #tpu.memory_space<vmem>> -> memref<168x128xf32, #tpu.memory_space<vmem>>
        tpu.enqueue_dma source(%dma_start3A_120 : memref<168x128xf32, #tpu.memory_space<vmem>>) target(%dma_start3A_117 : memref<168x128xf32, #tpu.memory_space<vmem_shared>>) target_semaphore(%run_scoped3A_110 : memref<!tpu.dma_semaphore, #tpu.memory_space<semaphore_mem>>)
        %dma_wait3A_121 = arith.constant 0 : i32
        %dma_wait3A_122 = arith.constant 0 : i32
        %dma_wait3A_123 = tpu.memref_slice %arg10[%dma_wait3A_121, %dma_wait3A_122] : memref<168x128xf32, #tpu.memory_space<vmem>> -> memref<168x128xf32, #tpu.memory_space<vmem>>
        %dma_wait3A_124 = arith.constant 0 : i32
        %dma_wait3A_125 = tpu.memref_slice %arg11[%add3A, %dma_wait3A_124] : memref<5376x128xf32, #tpu.memory_space<vmem_shared>> -> memref<168x128xf32, #tpu.memory_space<vmem_shared>>
        %dma_wait3A_126 = arith.constant 0 : i32
        %dma_wait3A_127 = tpu.memref_slice %arg11[%add3A, %dma_wait3A_126] : memref<5376x128xf32, #tpu.memory_space<vmem_shared>> -> memref<168x128xf32, #tpu.memory_space<vmem_shared>>
        %dma_wait3A_128 = arith.constant 0 : i32
        %dma_wait3A_129 = arith.constant 0 : i32
        %dma_wait3A_130 = tpu.memref_slice %arg10[%dma_wait3A_128, %dma_wait3A_129] : memref<168x128xf32, #tpu.memory_space<vmem>> -> memref<168x128xf32, #tpu.memory_space<vmem>>
        tpu.wait_dma2 semaphore(%run_scoped3A_110 : memref<!tpu.dma_semaphore, #tpu.memory_space<semaphore_mem>>) src(%dma_wait3A_130 : memref<168x128xf32, #tpu.memory_space<vmem>>) dst(%dma_wait3A_127 : memref<168x128xf32, #tpu.memory_space<vmem_shared>>)
        tpu.yield
      }) : () -> ()
    }
    %scan3A_11 = arith.constant 2 : i32
    %barrier3A = arith.constant 0 : index
    tpu.barrier barrier_id(%barrier3A)
    %dma_start3A = arith.constant 0 : i32
    %dma_start3A_12 = arith.constant 0 : i32
    %dma_start3A_13 = tpu.memref_slice %arg6[%dma_start3A, %dma_start3A_12] : memref<100x100xi32, #tpu.memory_space<vmem>> -> memref<1x100xi32, #tpu.memory_space<vmem>>
    %dma_start3A_14 = tpu.memref_squeeze %dma_start3A_13 : memref<1x100xi32, #tpu.memory_space<vmem>> -> memref<100xi32, #tpu.memory_space<vmem>>
    %dma_start3A_15 = arith.constant 0 : i32
    %dma_start3A_16 = arith.constant 0 : i32
    %dma_start3A_17 = tpu.memref_slice %arg2[%dma_start3A_15, %dma_start3A_16] : memref<20000x128xf32, #tpu.memory_space<hbm>> -> memref<20000x128xf32, #tpu.memory_space<hbm>>
    tpu.enqueue_indirect_dma source(%dma_start3A_17 : memref<20000x128xf32, #tpu.memory_space<hbm>>) target(%arg8 : memref<100x128xf32, #tpu.memory_space<vmem>>) offsets(%dma_start3A_14 : memref<100xi32, #tpu.memory_space<vmem>>) semaphore(%arg12 : memref<!tpu.dma_semaphore, #tpu.memory_space<semaphore_mem>>)
    %dma_start3A_18 = arith.constant 1 : i32
    %dma_start3A_19 = arith.constant 0 : i32
    %dma_start3A_20 = tpu.memref_slice %arg6[%dma_start3A_18, %dma_start3A_19] : memref<100x100xi32, #tpu.memory_space<vmem>> -> memref<1x100xi32, #tpu.memory_space<vmem>>
    %dma_start3A_21 = tpu.memref_squeeze %dma_start3A_20 : memref<1x100xi32, #tpu.memory_space<vmem>> -> memref<100xi32, #tpu.memory_space<vmem>>
    %dma_start3A_22 = arith.constant 0 : i32
    %dma_start3A_23 = arith.constant 0 : i32
    %dma_start3A_24 = tpu.memref_slice %arg2[%dma_start3A_22, %dma_start3A_23] : memref<20000x128xf32, #tpu.memory_space<hbm>> -> memref<20000x128xf32, #tpu.memory_space<hbm>>
    tpu.enqueue_indirect_dma source(%dma_start3A_24 : memref<20000x128xf32, #tpu.memory_space<hbm>>) target(%arg9 : memref<100x128xf32, #tpu.memory_space<vmem>>) offsets(%dma_start3A_21 : memref<100xi32, #tpu.memory_space<vmem>>) semaphore(%arg13 : memref<!tpu.dma_semaphore, #tpu.memory_space<semaphore_mem>>)
    %scan3A_25 = arith.constant 0 : i32
    %scan3A_26 = arith.constant 0 : i32
    %scan3A_27 = arith.constant 49 : i32
    %scan3A_28 = arith.addi %scan3A_26, %scan3A_27 : i32
    %scan3A_29 = arith.constant 1 : i32
    scf.for %scan3A_106 = %scan3A_26 to %scan3A_28 step %scan3A_29  : i32 {
      %mul3A = arith.constant 2 : i32
      %mul3A_107 = arith.muli %mul3A, %scan3A_106 : i32
      %dma_wait3A_108 = arith.constant 0 : i32
      %dma_wait3A_109 = tpu.memref_slice %arg6[%mul3A_107, %dma_wait3A_108] : memref<100x100xi32, #tpu.memory_space<vmem>> -> memref<1x100xi32, #tpu.memory_space<vmem>>
      %dma_wait3A_110 = tpu.memref_squeeze %dma_wait3A_109 : memref<1x100xi32, #tpu.memory_space<vmem>> -> memref<100xi32, #tpu.memory_space<vmem>>
      %dma_wait3A_111 = arith.constant 0 : i32
      %dma_wait3A_112 = arith.constant 0 : i32
      %dma_wait3A_113 = tpu.memref_slice %arg2[%dma_wait3A_111, %dma_wait3A_112] : memref<20000x128xf32, #tpu.memory_space<hbm>> -> memref<20000x128xf32, #tpu.memory_space<hbm>>
      tpu.wait_indirect_dma semaphore(%arg12 : memref<!tpu.dma_semaphore, #tpu.memory_space<semaphore_mem>>) src(%dma_wait3A_113 : memref<20000x128xf32, #tpu.memory_space<hbm>>) dst(%arg8 : memref<100x128xf32, #tpu.memory_space<vmem>>)
      "tpu.region"() ({
        %run_scoped3A_139 = tpu.sem_alloc : memref<!tpu.dma_semaphore, #tpu.memory_space<semaphore_mem>>
        %dma_start3A_140 = arith.constant 0 : i32
        %dma_start3A_141 = tpu.memref_slice %arg7[%mul3A_107, %dma_start3A_140] : memref<100x100xi32, #tpu.memory_space<vmem>> -> memref<1x100xi32, #tpu.memory_space<vmem>>
        %dma_start3A_142 = tpu.memref_squeeze %dma_start3A_141 : memref<1x100xi32, #tpu.memory_space<vmem>> -> memref<100xi32, #tpu.memory_space<vmem>>
        %dma_start3A_143 = arith.constant 0 : i32
        %dma_start3A_144 = arith.constant 0 : i32
        %dma_start3A_145 = tpu.memref_slice %arg11[%dma_start3A_143, %dma_start3A_144] : memref<5376x128xf32, #tpu.memory_space<vmem_shared>> -> memref<5376x128xf32, #tpu.memory_space<vmem_shared>>
        tpu.enqueue_indirect_dma source(%arg8 : memref<100x128xf32, #tpu.memory_space<vmem>>) target(%dma_start3A_145 : memref<5376x128xf32, #tpu.memory_space<vmem_shared>>) offsets(%dma_start3A_142 : memref<100xi32, #tpu.memory_space<vmem>>) semaphore(%run_scoped3A_139 : memref<!tpu.dma_semaphore, #tpu.memory_space<semaphore_mem>>) {add = true}
        %dma_wait3A_146 = arith.constant 0 : i32
        %dma_wait3A_147 = tpu.memref_slice %arg7[%mul3A_107, %dma_wait3A_146] : memref<100x100xi32, #tpu.memory_space<vmem>> -> memref<1x100xi32, #tpu.memory_space<vmem>>
        %dma_wait3A_148 = tpu.memref_squeeze %dma_wait3A_147 : memref<1x100xi32, #tpu.memory_space<vmem>> -> memref<100xi32, #tpu.memory_space<vmem>>
        %dma_wait3A_149 = arith.constant 0 : i32
        %dma_wait3A_150 = arith.constant 0 : i32
        %dma_wait3A_151 = tpu.memref_slice %arg11[%dma_wait3A_149, %dma_wait3A_150] : memref<5376x128xf32, #tpu.memory_space<vmem_shared>> -> memref<5376x128xf32, #tpu.memory_space<vmem_shared>>
        tpu.wait_indirect_dma semaphore(%run_scoped3A_139 : memref<!tpu.dma_semaphore, #tpu.memory_space<semaphore_mem>>) src(%arg8 : memref<100x128xf32, #tpu.memory_space<vmem>>) dst(%dma_wait3A_151 : memref<5376x128xf32, #tpu.memory_space<vmem_shared>>)
        tpu.yield
      }) : () -> ()
      %add3A = arith.constant 2 : i32
      %add3A_114 = arith.addi %mul3A_107, %add3A : i32
      %dma_start3A_115 = arith.constant 0 : i32
      %dma_start3A_116 = tpu.memref_slice %arg6[%add3A_114, %dma_start3A_115] : memref<100x100xi32, #tpu.memory_space<vmem>> -> memref<1x100xi32, #tpu.memory_space<vmem>>
      %dma_start3A_117 = tpu.memref_squeeze %dma_start3A_116 : memref<1x100xi32, #tpu.memory_space<vmem>> -> memref<100xi32, #tpu.memory_space<vmem>>
      %dma_start3A_118 = arith.constant 0 : i32
      %dma_start3A_119 = arith.constant 0 : i32
      %dma_start3A_120 = tpu.memref_slice %arg2[%dma_start3A_118, %dma_start3A_119] : memref<20000x128xf32, #tpu.memory_space<hbm>> -> memref<20000x128xf32, #tpu.memory_space<hbm>>
      tpu.enqueue_indirect_dma source(%dma_start3A_120 : memref<20000x128xf32, #tpu.memory_space<hbm>>) target(%arg8 : memref<100x128xf32, #tpu.memory_space<vmem>>) offsets(%dma_start3A_117 : memref<100xi32, #tpu.memory_space<vmem>>) semaphore(%arg12 : memref<!tpu.dma_semaphore, #tpu.memory_space<semaphore_mem>>)
      %add3A_121 = arith.constant 1 : i32
      %add3A_122 = arith.addi %mul3A_107, %add3A_121 : i32
      %dma_wait3A_123 = arith.constant 0 : i32
      %dma_wait3A_124 = tpu.memref_slice %arg6[%add3A_122, %dma_wait3A_123] : memref<100x100xi32, #tpu.memory_space<vmem>> -> memref<1x100xi32, #tpu.memory_space<vmem>>
      %dma_wait3A_125 = tpu.memref_squeeze %dma_wait3A_124 : memref<1x100xi32, #tpu.memory_space<vmem>> -> memref<100xi32, #tpu.memory_space<vmem>>
      %dma_wait3A_126 = arith.constant 0 : i32
      %dma_wait3A_127 = arith.constant 0 : i32
      %dma_wait3A_128 = tpu.memref_slice %arg2[%dma_wait3A_126, %dma_wait3A_127] : memref<20000x128xf32, #tpu.memory_space<hbm>> -> memref<20000x128xf32, #tpu.memory_space<hbm>>
      tpu.wait_indirect_dma semaphore(%arg13 : memref<!tpu.dma_semaphore, #tpu.memory_space<semaphore_mem>>) src(%dma_wait3A_128 : memref<20000x128xf32, #tpu.memory_space<hbm>>) dst(%arg9 : memref<100x128xf32, #tpu.memory_space<vmem>>)
      %add3A_129 = arith.constant 1 : i32
      %add3A_130 = arith.addi %mul3A_107, %add3A_129 : i32
      "tpu.region"() ({
        %run_scoped3A_139 = tpu.sem_alloc : memref<!tpu.dma_semaphore, #tpu.memory_space<semaphore_mem>>
        %dma_start3A_140 = arith.constant 0 : i32
        %dma_start3A_141 = tpu.memref_slice %arg7[%add3A_130, %dma_start3A_140] : memref<100x100xi32, #tpu.memory_space<vmem>> -> memref<1x100xi32, #tpu.memory_space<vmem>>
        %dma_start3A_142 = tpu.memref_squeeze %dma_start3A_141 : memref<1x100xi32, #tpu.memory_space<vmem>> -> memref<100xi32, #tpu.memory_space<vmem>>
        %dma_start3A_143 = arith.constant 0 : i32
        %dma_start3A_144 = arith.constant 0 : i32
        %dma_start3A_145 = tpu.memref_slice %arg11[%dma_start3A_143, %dma_start3A_144] : memref<5376x128xf32, #tpu.memory_space<vmem_shared>> -> memref<5376x128xf32, #tpu.memory_space<vmem_shared>>
        tpu.enqueue_indirect_dma source(%arg9 : memref<100x128xf32, #tpu.memory_space<vmem>>) target(%dma_start3A_145 : memref<5376x128xf32, #tpu.memory_space<vmem_shared>>) offsets(%dma_start3A_142 : memref<100xi32, #tpu.memory_space<vmem>>) semaphore(%run_scoped3A_139 : memref<!tpu.dma_semaphore, #tpu.memory_space<semaphore_mem>>) {add = true}
        %dma_wait3A_146 = arith.constant 0 : i32
        %dma_wait3A_147 = tpu.memref_slice %arg7[%add3A_130, %dma_wait3A_146] : memref<100x100xi32, #tpu.memory_space<vmem>> -> memref<1x100xi32, #tpu.memory_space<vmem>>
        %dma_wait3A_148 = tpu.memref_squeeze %dma_wait3A_147 : memref<1x100xi32, #tpu.memory_space<vmem>> -> memref<100xi32, #tpu.memory_space<vmem>>
        %dma_wait3A_149 = arith.constant 0 : i32
        %dma_wait3A_150 = arith.constant 0 : i32
        %dma_wait3A_151 = tpu.memref_slice %arg11[%dma_wait3A_149, %dma_wait3A_150] : memref<5376x128xf32, #tpu.memory_space<vmem_shared>> -> memref<5376x128xf32, #tpu.memory_space<vmem_shared>>
        tpu.wait_indirect_dma semaphore(%run_scoped3A_139 : memref<!tpu.dma_semaphore, #tpu.memory_space<semaphore_mem>>) src(%arg9 : memref<100x128xf32, #tpu.memory_space<vmem>>) dst(%dma_wait3A_151 : memref<5376x128xf32, #tpu.memory_space<vmem_shared>>)
        tpu.yield
      }) : () -> ()
      %add3A_131 = arith.constant 3 : i32
      %add3A_132 = arith.addi %mul3A_107, %add3A_131 : i32
      %dma_start3A_133 = arith.constant 0 : i32
      %dma_start3A_134 = tpu.memref_slice %arg6[%add3A_132, %dma_start3A_133] : memref<100x100xi32, #tpu.memory_space<vmem>> -> memref<1x100xi32, #tpu.memory_space<vmem>>
      %dma_start3A_135 = tpu.memref_squeeze %dma_start3A_134 : memref<1x100xi32, #tpu.memory_space<vmem>> -> memref<100xi32, #tpu.memory_space<vmem>>
      %dma_start3A_136 = arith.constant 0 : i32
      %dma_start3A_137 = arith.constant 0 : i32
      %dma_start3A_138 = tpu.memref_slice %arg2[%dma_start3A_136, %dma_start3A_137] : memref<20000x128xf32, #tpu.memory_space<hbm>> -> memref<20000x128xf32, #tpu.memory_space<hbm>>
      tpu.enqueue_indirect_dma source(%dma_start3A_138 : memref<20000x128xf32, #tpu.memory_space<hbm>>) target(%arg9 : memref<100x128xf32, #tpu.memory_space<vmem>>) offsets(%dma_start3A_135 : memref<100xi32, #tpu.memory_space<vmem>>) semaphore(%arg13 : memref<!tpu.dma_semaphore, #tpu.memory_space<semaphore_mem>>)
    }
    %scan3A_30 = arith.constant 49 : i32
    %dma_wait3A = arith.constant 98 : i32
    %dma_wait3A_31 = arith.constant 0 : i32
    %dma_wait3A_32 = tpu.memref_slice %arg6[%dma_wait3A, %dma_wait3A_31] : memref<100x100xi32, #tpu.memory_space<vmem>> -> memref<1x100xi32, #tpu.memory_space<vmem>>
    %dma_wait3A_33 = tpu.memref_squeeze %dma_wait3A_32 : memref<1x100xi32, #tpu.memory_space<vmem>> -> memref<100xi32, #tpu.memory_space<vmem>>
    %dma_wait3A_34 = arith.constant 0 : i32
    %dma_wait3A_35 = arith.constant 0 : i32
    %dma_wait3A_36 = tpu.memref_slice %arg2[%dma_wait3A_34, %dma_wait3A_35] : memref<20000x128xf32, #tpu.memory_space<hbm>> -> memref<20000x128xf32, #tpu.memory_space<hbm>>
    tpu.wait_indirect_dma semaphore(%arg12 : memref<!tpu.dma_semaphore, #tpu.memory_space<semaphore_mem>>) src(%dma_wait3A_36 : memref<20000x128xf32, #tpu.memory_space<hbm>>) dst(%arg8 : memref<100x128xf32, #tpu.memory_space<vmem>>)
    %run_scoped3A_37 = arith.constant 98 : i32
    "tpu.region"() ({
      %run_scoped3A_106 = tpu.sem_alloc : memref<!tpu.dma_semaphore, #tpu.memory_space<semaphore_mem>>
      %dma_start3A_107 = arith.constant 0 : i32
      %dma_start3A_108 = tpu.memref_slice %arg7[%run_scoped3A_37, %dma_start3A_107] : memref<100x100xi32, #tpu.memory_space<vmem>> -> memref<1x100xi32, #tpu.memory_space<vmem>>
      %dma_start3A_109 = tpu.memref_squeeze %dma_start3A_108 : memref<1x100xi32, #tpu.memory_space<vmem>> -> memref<100xi32, #tpu.memory_space<vmem>>
      %dma_start3A_110 = arith.constant 0 : i32
      %dma_start3A_111 = arith.constant 0 : i32
      %dma_start3A_112 = tpu.memref_slice %arg11[%dma_start3A_110, %dma_start3A_111] : memref<5376x128xf32, #tpu.memory_space<vmem_shared>> -> memref<5376x128xf32, #tpu.memory_space<vmem_shared>>
      tpu.enqueue_indirect_dma source(%arg8 : memref<100x128xf32, #tpu.memory_space<vmem>>) target(%dma_start3A_112 : memref<5376x128xf32, #tpu.memory_space<vmem_shared>>) offsets(%dma_start3A_109 : memref<100xi32, #tpu.memory_space<vmem>>) semaphore(%run_scoped3A_106 : memref<!tpu.dma_semaphore, #tpu.memory_space<semaphore_mem>>) {add = true}
      %dma_wait3A_113 = arith.constant 0 : i32
      %dma_wait3A_114 = tpu.memref_slice %arg7[%run_scoped3A_37, %dma_wait3A_113] : memref<100x100xi32, #tpu.memory_space<vmem>> -> memref<1x100xi32, #tpu.memory_space<vmem>>
      %dma_wait3A_115 = tpu.memref_squeeze %dma_wait3A_114 : memref<1x100xi32, #tpu.memory_space<vmem>> -> memref<100xi32, #tpu.memory_space<vmem>>
      %dma_wait3A_116 = arith.constant 0 : i32
      %dma_wait3A_117 = arith.constant 0 : i32
      %dma_wait3A_118 = tpu.memref_slice %arg11[%dma_wait3A_116, %dma_wait3A_117] : memref<5376x128xf32, #tpu.memory_space<vmem_shared>> -> memref<5376x128xf32, #tpu.memory_space<vmem_shared>>
      tpu.wait_indirect_dma semaphore(%run_scoped3A_106 : memref<!tpu.dma_semaphore, #tpu.memory_space<semaphore_mem>>) src(%arg8 : memref<100x128xf32, #tpu.memory_space<vmem>>) dst(%dma_wait3A_118 : memref<5376x128xf32, #tpu.memory_space<vmem_shared>>)
      tpu.yield
    }) : () -> ()
    %dma_wait3A_38 = arith.constant 99 : i32
    %dma_wait3A_39 = arith.constant 0 : i32
    %dma_wait3A_40 = tpu.memref_slice %arg6[%dma_wait3A_38, %dma_wait3A_39] : memref<100x100xi32, #tpu.memory_space<vmem>> -> memref<1x100xi32, #tpu.memory_space<vmem>>
    %dma_wait3A_41 = tpu.memref_squeeze %dma_wait3A_40 : memref<1x100xi32, #tpu.memory_space<vmem>> -> memref<100xi32, #tpu.memory_space<vmem>>
    %dma_wait3A_42 = arith.constant 0 : i32
    %dma_wait3A_43 = arith.constant 0 : i32
    %dma_wait3A_44 = tpu.memref_slice %arg2[%dma_wait3A_42, %dma_wait3A_43] : memref<20000x128xf32, #tpu.memory_space<hbm>> -> memref<20000x128xf32, #tpu.memory_space<hbm>>
    tpu.wait_indirect_dma semaphore(%arg13 : memref<!tpu.dma_semaphore, #tpu.memory_space<semaphore_mem>>) src(%dma_wait3A_44 : memref<20000x128xf32, #tpu.memory_space<hbm>>) dst(%arg9 : memref<100x128xf32, #tpu.memory_space<vmem>>)
    %run_scoped3A_45 = arith.constant 99 : i32
    "tpu.region"() ({
      %run_scoped3A_106 = tpu.sem_alloc : memref<!tpu.dma_semaphore, #tpu.memory_space<semaphore_mem>>
      %dma_start3A_107 = arith.constant 0 : i32
      %dma_start3A_108 = tpu.memref_slice %arg7[%run_scoped3A_45, %dma_start3A_107] : memref<100x100xi32, #tpu.memory_space<vmem>> -> memref<1x100xi32, #tpu.memory_space<vmem>>
      %dma_start3A_109 = tpu.memref_squeeze %dma_start3A_108 : memref<1x100xi32, #tpu.memory_space<vmem>> -> memref<100xi32, #tpu.memory_space<vmem>>
      %dma_start3A_110 = arith.constant 0 : i32
      %dma_start3A_111 = arith.constant 0 : i32
      %dma_start3A_112 = tpu.memref_slice %arg11[%dma_start3A_110, %dma_start3A_111] : memref<5376x128xf32, #tpu.memory_space<vmem_shared>> -> memref<5376x128xf32, #tpu.memory_space<vmem_shared>>
      tpu.enqueue_indirect_dma source(%arg9 : memref<100x128xf32, #tpu.memory_space<vmem>>) target(%dma_start3A_112 : memref<5376x128xf32, #tpu.memory_space<vmem_shared>>) offsets(%dma_start3A_109 : memref<100xi32, #tpu.memory_space<vmem>>) semaphore(%run_scoped3A_106 : memref<!tpu.dma_semaphore, #tpu.memory_space<semaphore_mem>>) {add = true}
      %dma_wait3A_113 = arith.constant 0 : i32
      %dma_wait3A_114 = tpu.memref_slice %arg7[%run_scoped3A_45, %dma_wait3A_113] : memref<100x100xi32, #tpu.memory_space<vmem>> -> memref<1x100xi32, #tpu.memory_space<vmem>>
      %dma_wait3A_115 = tpu.memref_squeeze %dma_wait3A_114 : memref<1x100xi32, #tpu.memory_space<vmem>> -> memref<100xi32, #tpu.memory_space<vmem>>
      %dma_wait3A_116 = arith.constant 0 : i32
      %dma_wait3A_117 = arith.constant 0 : i32
      %dma_wait3A_118 = tpu.memref_slice %arg11[%dma_wait3A_116, %dma_wait3A_117] : memref<5376x128xf32, #tpu.memory_space<vmem_shared>> -> memref<5376x128xf32, #tpu.memory_space<vmem_shared>>
      tpu.wait_indirect_dma semaphore(%run_scoped3A_106 : memref<!tpu.dma_semaphore, #tpu.memory_space<semaphore_mem>>) src(%arg9 : memref<100x128xf32, #tpu.memory_space<vmem>>) dst(%dma_wait3A_118 : memref<5376x128xf32, #tpu.memory_space<vmem_shared>>)
      tpu.yield
    }) : () -> ()
    %barrier3A_46 = arith.constant 0 : index
    tpu.barrier barrier_id(%barrier3A_46)
    %scan3A_47 = arith.constant 0 : i32
    %scan3A_48 = arith.constant 0 : i32
    %scan3A_49 = arith.constant 2 : i32
    %scan3A_50 = arith.addi %scan3A_48, %scan3A_49 : i32
    %scan3A_51 = arith.constant 1 : i32
    scf.for %scan3A_106 = %scan3A_48 to %scan3A_50 step %scan3A_51  : i32 {
      %mul3A = arith.constant 320 : i32
      %mul3A_107 = arith.muli %arg1, %mul3A : i32
      %mul3A_108 = arith.constant 160 : i32
      %mul3A_109 = arith.muli %scan3A_106, %mul3A_108 : i32
      %add3A = arith.addi %mul3A_107, %mul3A_109 : i32
      %mul3A_110 = arith.constant 320 : i32
      %mul3A_111 = arith.muli %arg1, %mul3A_110 : i32
      %add3A_112 = arith.constant 0 : i32
      %add3A_113 = arith.addi %add3A_112, %mul3A_111 : i32
      %mul3A_114 = arith.constant 160 : i32
      %mul3A_115 = arith.muli %scan3A_106, %mul3A_114 : i32
      %add3A_116 = arith.addi %add3A_113, %mul3A_115 : i32
      "tpu.region"() ({
        %run_scoped3A_117 = tpu.sem_alloc : memref<!tpu.dma_semaphore, #tpu.memory_space<semaphore_mem>>
        %dma_start3A_118 = arith.constant 0 : i32
        %dma_start3A_119 = tpu.memref_slice %arg5[%arg0, %add3A_116, %dma_start3A_118] : memref<2x10240x128xf32, #tpu.memory_space<hbm>> -> memref<1x160x128xf32, #tpu.memory_space<hbm>>
        %dma_start3A_120 = tpu.memref_squeeze %dma_start3A_119 : memref<1x160x128xf32, #tpu.memory_space<hbm>> -> memref<160x128xf32, #tpu.memory_space<hbm>>
        %dma_start3A_121 = arith.constant 0 : i32
        %dma_start3A_122 = tpu.memref_slice %arg11[%add3A, %dma_start3A_121] : memref<5376x128xf32, #tpu.memory_space<vmem_shared>> -> memref<160x128xf32, #tpu.memory_space<vmem_shared>>
        tpu.enqueue_dma source(%dma_start3A_122 : memref<160x128xf32, #tpu.memory_space<vmem_shared>>) target(%dma_start3A_120 : memref<160x128xf32, #tpu.memory_space<hbm>>) target_semaphore(%run_scoped3A_117 : memref<!tpu.dma_semaphore, #tpu.memory_space<semaphore_mem>>)
        %dma_wait3A_123 = arith.constant 0 : i32
        %dma_wait3A_124 = tpu.memref_slice %arg5[%arg0, %add3A_116, %dma_wait3A_123] : memref<2x10240x128xf32, #tpu.memory_space<hbm>> -> memref<1x160x128xf32, #tpu.memory_space<hbm>>
        %dma_wait3A_125 = tpu.memref_squeeze %dma_wait3A_124 : memref<1x160x128xf32, #tpu.memory_space<hbm>> -> memref<160x128xf32, #tpu.memory_space<hbm>>
        %dma_wait3A_126 = arith.constant 0 : i32
        %dma_wait3A_127 = tpu.memref_slice %arg11[%add3A, %dma_wait3A_126] : memref<5376x128xf32, #tpu.memory_space<vmem_shared>> -> memref<160x128xf32, #tpu.memory_space<vmem_shared>>
        tpu.wait_dma2 semaphore(%run_scoped3A_117 : memref<!tpu.dma_semaphore, #tpu.memory_space<semaphore_mem>>) src(%dma_wait3A_127 : memref<160x128xf32, #tpu.memory_space<vmem_shared>>) dst(%dma_wait3A_125 : memref<160x128xf32, #tpu.memory_space<hbm>>)
        tpu.yield
      }) : () -> ()
    }
    %scan3A_52 = arith.constant 2 : i32
    %barrier3A_53 = arith.constant 0 : index
    tpu.barrier barrier_id(%barrier3A_53)
    %run_scoped3A_54 = arith.constant 1 : i32
    "tpu.region"() ({
      %run_scoped3A_106 = tpu.sem_alloc : memref<!tpu.dma_semaphore, #tpu.memory_space<semaphore_mem>>
      %dma_start3A_107 = arith.constant 0 : i32
      %dma_start3A_108 = arith.constant 0 : i32
      %dma_start3A_109 = tpu.memref_slice %arg4[%run_scoped3A_54, %arg1, %dma_start3A_107, %dma_start3A_108] : memref<2x16x100x100xi32, #tpu.memory_space<hbm>> -> memref<1x1x100x100xi32, #tpu.memory_space<hbm>>
      %dma_start3A_110 = tpu.memref_squeeze %dma_start3A_109 : memref<1x1x100x100xi32, #tpu.memory_space<hbm>> -> memref<100x100xi32, #tpu.memory_space<hbm>>
      %dma_start3A_111 = arith.constant 0 : i32
      %dma_start3A_112 = arith.constant 0 : i32
      %dma_start3A_113 = tpu.memref_slice %arg4[%run_scoped3A_54, %arg1, %dma_start3A_111, %dma_start3A_112] : memref<2x16x100x100xi32, #tpu.memory_space<hbm>> -> memref<1x1x100x100xi32, #tpu.memory_space<hbm>>
      %dma_start3A_114 = tpu.memref_squeeze %dma_start3A_113 : memref<1x1x100x100xi32, #tpu.memory_space<hbm>> -> memref<100x100xi32, #tpu.memory_space<hbm>>
      tpu.enqueue_dma source(%dma_start3A_114 : memref<100x100xi32, #tpu.memory_space<hbm>>) target(%arg7 : memref<100x100xi32, #tpu.memory_space<vmem>>) target_semaphore(%run_scoped3A_106 : memref<!tpu.dma_semaphore, #tpu.memory_space<semaphore_mem>>)
      %dma_wait3A_115 = arith.constant 0 : i32
      %dma_wait3A_116 = arith.constant 0 : i32
      %dma_wait3A_117 = tpu.memref_slice %arg4[%run_scoped3A_54, %arg1, %dma_wait3A_115, %dma_wait3A_116] : memref<2x16x100x100xi32, #tpu.memory_space<hbm>> -> memref<1x1x100x100xi32, #tpu.memory_space<hbm>>
      %dma_wait3A_118 = tpu.memref_squeeze %dma_wait3A_117 : memref<1x1x100x100xi32, #tpu.memory_space<hbm>> -> memref<100x100xi32, #tpu.memory_space<hbm>>
      %dma_wait3A_119 = arith.constant 0 : i32
      %dma_wait3A_120 = arith.constant 0 : i32
      %dma_wait3A_121 = tpu.memref_slice %arg4[%run_scoped3A_54, %arg1, %dma_wait3A_119, %dma_wait3A_120] : memref<2x16x100x100xi32, #tpu.memory_space<hbm>> -> memref<1x1x100x100xi32, #tpu.memory_space<hbm>>
      %dma_wait3A_122 = tpu.memref_squeeze %dma_wait3A_121 : memref<1x1x100x100xi32, #tpu.memory_space<hbm>> -> memref<100x100xi32, #tpu.memory_space<hbm>>
      tpu.wait_dma2 semaphore(%run_scoped3A_106 : memref<!tpu.dma_semaphore, #tpu.memory_space<semaphore_mem>>) src(%dma_wait3A_122 : memref<100x100xi32, #tpu.memory_space<hbm>>) dst(%arg7 : memref<100x100xi32, #tpu.memory_space<vmem>>)
      tpu.yield
    }) : () -> ()
    %scan3A_55 = arith.constant 0 : i32
    %scan3A_56 = arith.constant 0 : i32
    %scan3A_57 = arith.constant 2 : i32
    %scan3A_58 = arith.addi %scan3A_56, %scan3A_57 : i32
    %scan3A_59 = arith.constant 1 : i32
    scf.for %scan3A_106 = %scan3A_56 to %scan3A_58 step %scan3A_59  : i32 {
      %mul3A = arith.constant 336 : i32
      %mul3A_107 = arith.muli %arg1, %mul3A : i32
      %mul3A_108 = arith.constant 168 : i32
      %mul3A_109 = arith.muli %scan3A_106, %mul3A_108 : i32
      %add3A = arith.addi %mul3A_107, %mul3A_109 : i32
      "tpu.region"() ({
        %run_scoped3A_110 = tpu.sem_alloc : memref<!tpu.dma_semaphore, #tpu.memory_space<semaphore_mem>>
        %dma_start3A_111 = arith.constant 0 : i32
        %dma_start3A_112 = arith.constant 0 : i32
        %dma_start3A_113 = tpu.memref_slice %arg10[%dma_start3A_111, %dma_start3A_112] : memref<168x128xf32, #tpu.memory_space<vmem>> -> memref<168x128xf32, #tpu.memory_space<vmem>>
        %dma_start3A_114 = arith.constant 0 : i32
        %dma_start3A_115 = tpu.memref_slice %arg11[%add3A, %dma_start3A_114] : memref<5376x128xf32, #tpu.memory_space<vmem_shared>> -> memref<168x128xf32, #tpu.memory_space<vmem_shared>>
        %dma_start3A_116 = arith.constant 0 : i32
        %dma_start3A_117 = tpu.memref_slice %arg11[%add3A, %dma_start3A_116] : memref<5376x128xf32, #tpu.memory_space<vmem_shared>> -> memref<168x128xf32, #tpu.memory_space<vmem_shared>>
        %dma_start3A_118 = arith.constant 0 : i32
        %dma_start3A_119 = arith.constant 0 : i32
        %dma_start3A_120 = tpu.memref_slice %arg10[%dma_start3A_118, %dma_start3A_119] : memref<168x128xf32, #tpu.memory_space<vmem>> -> memref<168x128xf32, #tpu.memory_space<vmem>>
        tpu.enqueue_dma source(%dma_start3A_120 : memref<168x128xf32, #tpu.memory_space<vmem>>) target(%dma_start3A_117 : memref<168x128xf32, #tpu.memory_space<vmem_shared>>) target_semaphore(%run_scoped3A_110 : memref<!tpu.dma_semaphore, #tpu.memory_space<semaphore_mem>>)
        %dma_wait3A_121 = arith.constant 0 : i32
        %dma_wait3A_122 = arith.constant 0 : i32
        %dma_wait3A_123 = tpu.memref_slice %arg10[%dma_wait3A_121, %dma_wait3A_122] : memref<168x128xf32, #tpu.memory_space<vmem>> -> memref<168x128xf32, #tpu.memory_space<vmem>>
        %dma_wait3A_124 = arith.constant 0 : i32
        %dma_wait3A_125 = tpu.memref_slice %arg11[%add3A, %dma_wait3A_124] : memref<5376x128xf32, #tpu.memory_space<vmem_shared>> -> memref<168x128xf32, #tpu.memory_space<vmem_shared>>
        %dma_wait3A_126 = arith.constant 0 : i32
        %dma_wait3A_127 = tpu.memref_slice %arg11[%add3A, %dma_wait3A_126] : memref<5376x128xf32, #tpu.memory_space<vmem_shared>> -> memref<168x128xf32, #tpu.memory_space<vmem_shared>>
        %dma_wait3A_128 = arith.constant 0 : i32
        %dma_wait3A_129 = arith.constant 0 : i32
        %dma_wait3A_130 = tpu.memref_slice %arg10[%dma_wait3A_128, %dma_wait3A_129] : memref<168x128xf32, #tpu.memory_space<vmem>> -> memref<168x128xf32, #tpu.memory_space<vmem>>
        tpu.wait_dma2 semaphore(%run_scoped3A_110 : memref<!tpu.dma_semaphore, #tpu.memory_space<semaphore_mem>>) src(%dma_wait3A_130 : memref<168x128xf32, #tpu.memory_space<vmem>>) dst(%dma_wait3A_127 : memref<168x128xf32, #tpu.memory_space<vmem_shared>>)
        tpu.yield
      }) : () -> ()
    }
    %scan3A_60 = arith.constant 2 : i32
    %barrier3A_61 = arith.constant 0 : index
    tpu.barrier barrier_id(%barrier3A_61)
    %dma_start3A_62 = arith.constant 0 : i32
    %dma_start3A_63 = arith.constant 0 : i32
    %dma_start3A_64 = tpu.memref_slice %arg6[%dma_start3A_62, %dma_start3A_63] : memref<100x100xi32, #tpu.memory_space<vmem>> -> memref<1x100xi32, #tpu.memory_space<vmem>>
    %dma_start3A_65 = tpu.memref_squeeze %dma_start3A_64 : memref<1x100xi32, #tpu.memory_space<vmem>> -> memref<100xi32, #tpu.memory_space<vmem>>
    %dma_start3A_66 = arith.constant 0 : i32
    %dma_start3A_67 = arith.constant 0 : i32
    %dma_start3A_68 = tpu.memref_slice %arg2[%dma_start3A_66, %dma_start3A_67] : memref<20000x128xf32, #tpu.memory_space<hbm>> -> memref<20000x128xf32, #tpu.memory_space<hbm>>
    tpu.enqueue_indirect_dma source(%dma_start3A_68 : memref<20000x128xf32, #tpu.memory_space<hbm>>) target(%arg8 : memref<100x128xf32, #tpu.memory_space<vmem>>) offsets(%dma_start3A_65 : memref<100xi32, #tpu.memory_space<vmem>>) semaphore(%arg12 : memref<!tpu.dma_semaphore, #tpu.memory_space<semaphore_mem>>)
    %dma_start3A_69 = arith.constant 1 : i32
    %dma_start3A_70 = arith.constant 0 : i32
    %dma_start3A_71 = tpu.memref_slice %arg6[%dma_start3A_69, %dma_start3A_70] : memref<100x100xi32, #tpu.memory_space<vmem>> -> memref<1x100xi32, #tpu.memory_space<vmem>>
    %dma_start3A_72 = tpu.memref_squeeze %dma_start3A_71 : memref<1x100xi32, #tpu.memory_space<vmem>> -> memref<100xi32, #tpu.memory_space<vmem>>
    %dma_start3A_73 = arith.constant 0 : i32
    %dma_start3A_74 = arith.constant 0 : i32
    %dma_start3A_75 = tpu.memref_slice %arg2[%dma_start3A_73, %dma_start3A_74] : memref<20000x128xf32, #tpu.memory_space<hbm>> -> memref<20000x128xf32, #tpu.memory_space<hbm>>
    tpu.enqueue_indirect_dma source(%dma_start3A_75 : memref<20000x128xf32, #tpu.memory_space<hbm>>) target(%arg9 : memref<100x128xf32, #tpu.memory_space<vmem>>) offsets(%dma_start3A_72 : memref<100xi32, #tpu.memory_space<vmem>>) semaphore(%arg13 : memref<!tpu.dma_semaphore, #tpu.memory_space<semaphore_mem>>)
    %scan3A_76 = arith.constant 0 : i32
    %scan3A_77 = arith.constant 0 : i32
    %scan3A_78 = arith.constant 49 : i32
    %scan3A_79 = arith.addi %scan3A_77, %scan3A_78 : i32
    %scan3A_80 = arith.constant 1 : i32
    scf.for %scan3A_106 = %scan3A_77 to %scan3A_79 step %scan3A_80  : i32 {
      %mul3A = arith.constant 2 : i32
      %mul3A_107 = arith.muli %mul3A, %scan3A_106 : i32
      %dma_wait3A_108 = arith.constant 0 : i32
      %dma_wait3A_109 = tpu.memref_slice %arg6[%mul3A_107, %dma_wait3A_108] : memref<100x100xi32, #tpu.memory_space<vmem>> -> memref<1x100xi32, #tpu.memory_space<vmem>>
      %dma_wait3A_110 = tpu.memref_squeeze %dma_wait3A_109 : memref<1x100xi32, #tpu.memory_space<vmem>> -> memref<100xi32, #tpu.memory_space<vmem>>
      %dma_wait3A_111 = arith.constant 0 : i32
      %dma_wait3A_112 = arith.constant 0 : i32
      %dma_wait3A_113 = tpu.memref_slice %arg2[%dma_wait3A_111, %dma_wait3A_112] : memref<20000x128xf32, #tpu.memory_space<hbm>> -> memref<20000x128xf32, #tpu.memory_space<hbm>>
      tpu.wait_indirect_dma semaphore(%arg12 : memref<!tpu.dma_semaphore, #tpu.memory_space<semaphore_mem>>) src(%dma_wait3A_113 : memref<20000x128xf32, #tpu.memory_space<hbm>>) dst(%arg8 : memref<100x128xf32, #tpu.memory_space<vmem>>)
      "tpu.region"() ({
        %run_scoped3A_139 = tpu.sem_alloc : memref<!tpu.dma_semaphore, #tpu.memory_space<semaphore_mem>>
        %dma_start3A_140 = arith.constant 0 : i32
        %dma_start3A_141 = tpu.memref_slice %arg7[%mul3A_107, %dma_start3A_140] : memref<100x100xi32, #tpu.memory_space<vmem>> -> memref<1x100xi32, #tpu.memory_space<vmem>>
        %dma_start3A_142 = tpu.memref_squeeze %dma_start3A_141 : memref<1x100xi32, #tpu.memory_space<vmem>> -> memref<100xi32, #tpu.memory_space<vmem>>
        %dma_start3A_143 = arith.constant 0 : i32
        %dma_start3A_144 = arith.constant 0 : i32
        %dma_start3A_145 = tpu.memref_slice %arg11[%dma_start3A_143, %dma_start3A_144] : memref<5376x128xf32, #tpu.memory_space<vmem_shared>> -> memref<5376x128xf32, #tpu.memory_space<vmem_shared>>
        tpu.enqueue_indirect_dma source(%arg8 : memref<100x128xf32, #tpu.memory_space<vmem>>) target(%dma_start3A_145 : memref<5376x128xf32, #tpu.memory_space<vmem_shared>>) offsets(%dma_start3A_142 : memref<100xi32, #tpu.memory_space<vmem>>) semaphore(%run_scoped3A_139 : memref<!tpu.dma_semaphore, #tpu.memory_space<semaphore_mem>>) {add = true}
        %dma_wait3A_146 = arith.constant 0 : i32
        %dma_wait3A_147 = tpu.memref_slice %arg7[%mul3A_107, %dma_wait3A_146] : memref<100x100xi32, #tpu.memory_space<vmem>> -> memref<1x100xi32, #tpu.memory_space<vmem>>
        %dma_wait3A_148 = tpu.memref_squeeze %dma_wait3A_147 : memref<1x100xi32, #tpu.memory_space<vmem>> -> memref<100xi32, #tpu.memory_space<vmem>>
        %dma_wait3A_149 = arith.constant 0 : i32
        %dma_wait3A_150 = arith.constant 0 : i32
        %dma_wait3A_151 = tpu.memref_slice %arg11[%dma_wait3A_149, %dma_wait3A_150] : memref<5376x128xf32, #tpu.memory_space<vmem_shared>> -> memref<5376x128xf32, #tpu.memory_space<vmem_shared>>
        tpu.wait_indirect_dma semaphore(%run_scoped3A_139 : memref<!tpu.dma_semaphore, #tpu.memory_space<semaphore_mem>>) src(%arg8 : memref<100x128xf32, #tpu.memory_space<vmem>>) dst(%dma_wait3A_151 : memref<5376x128xf32, #tpu.memory_space<vmem_shared>>)
        tpu.yield
      }) : () -> ()
      %add3A = arith.constant 2 : i32
      %add3A_114 = arith.addi %mul3A_107, %add3A : i32
      %dma_start3A_115 = arith.constant 0 : i32
      %dma_start3A_116 = tpu.memref_slice %arg6[%add3A_114, %dma_start3A_115] : memref<100x100xi32, #tpu.memory_space<vmem>> -> memref<1x100xi32, #tpu.memory_space<vmem>>
      %dma_start3A_117 = tpu.memref_squeeze %dma_start3A_116 : memref<1x100xi32, #tpu.memory_space<vmem>> -> memref<100xi32, #tpu.memory_space<vmem>>
      %dma_start3A_118 = arith.constant 0 : i32
      %dma_start3A_119 = arith.constant 0 : i32
      %dma_start3A_120 = tpu.memref_slice %arg2[%dma_start3A_118, %dma_start3A_119] : memref<20000x128xf32, #tpu.memory_space<hbm>> -> memref<20000x128xf32, #tpu.memory_space<hbm>>
      tpu.enqueue_indirect_dma source(%dma_start3A_120 : memref<20000x128xf32, #tpu.memory_space<hbm>>) target(%arg8 : memref<100x128xf32, #tpu.memory_space<vmem>>) offsets(%dma_start3A_117 : memref<100xi32, #tpu.memory_space<vmem>>) semaphore(%arg12 : memref<!tpu.dma_semaphore, #tpu.memory_space<semaphore_mem>>)
      %add3A_121 = arith.constant 1 : i32
      %add3A_122 = arith.addi %mul3A_107, %add3A_121 : i32
      %dma_wait3A_123 = arith.constant 0 : i32
      %dma_wait3A_124 = tpu.memref_slice %arg6[%add3A_122, %dma_wait3A_123] : memref<100x100xi32, #tpu.memory_space<vmem>> -> memref<1x100xi32, #tpu.memory_space<vmem>>
      %dma_wait3A_125 = tpu.memref_squeeze %dma_wait3A_124 : memref<1x100xi32, #tpu.memory_space<vmem>> -> memref<100xi32, #tpu.memory_space<vmem>>
      %dma_wait3A_126 = arith.constant 0 : i32
      %dma_wait3A_127 = arith.constant 0 : i32
      %dma_wait3A_128 = tpu.memref_slice %arg2[%dma_wait3A_126, %dma_wait3A_127] : memref<20000x128xf32, #tpu.memory_space<hbm>> -> memref<20000x128xf32, #tpu.memory_space<hbm>>
      tpu.wait_indirect_dma semaphore(%arg13 : memref<!tpu.dma_semaphore, #tpu.memory_space<semaphore_mem>>) src(%dma_wait3A_128 : memref<20000x128xf32, #tpu.memory_space<hbm>>) dst(%arg9 : memref<100x128xf32, #tpu.memory_space<vmem>>)
      %add3A_129 = arith.constant 1 : i32
      %add3A_130 = arith.addi %mul3A_107, %add3A_129 : i32
      "tpu.region"() ({
        %run_scoped3A_139 = tpu.sem_alloc : memref<!tpu.dma_semaphore, #tpu.memory_space<semaphore_mem>>
        %dma_start3A_140 = arith.constant 0 : i32
        %dma_start3A_141 = tpu.memref_slice %arg7[%add3A_130, %dma_start3A_140] : memref<100x100xi32, #tpu.memory_space<vmem>> -> memref<1x100xi32, #tpu.memory_space<vmem>>
        %dma_start3A_142 = tpu.memref_squeeze %dma_start3A_141 : memref<1x100xi32, #tpu.memory_space<vmem>> -> memref<100xi32, #tpu.memory_space<vmem>>
        %dma_start3A_143 = arith.constant 0 : i32
        %dma_start3A_144 = arith.constant 0 : i32
        %dma_start3A_145 = tpu.memref_slice %arg11[%dma_start3A_143, %dma_start3A_144] : memref<5376x128xf32, #tpu.memory_space<vmem_shared>> -> memref<5376x128xf32, #tpu.memory_space<vmem_shared>>
        tpu.enqueue_indirect_dma source(%arg9 : memref<100x128xf32, #tpu.memory_space<vmem>>) target(%dma_start3A_145 : memref<5376x128xf32, #tpu.memory_space<vmem_shared>>) offsets(%dma_start3A_142 : memref<100xi32, #tpu.memory_space<vmem>>) semaphore(%run_scoped3A_139 : memref<!tpu.dma_semaphore, #tpu.memory_space<semaphore_mem>>) {add = true}
        %dma_wait3A_146 = arith.constant 0 : i32
        %dma_wait3A_147 = tpu.memref_slice %arg7[%add3A_130, %dma_wait3A_146] : memref<100x100xi32, #tpu.memory_space<vmem>> -> memref<1x100xi32, #tpu.memory_space<vmem>>
        %dma_wait3A_148 = tpu.memref_squeeze %dma_wait3A_147 : memref<1x100xi32, #tpu.memory_space<vmem>> -> memref<100xi32, #tpu.memory_space<vmem>>
        %dma_wait3A_149 = arith.constant 0 : i32
        %dma_wait3A_150 = arith.constant 0 : i32
        %dma_wait3A_151 = tpu.memref_slice %arg11[%dma_wait3A_149, %dma_wait3A_150] : memref<5376x128xf32, #tpu.memory_space<vmem_shared>> -> memref<5376x128xf32, #tpu.memory_space<vmem_shared>>
        tpu.wait_indirect_dma semaphore(%run_scoped3A_139 : memref<!tpu.dma_semaphore, #tpu.memory_space<semaphore_mem>>) src(%arg9 : memref<100x128xf32, #tpu.memory_space<vmem>>) dst(%dma_wait3A_151 : memref<5376x128xf32, #tpu.memory_space<vmem_shared>>)
        tpu.yield
      }) : () -> ()
      %add3A_131 = arith.constant 3 : i32
      %add3A_132 = arith.addi %mul3A_107, %add3A_131 : i32
      %dma_start3A_133 = arith.constant 0 : i32
      %dma_start3A_134 = tpu.memref_slice %arg6[%add3A_132, %dma_start3A_133] : memref<100x100xi32, #tpu.memory_space<vmem>> -> memref<1x100xi32, #tpu.memory_space<vmem>>
      %dma_start3A_135 = tpu.memref_squeeze %dma_start3A_134 : memref<1x100xi32, #tpu.memory_space<vmem>> -> memref<100xi32, #tpu.memory_space<vmem>>
      %dma_start3A_136 = arith.constant 0 : i32
      %dma_start3A_137 = arith.constant 0 : i32
      %dma_start3A_138 = tpu.memref_slice %arg2[%dma_start3A_136, %dma_start3A_137] : memref<20000x128xf32, #tpu.memory_space<hbm>> -> memref<20000x128xf32, #tpu.memory_space<hbm>>
      tpu.enqueue_indirect_dma source(%dma_start3A_138 : memref<20000x128xf32, #tpu.memory_space<hbm>>) target(%arg9 : memref<100x128xf32, #tpu.memory_space<vmem>>) offsets(%dma_start3A_135 : memref<100xi32, #tpu.memory_space<vmem>>) semaphore(%arg13 : memref<!tpu.dma_semaphore, #tpu.memory_space<semaphore_mem>>)
    }
    %scan3A_81 = arith.constant 49 : i32
    %dma_wait3A_82 = arith.constant 98 : i32
    %dma_wait3A_83 = arith.constant 0 : i32
    %dma_wait3A_84 = tpu.memref_slice %arg6[%dma_wait3A_82, %dma_wait3A_83] : memref<100x100xi32, #tpu.memory_space<vmem>> -> memref<1x100xi32, #tpu.memory_space<vmem>>
    %dma_wait3A_85 = tpu.memref_squeeze %dma_wait3A_84 : memref<1x100xi32, #tpu.memory_space<vmem>> -> memref<100xi32, #tpu.memory_space<vmem>>
    %dma_wait3A_86 = arith.constant 0 : i32
    %dma_wait3A_87 = arith.constant 0 : i32
    %dma_wait3A_88 = tpu.memref_slice %arg2[%dma_wait3A_86, %dma_wait3A_87] : memref<20000x128xf32, #tpu.memory_space<hbm>> -> memref<20000x128xf32, #tpu.memory_space<hbm>>
    tpu.wait_indirect_dma semaphore(%arg12 : memref<!tpu.dma_semaphore, #tpu.memory_space<semaphore_mem>>) src(%dma_wait3A_88 : memref<20000x128xf32, #tpu.memory_space<hbm>>) dst(%arg8 : memref<100x128xf32, #tpu.memory_space<vmem>>)
    %run_scoped3A_89 = arith.constant 98 : i32
    "tpu.region"() ({
      %run_scoped3A_106 = tpu.sem_alloc : memref<!tpu.dma_semaphore, #tpu.memory_space<semaphore_mem>>
      %dma_start3A_107 = arith.constant 0 : i32
      %dma_start3A_108 = tpu.memref_slice %arg7[%run_scoped3A_89, %dma_start3A_107] : memref<100x100xi32, #tpu.memory_space<vmem>> -> memref<1x100xi32, #tpu.memory_space<vmem>>
      %dma_start3A_109 = tpu.memref_squeeze %dma_start3A_108 : memref<1x100xi32, #tpu.memory_space<vmem>> -> memref<100xi32, #tpu.memory_space<vmem>>
      %dma_start3A_110 = arith.constant 0 : i32
      %dma_start3A_111 = arith.constant 0 : i32
      %dma_start3A_112 = tpu.memref_slice %arg11[%dma_start3A_110, %dma_start3A_111] : memref<5376x128xf32, #tpu.memory_space<vmem_shared>> -> memref<5376x128xf32, #tpu.memory_space<vmem_shared>>
      tpu.enqueue_indirect_dma source(%arg8 : memref<100x128xf32, #tpu.memory_space<vmem>>) target(%dma_start3A_112 : memref<5376x128xf32, #tpu.memory_space<vmem_shared>>) offsets(%dma_start3A_109 : memref<100xi32, #tpu.memory_space<vmem>>) semaphore(%run_scoped3A_106 : memref<!tpu.dma_semaphore, #tpu.memory_space<semaphore_mem>>) {add = true}
      %dma_wait3A_113 = arith.constant 0 : i32
      %dma_wait3A_114 = tpu.memref_slice %arg7[%run_scoped3A_89, %dma_wait3A_113] : memref<100x100xi32, #tpu.memory_space<vmem>> -> memref<1x100xi32, #tpu.memory_space<vmem>>
      %dma_wait3A_115 = tpu.memref_squeeze %dma_wait3A_114 : memref<1x100xi32, #tpu.memory_space<vmem>> -> memref<100xi32, #tpu.memory_space<vmem>>
      %dma_wait3A_116 = arith.constant 0 : i32
      %dma_wait3A_117 = arith.constant 0 : i32
      %dma_wait3A_118 = tpu.memref_slice %arg11[%dma_wait3A_116, %dma_wait3A_117] : memref<5376x128xf32, #tpu.memory_space<vmem_shared>> -> memref<5376x128xf32, #tpu.memory_space<vmem_shared>>
      tpu.wait_indirect_dma semaphore(%run_scoped3A_106 : memref<!tpu.dma_semaphore, #tpu.memory_space<semaphore_mem>>) src(%arg8 : memref<100x128xf32, #tpu.memory_space<vmem>>) dst(%dma_wait3A_118 : memref<5376x128xf32, #tpu.memory_space<vmem_shared>>)
      tpu.yield
    }) : () -> ()
    %dma_wait3A_90 = arith.constant 99 : i32
    %dma_wait3A_91 = arith.constant 0 : i32
    %dma_wait3A_92 = tpu.memref_slice %arg6[%dma_wait3A_90, %dma_wait3A_91] : memref<100x100xi32, #tpu.memory_space<vmem>> -> memref<1x100xi32, #tpu.memory_space<vmem>>
    %dma_wait3A_93 = tpu.memref_squeeze %dma_wait3A_92 : memref<1x100xi32, #tpu.memory_space<vmem>> -> memref<100xi32, #tpu.memory_space<vmem>>
    %dma_wait3A_94 = arith.constant 0 : i32
    %dma_wait3A_95 = arith.constant 0 : i32
    %dma_wait3A_96 = tpu.memref_slice %arg2[%dma_wait3A_94, %dma_wait3A_95] : memref<20000x128xf32, #tpu.memory_space<hbm>> -> memref<20000x128xf32, #tpu.memory_space<hbm>>
    tpu.wait_indirect_dma semaphore(%arg13 : memref<!tpu.dma_semaphore, #tpu.memory_space<semaphore_mem>>) src(%dma_wait3A_96 : memref<20000x128xf32, #tpu.memory_space<hbm>>) dst(%arg9 : memref<100x128xf32, #tpu.memory_space<vmem>>)
    %run_scoped3A_97 = arith.constant 99 : i32
    "tpu.region"() ({
      %run_scoped3A_106 = tpu.sem_alloc : memref<!tpu.dma_semaphore, #tpu.memory_space<semaphore_mem>>
      %dma_start3A_107 = arith.constant 0 : i32
      %dma_start3A_108 = tpu.memref_slice %arg7[%run_scoped3A_97, %dma_start3A_107] : memref<100x100xi32, #tpu.memory_space<vmem>> -> memref<1x100xi32, #tpu.memory_space<vmem>>
      %dma_start3A_109 = tpu.memref_squeeze %dma_start3A_108 : memref<1x100xi32, #tpu.memory_space<vmem>> -> memref<100xi32, #tpu.memory_space<vmem>>
      %dma_start3A_110 = arith.constant 0 : i32
      %dma_start3A_111 = arith.constant 0 : i32
      %dma_start3A_112 = tpu.memref_slice %arg11[%dma_start3A_110, %dma_start3A_111] : memref<5376x128xf32, #tpu.memory_space<vmem_shared>> -> memref<5376x128xf32, #tpu.memory_space<vmem_shared>>
      tpu.enqueue_indirect_dma source(%arg9 : memref<100x128xf32, #tpu.memory_space<vmem>>) target(%dma_start3A_112 : memref<5376x128xf32, #tpu.memory_space<vmem_shared>>) offsets(%dma_start3A_109 : memref<100xi32, #tpu.memory_space<vmem>>) semaphore(%run_scoped3A_106 : memref<!tpu.dma_semaphore, #tpu.memory_space<semaphore_mem>>) {add = true}
      %dma_wait3A_113 = arith.constant 0 : i32
      %dma_wait3A_114 = tpu.memref_slice %arg7[%run_scoped3A_97, %dma_wait3A_113] : memref<100x100xi32, #tpu.memory_space<vmem>> -> memref<1x100xi32, #tpu.memory_space<vmem>>
      %dma_wait3A_115 = tpu.memref_squeeze %dma_wait3A_114 : memref<1x100xi32, #tpu.memory_space<vmem>> -> memref<100xi32, #tpu.memory_space<vmem>>
      %dma_wait3A_116 = arith.constant 0 : i32
      %dma_wait3A_117 = arith.constant 0 : i32
      %dma_wait3A_118 = tpu.memref_slice %arg11[%dma_wait3A_116, %dma_wait3A_117] : memref<5376x128xf32, #tpu.memory_space<vmem_shared>> -> memref<5376x128xf32, #tpu.memory_space<vmem_shared>>
      tpu.wait_indirect_dma semaphore(%run_scoped3A_106 : memref<!tpu.dma_semaphore, #tpu.memory_space<semaphore_mem>>) src(%arg9 : memref<100x128xf32, #tpu.memory_space<vmem>>) dst(%dma_wait3A_118 : memref<5376x128xf32, #tpu.memory_space<vmem_shared>>)
      tpu.yield
    }) : () -> ()
    %barrier3A_98 = arith.constant 0 : index
    tpu.barrier barrier_id(%barrier3A_98)
    %scan3A_99 = arith.constant 0 : i32
    %scan3A_100 = arith.constant 0 : i32
    %scan3A_101 = arith.constant 2 : i32
    %scan3A_102 = arith.addi %scan3A_100, %scan3A_101 : i32
    %scan3A_103 = arith.constant 1 : i32
    scf.for %scan3A_106 = %scan3A_100 to %scan3A_102 step %scan3A_103  : i32 {
      %mul3A = arith.constant 320 : i32
      %mul3A_107 = arith.muli %arg1, %mul3A : i32
      %mul3A_108 = arith.constant 160 : i32
      %mul3A_109 = arith.muli %scan3A_106, %mul3A_108 : i32
      %add3A = arith.addi %mul3A_107, %mul3A_109 : i32
      %mul3A_110 = arith.constant 320 : i32
      %mul3A_111 = arith.muli %arg1, %mul3A_110 : i32
      %add3A_112 = arith.constant 5120 : i32
      %add3A_113 = arith.addi %add3A_112, %mul3A_111 : i32
      %mul3A_114 = arith.constant 160 : i32
      %mul3A_115 = arith.muli %scan3A_106, %mul3A_114 : i32
      %add3A_116 = arith.addi %add3A_113, %mul3A_115 : i32
      "tpu.region"() ({
        %run_scoped3A_117 = tpu.sem_alloc : memref<!tpu.dma_semaphore, #tpu.memory_space<semaphore_mem>>
        %dma_start3A_118 = arith.constant 0 : i32
        %dma_start3A_119 = tpu.memref_slice %arg5[%arg0, %add3A_116, %dma_start3A_118] : memref<2x10240x128xf32, #tpu.memory_space<hbm>> -> memref<1x160x128xf32, #tpu.memory_space<hbm>>
        %dma_start3A_120 = tpu.memref_squeeze %dma_start3A_119 : memref<1x160x128xf32, #tpu.memory_space<hbm>> -> memref<160x128xf32, #tpu.memory_space<hbm>>
        %dma_start3A_121 = arith.constant 0 : i32
        %dma_start3A_122 = tpu.memref_slice %arg11[%add3A, %dma_start3A_121] : memref<5376x128xf32, #tpu.memory_space<vmem_shared>> -> memref<160x128xf32, #tpu.memory_space<vmem_shared>>
        tpu.enqueue_dma source(%dma_start3A_122 : memref<160x128xf32, #tpu.memory_space<vmem_shared>>) target(%dma_start3A_120 : memref<160x128xf32, #tpu.memory_space<hbm>>) target_semaphore(%run_scoped3A_117 : memref<!tpu.dma_semaphore, #tpu.memory_space<semaphore_mem>>)
        %dma_wait3A_123 = arith.constant 0 : i32
        %dma_wait3A_124 = tpu.memref_slice %arg5[%arg0, %add3A_116, %dma_wait3A_123] : memref<2x10240x128xf32, #tpu.memory_space<hbm>> -> memref<1x160x128xf32, #tpu.memory_space<hbm>>
        %dma_wait3A_125 = tpu.memref_squeeze %dma_wait3A_124 : memref<1x160x128xf32, #tpu.memory_space<hbm>> -> memref<160x128xf32, #tpu.memory_space<hbm>>
        %dma_wait3A_126 = arith.constant 0 : i32
        %dma_wait3A_127 = tpu.memref_slice %arg11[%add3A, %dma_wait3A_126] : memref<5376x128xf32, #tpu.memory_space<vmem_shared>> -> memref<160x128xf32, #tpu.memory_space<vmem_shared>>
        tpu.wait_dma2 semaphore(%run_scoped3A_117 : memref<!tpu.dma_semaphore, #tpu.memory_space<semaphore_mem>>) src(%dma_wait3A_127 : memref<160x128xf32, #tpu.memory_space<vmem_shared>>) dst(%dma_wait3A_125 : memref<160x128xf32, #tpu.memory_space<hbm>>)
        tpu.yield
      }) : () -> ()
    }
    %scan3A_104 = arith.constant 2 : i32
    %barrier3A_105 = arith.constant 0 : index
    tpu.barrier barrier_id(%barrier3A_105)
    return
  }
}

module attributes {stable_mosaic.version = 14 : i64} {
  func.func @_k1_body(%arg0: i32, %arg1: memref<2000x256xf32, #tpu.memory_space<vmem>>, %arg2: memref<256x256xf32, #tpu.memory_space<vmem>>, %arg3: memref<2x2000x128xf32, #tpu.memory_space<vmem>>, %arg4: memref<2x2000x128xf32, #tpu.memory_space<vmem>>) attributes {dimension_semantics = [#tpu.dimension_semantics<arbitrary>], iteration_bounds = array<i64: 5>, scalar_prefetch = 0 : i64, scratch_operands = 0 : i64, tpu.core_type = #tpu.core_type<tc>, window_params = [{transform_indices = @transform_0, window_bounds = array<i64: 2000, 256>}, {pipeline_mode = #tpu.pipeline_mode<synchronous>, transform_indices = @transform_1, window_bounds = array<i64: 256, 256>}, {transform_indices = @transform_2, window_bounds = array<i64: 2, 2000, 128>}, {transform_indices = @transform_3, window_bounds = array<i64: 2, 2000, 128>}]} {
    %get3A = arith.constant 0 : index
    %get3A_0 = arith.constant 0 : index
    %get3A_1 = arith.constant 0 : index
    %get3A_2 = vector.load %arg3[%get3A, %get3A_0, %get3A_1] : memref<2x2000x128xf32, #tpu.memory_space<vmem>>, vector<1x2000x128xf32>
    %get3A_3 = vector.shape_cast %get3A_2 : vector<1x2000x128xf32> to vector<2000x128xf32>
    %slice3A = vector.extract_strided_slice %get3A_3 {offsets = [0, 0], sizes = [2000, 1], strides = [1, 1]} : vector<2000x128xf32> to vector<2000x1xf32>
    %get3A_4 = arith.constant 1 : index
    %get3A_5 = arith.constant 0 : index
    %get3A_6 = arith.constant 0 : index
    %get3A_7 = vector.load %arg3[%get3A_4, %get3A_5, %get3A_6] : memref<2x2000x128xf32, #tpu.memory_space<vmem>>, vector<1x2000x128xf32>
    %get3A_8 = vector.shape_cast %get3A_7 : vector<1x2000x128xf32> to vector<2000x128xf32>
    %slice3A_9 = vector.extract_strided_slice %get3A_8 {offsets = [0, 0], sizes = [2000, 1], strides = [1, 1]} : vector<2000x128xf32> to vector<2000x1xf32>
    %add3A = arith.addf %slice3A, %slice3A_9 : vector<2000x1xf32>
    %add3A_10 = arith.constant 1.000000e+00 : f32
    %add3A_11 = vector.broadcast %add3A_10 : f32 to vector<2000x1xf32>
    %add3A_12 = arith.addf %add3A, %add3A_11 : vector<2000x1xf32>
    %rsqrt3A = math.rsqrt %add3A_12 : vector<2000x1xf32>
    %get3A_13 = arith.constant 0 : index
    %get3A_14 = arith.constant 0 : index
    %get3A_15 = vector.load %arg1[%get3A_13, %get3A_14] : memref<2000x256xf32, #tpu.memory_space<vmem>>, vector<2000x256xf32>
    %get3A_16 = arith.constant 0 : index
    %get3A_17 = arith.constant 0 : index
    %get3A_18 = vector.load %arg2[%get3A_16, %get3A_17] : memref<256x256xf32, #tpu.memory_space<vmem>>, vector<256x256xf32>
    %dot_general3A = arith.constant dense<0.000000e+00> : vector<2000x256xf32>
    %dot_general3A_19 = tpu.matmul %get3A_15, %get3A_18, %dot_general3A {dimension_numbers = #tpu.dot_dimension_numbers<[1], [0], [0], [1], [0, 0, 1, 1], [], []>, transpose_lhs_hint = false} : vector<2000x256xf32>, vector<256x256xf32>, vector<2000x256xf32> -> vector<2000x256xf32>
    %mul3A = vector.broadcast %rsqrt3A : vector<2000x1xf32> to vector<2000x256xf32>
    %mul3A_20 = arith.mulf %dot_general3A_19, %mul3A : vector<2000x256xf32>
    %slice3A_21 = vector.extract_strided_slice %mul3A_20 {offsets = [0, 0], sizes = [2000, 128], strides = [1, 1]} : vector<2000x256xf32> to vector<2000x128xf32>
    %swap3A = arith.constant 0 : index
    %swap3A_22 = arith.constant 0 : index
    %swap3A_23 = arith.constant 0 : index
    %swap3A_24 = vector.load %arg4[%swap3A, %swap3A_22, %swap3A_23] : memref<2x2000x128xf32, #tpu.memory_space<vmem>>, vector<1x2000x128xf32>
    %swap3A_25 = vector.shape_cast %swap3A_24 : vector<1x2000x128xf32> to vector<2000x128xf32>
    %swap3A_26 = vector.shape_cast %slice3A_21 : vector<2000x128xf32> to vector<1x2000x128xf32>
    tpu.vector_store %arg4[%swap3A, %swap3A_22, %swap3A_23], %swap3A_26 {strides = array<i32>} : memref<2x2000x128xf32, #tpu.memory_space<vmem>>, vector<1x2000x128xf32>,
    %slice3A_27 = vector.extract_strided_slice %mul3A_20 {offsets = [0, 128], sizes = [2000, 128], strides = [1, 1]} : vector<2000x256xf32> to vector<2000x128xf32>
    %swap3A_28 = arith.constant 1 : index
    %swap3A_29 = arith.constant 0 : index
    %swap3A_30 = arith.constant 0 : index
    %swap3A_31 = vector.load %arg4[%swap3A_28, %swap3A_29, %swap3A_30] : memref<2x2000x128xf32, #tpu.memory_space<vmem>>, vector<1x2000x128xf32>
    %swap3A_32 = vector.shape_cast %swap3A_31 : vector<1x2000x128xf32> to vector<2000x128xf32>
    %swap3A_33 = vector.shape_cast %slice3A_27 : vector<2000x128xf32> to vector<1x2000x128xf32>
    tpu.vector_store %arg4[%swap3A_28, %swap3A_29, %swap3A_30], %swap3A_33 {strides = array<i32>} : memref<2x2000x128xf32, #tpu.memory_space<vmem>>, vector<1x2000x128xf32>,
    return
  }
  func.func @transform_0(%arg0: i32) -> (i32, i32) {
    %c0_i32 = arith.constant 0 : i32
    %c0_i32_0 = arith.constant 0 : i32
    return %arg0, %c0_i32 : i32, i32
  }
  func.func @transform_1(%arg0: i32) -> (i32, i32) {
    %c0_i32 = arith.constant 0 : i32
    %c0_i32_0 = arith.constant 0 : i32
    %c0_i32_1 = arith.constant 0 : i32
    return %c0_i32, %c0_i32_0 : i32, i32
  }
  func.func @transform_2(%arg0: i32) -> (i32, i32, i32) {
    %c0_i32 = arith.constant 0 : i32
    %c0_i32_0 = arith.constant 0 : i32
    %c0_i32_1 = arith.constant 0 : i32
    return %c0_i32, %arg0, %c0_i32_0 : i32, i32, i32
  }
  func.func @transform_3(%arg0: i32) -> (i32, i32, i32) {
    %c0_i32 = arith.constant 0 : i32
    %c0_i32_0 = arith.constant 0 : i32
    %c0_i32_1 = arith.constant 0 : i32
    return %c0_i32, %arg0, %c0_i32_0 : i32, i32, i32
  }
}

module attributes {stable_mosaic.version = 14 : i64} {
  func.func @_k2_body(%arg0: i32, %arg1: memref<2x2000x128xf32, #tpu.memory_space<vmem>>, %arg2: memref<2x2000x128xf32, #tpu.memory_space<vmem>>, %arg3: memref<2x2000x128xf32, #tpu.memory_space<vmem>>, %arg4: memref<256x256xf32, #tpu.memory_space<vmem>>, %arg5: memref<1x256xf32, #tpu.memory_space<vmem>>, %arg6: memref<2x2000x128xf32, #tpu.memory_space<vmem>>) attributes {dimension_semantics = [#tpu.dimension_semantics<arbitrary>], iteration_bounds = array<i64: 5>, scalar_prefetch = 0 : i64, scratch_operands = 0 : i64, tpu.core_type = #tpu.core_type<tc>, window_params = [{transform_indices = @transform_0, window_bounds = array<i64: 2, 2000, 128>}, {transform_indices = @transform_1, window_bounds = array<i64: 2, 2000, 128>}, {transform_indices = @transform_2, window_bounds = array<i64: 2, 2000, 128>}, {pipeline_mode = #tpu.pipeline_mode<synchronous>, transform_indices = @transform_3, window_bounds = array<i64: 256, 256>}, {pipeline_mode = #tpu.pipeline_mode<synchronous>, transform_indices = @transform_4, window_bounds = array<i64: 1, 256>}, {transform_indices = @transform_5, window_bounds = array<i64: 2, 2000, 128>}]} {
    %get3A = arith.constant 0 : index
    %get3A_0 = arith.constant 0 : index
    %get3A_1 = arith.constant 0 : index
    %get3A_2 = vector.load %arg3[%get3A, %get3A_0, %get3A_1] : memref<2x2000x128xf32, #tpu.memory_space<vmem>>, vector<1x2000x128xf32>
    %get3A_3 = vector.shape_cast %get3A_2 : vector<1x2000x128xf32> to vector<2000x128xf32>
    %slice3A = vector.extract_strided_slice %get3A_3 {offsets = [0, 0], sizes = [2000, 1], strides = [1, 1]} : vector<2000x128xf32> to vector<2000x1xf32>
    %get3A_4 = arith.constant 1 : index
    %get3A_5 = arith.constant 0 : index
    %get3A_6 = arith.constant 0 : index
    %get3A_7 = vector.load %arg3[%get3A_4, %get3A_5, %get3A_6] : memref<2x2000x128xf32, #tpu.memory_space<vmem>>, vector<1x2000x128xf32>
    %get3A_8 = vector.shape_cast %get3A_7 : vector<1x2000x128xf32> to vector<2000x128xf32>
    %slice3A_9 = vector.extract_strided_slice %get3A_8 {offsets = [0, 0], sizes = [2000, 1], strides = [1, 1]} : vector<2000x128xf32> to vector<2000x1xf32>
    %add3A = arith.addf %slice3A, %slice3A_9 : vector<2000x1xf32>
    %add3A_10 = arith.constant 1.000000e+00 : f32
    %add3A_11 = vector.broadcast %add3A_10 : f32 to vector<2000x1xf32>
    %add3A_12 = arith.addf %add3A, %add3A_11 : vector<2000x1xf32>
    %rsqrt3A = math.rsqrt %add3A_12 : vector<2000x1xf32>
    %get3A_13 = arith.constant 0 : index
    %get3A_14 = arith.constant 0 : index
    %get3A_15 = arith.constant 0 : index
    %get3A_16 = vector.load %arg1[%get3A_13, %get3A_14, %get3A_15] : memref<2x2000x128xf32, #tpu.memory_space<vmem>>, vector<1x2000x128xf32>
    %get3A_17 = vector.shape_cast %get3A_16 : vector<1x2000x128xf32> to vector<2000x128xf32>
    %get3A_18 = arith.constant 1 : index
    %get3A_19 = arith.constant 0 : index
    %get3A_20 = arith.constant 0 : index
    %get3A_21 = vector.load %arg1[%get3A_18, %get3A_19, %get3A_20] : memref<2x2000x128xf32, #tpu.memory_space<vmem>>, vector<1x2000x128xf32>
    %get3A_22 = vector.shape_cast %get3A_21 : vector<1x2000x128xf32> to vector<2000x128xf32>
    %concatenate3A = tpu.concatenate %get3A_17, %get3A_22 in 1 : vector<2000x128xf32>, vector<2000x128xf32> -> vector<2000x256xf32>
    %get3A_23 = arith.constant 0 : index
    %get3A_24 = arith.constant 0 : index
    %get3A_25 = arith.constant 0 : index
    %get3A_26 = vector.load %arg2[%get3A_23, %get3A_24, %get3A_25] : memref<2x2000x128xf32, #tpu.memory_space<vmem>>, vector<1x2000x128xf32>
    %get3A_27 = vector.shape_cast %get3A_26 : vector<1x2000x128xf32> to vector<2000x128xf32>
    %get3A_28 = arith.constant 1 : index
    %get3A_29 = arith.constant 0 : index
    %get3A_30 = arith.constant 0 : index
    %get3A_31 = vector.load %arg2[%get3A_28, %get3A_29, %get3A_30] : memref<2x2000x128xf32, #tpu.memory_space<vmem>>, vector<1x2000x128xf32>
    %get3A_32 = vector.shape_cast %get3A_31 : vector<1x2000x128xf32> to vector<2000x128xf32>
    %concatenate3A_33 = tpu.concatenate %get3A_27, %get3A_32 in 1 : vector<2000x128xf32>, vector<2000x128xf32> -> vector<2000x256xf32>
    %add3A_34 = arith.addf %concatenate3A, %concatenate3A_33 : vector<2000x256xf32>
    %mul3A = vector.broadcast %rsqrt3A : vector<2000x1xf32> to vector<2000x256xf32>
    %mul3A_35 = arith.mulf %mul3A, %add3A_34 : vector<2000x256xf32>
    %get3A_36 = arith.constant 0 : index
    %get3A_37 = arith.constant 0 : index
    %get3A_38 = vector.load %arg5[%get3A_36, %get3A_37] : memref<1x256xf32, #tpu.memory_space<vmem>>, vector<1x256xf32>
    %add3A_39 = vector.broadcast %get3A_38 : vector<1x256xf32> to vector<2000x256xf32>
    %add3A_40 = arith.addf %mul3A_35, %add3A_39 : vector<2000x256xf32>
    %max3A = arith.constant 0.000000e+00 : f32
    %max3A_41 = vector.broadcast %max3A : f32 to vector<2000x256xf32>
    %max3A_42 = arith.maximumf %add3A_40, %max3A_41 : vector<2000x256xf32>
    %get3A_43 = arith.constant 0 : index
    %get3A_44 = arith.constant 0 : index
    %get3A_45 = vector.load %arg4[%get3A_43, %get3A_44] : memref<256x256xf32, #tpu.memory_space<vmem>>, vector<256x256xf32>
    %dot_general3A = arith.constant dense<0.000000e+00> : vector<2000x256xf32>
    %dot_general3A_46 = tpu.matmul %max3A_42, %get3A_45, %dot_general3A {dimension_numbers = #tpu.dot_dimension_numbers<[1], [0], [0], [1], [0, 0, 1, 1], [], []>, transpose_lhs_hint = false} : vector<2000x256xf32>, vector<256x256xf32>, vector<2000x256xf32> -> vector<2000x256xf32>
    %mul3A_47 = vector.broadcast %rsqrt3A : vector<2000x1xf32> to vector<2000x256xf32>
    %mul3A_48 = arith.mulf %dot_general3A_46, %mul3A_47 : vector<2000x256xf32>
    %slice3A_49 = vector.extract_strided_slice %mul3A_48 {offsets = [0, 0], sizes = [2000, 128], strides = [1, 1]} : vector<2000x256xf32> to vector<2000x128xf32>
    %swap3A = arith.constant 0 : index
    %swap3A_50 = arith.constant 0 : index
    %swap3A_51 = arith.constant 0 : index
    %swap3A_52 = vector.load %arg6[%swap3A, %swap3A_50, %swap3A_51] : memref<2x2000x128xf32, #tpu.memory_space<vmem>>, vector<1x2000x128xf32>
    %swap3A_53 = vector.shape_cast %swap3A_52 : vector<1x2000x128xf32> to vector<2000x128xf32>
    %swap3A_54 = vector.shape_cast %slice3A_49 : vector<2000x128xf32> to vector<1x2000x128xf32>
    tpu.vector_store %arg6[%swap3A, %swap3A_50, %swap3A_51], %swap3A_54 {strides = array<i32>} : memref<2x2000x128xf32, #tpu.memory_space<vmem>>, vector<1x2000x128xf32>,
    %slice3A_55 = vector.extract_strided_slice %mul3A_48 {offsets = [0, 128], sizes = [2000, 128], strides = [1, 1]} : vector<2000x256xf32> to vector<2000x128xf32>
    %swap3A_56 = arith.constant 1 : index
    %swap3A_57 = arith.constant 0 : index
    %swap3A_58 = arith.constant 0 : index
    %swap3A_59 = vector.load %arg6[%swap3A_56, %swap3A_57, %swap3A_58] : memref<2x2000x128xf32, #tpu.memory_space<vmem>>, vector<1x2000x128xf32>
    %swap3A_60 = vector.shape_cast %swap3A_59 : vector<1x2000x128xf32> to vector<2000x128xf32>
    %swap3A_61 = vector.shape_cast %slice3A_55 : vector<2000x128xf32> to vector<1x2000x128xf32>
    tpu.vector_store %arg6[%swap3A_56, %swap3A_57, %swap3A_58], %swap3A_61 {strides = array<i32>} : memref<2x2000x128xf32, #tpu.memory_space<vmem>>, vector<1x2000x128xf32>,
    return
  }
  func.func @transform_0(%arg0: i32) -> (i32, i32, i32) {
    %c0_i32 = arith.constant 0 : i32
    %c0_i32_0 = arith.constant 0 : i32
    %c0_i32_1 = arith.constant 0 : i32
    return %c0_i32, %arg0, %c0_i32_0 : i32, i32, i32
  }
  func.func @transform_1(%arg0: i32) -> (i32, i32, i32) {
    %c0_i32 = arith.constant 0 : i32
    %c0_i32_0 = arith.constant 0 : i32
    %c0_i32_1 = arith.constant 0 : i32
    return %c0_i32, %arg0, %c0_i32_0 : i32, i32, i32
  }
  func.func @transform_2(%arg0: i32) -> (i32, i32, i32) {
    %c0_i32 = arith.constant 0 : i32
    %c0_i32_0 = arith.constant 0 : i32
    %c0_i32_1 = arith.constant 0 : i32
    return %c0_i32, %arg0, %c0_i32_0 : i32, i32, i32
  }
  func.func @transform_3(%arg0: i32) -> (i32, i32) {
    %c0_i32 = arith.constant 0 : i32
    %c0_i32_0 = arith.constant 0 : i32
    %c0_i32_1 = arith.constant 0 : i32
    return %c0_i32, %c0_i32_0 : i32, i32
  }
  func.func @transform_4(%arg0: i32) -> (i32, i32) {
    %c0_i32 = arith.constant 0 : i32
    %c0_i32_0 = arith.constant 0 : i32
    %c0_i32_1 = arith.constant 0 : i32
    return %c0_i32, %c0_i32_0 : i32, i32
  }
  func.func @transform_5(%arg0: i32) -> (i32, i32, i32) {
    %c0_i32 = arith.constant 0 : i32
    %c0_i32_0 = arith.constant 0 : i32
    %c0_i32_1 = arith.constant 0 : i32
    return %c0_i32, %arg0, %c0_i32_0 : i32, i32, i32
  }
}

module attributes {stable_mosaic.version = 14 : i64} {
  func.func @_k3_body(%arg0: i32, %arg1: memref<2x1000x128xf32, #tpu.memory_space<vmem>>, %arg2: memref<2x1000x128xf32, #tpu.memory_space<vmem>>, %arg3: memref<2x1000x128xf32, #tpu.memory_space<vmem>>, %arg4: memref<1x256xf32, #tpu.memory_space<vmem>>, %arg5: memref<128x256xf32, #tpu.memory_space<vmem>>, %arg6: memref<1x128xf32, #tpu.memory_space<vmem>>, %arg7: memref<256x256xf32, #tpu.memory_space<vmem>>, %arg8: memref<1x256xf32, #tpu.memory_space<vmem>>, %arg9: memref<256x256xf32, #tpu.memory_space<vmem>>, %arg10: memref<1x256xf32, #tpu.memory_space<vmem>>, %arg11: memref<1x256xf32, #tpu.memory_space<vmem>>, %arg12: memref<1x256xf32, #tpu.memory_space<vmem>>, %arg13: memref<2048x256xf32, #tpu.memory_space<vmem>>, %arg14: memref<1x2048xf32, #tpu.memory_space<vmem>>, %arg15: memref<256x2048xf32, #tpu.memory_space<vmem>>, %arg16: memref<1x256xf32, #tpu.memory_space<vmem>>, %arg17: memref<1x256xf32, #tpu.memory_space<vmem>>, %arg18: memref<1x256xf32, #tpu.memory_space<vmem>>, %arg19: memref<256x256xf32, #tpu.memory_space<vmem>>, %arg20: memref<1x256xf32, #tpu.memory_space<vmem>>, %arg21: memref<256x256xf32, #tpu.memory_space<vmem>>, %arg22: memref<1x256xf32, #tpu.memory_space<vmem>>, %arg23: memref<1x256xf32, #tpu.memory_space<vmem>>, %arg24: memref<1x256xf32, #tpu.memory_space<vmem>>, %arg25: memref<2048x256xf32, #tpu.memory_space<vmem>>, %arg26: memref<1x2048xf32, #tpu.memory_space<vmem>>, %arg27: memref<256x2048xf32, #tpu.memory_space<vmem>>, %arg28: memref<1x256xf32, #tpu.memory_space<vmem>>, %arg29: memref<1x256xf32, #tpu.memory_space<vmem>>, %arg30: memref<1x256xf32, #tpu.memory_space<vmem>>, %arg31: memref<1000x128xf32, #tpu.memory_space<vmem>>) attributes {dimension_semantics = [#tpu.dimension_semantics<arbitrary>], iteration_bounds = array<i64: 10>, scalar_prefetch = 0 : i64, scratch_operands = 0 : i64, tpu.core_type = #tpu.core_type<tc>, window_params = [{transform_indices = @transform_0, window_bounds = array<i64: 2, 1000, 128>}, {transform_indices = @transform_1, window_bounds = array<i64: 2, 1000, 128>}, {transform_indices = @transform_2, window_bounds = array<i64: 2, 1000, 128>}, {pipeline_mode = #tpu.pipeline_mode<synchronous>, transform_indices = @transform_3, window_bounds = array<i64: 1, 256>}, {pipeline_mode = #tpu.pipeline_mode<synchronous>, transform_indices = @transform_4, window_bounds = array<i64: 128, 256>}, {pipeline_mode = #tpu.pipeline_mode<synchronous>, transform_indices = @transform_5, window_bounds = array<i64: 1, 128>}, {pipeline_mode = #tpu.pipeline_mode<synchronous>, transform_indices = @transform_6, window_bounds = array<i64: 256, 256>}, {pipeline_mode = #tpu.pipeline_mode<synchronous>, transform_indices = @transform_7, window_bounds = array<i64: 1, 256>}, {pipeline_mode = #tpu.pipeline_mode<synchronous>, transform_indices = @transform_8, window_bounds = array<i64: 256, 256>}, {pipeline_mode = #tpu.pipeline_mode<synchronous>, transform_indices = @transform_9, window_bounds = array<i64: 1, 256>}, {pipeline_mode = #tpu.pipeline_mode<synchronous>, transform_indices = @transform_10, window_bounds = array<i64: 1, 256>}, {pipeline_mode = #tpu.pipeline_mode<synchronous>, transform_indices = @transform_11, window_bounds = array<i64: 1, 256>}, {pipeline_mode = #tpu.pipeline_mode<synchronous>, transform_indices = @transform_12, window_bounds = array<i64: 2048, 256>}, {pipeline_mode = #tpu.pipeline_mode<synchronous>, transform_indices = @transform_13, window_bounds = array<i64: 1, 2048>}, {pipeline_mode = #tpu.pipeline_mode<synchronous>, transform_indices = @transform_14, window_bounds = array<i64: 256, 2048>}, {pipeline_mode = #tpu.pipeline_mode<synchronous>, transform_indices = @transform_15, window_bounds = array<i64: 1, 256>}, {pipeline_mode = #tpu.pipeline_mode<synchronous>, transform_indices = @transform_16, window_bounds = array<i64: 1, 256>}, {pipeline_mode = #tpu.pipeline_mode<synchronous>, transform_indices = @transform_17, window_bounds = array<i64: 1, 256>}, {pipeline_mode = #tpu.pipeline_mode<synchronous>, transform_indices = @transform_18, window_bounds = array<i64: 256, 256>}, {pipeline_mode = #tpu.pipeline_mode<synchronous>, transform_indices = @transform_19, window_bounds = array<i64: 1, 256>}, {pipeline_mode = #tpu.pipeline_mode<synchronous>, transform_indices = @transform_20, window_bounds = array<i64: 256, 256>}, {pipeline_mode = #tpu.pipeline_mode<synchronous>, transform_indices = @transform_21, window_bounds = array<i64: 1, 256>}, {pipeline_mode = #tpu.pipeline_mode<synchronous>, transform_indices = @transform_22, window_bounds = array<i64: 1, 256>}, {pipeline_mode = #tpu.pipeline_mode<synchronous>, transform_indices = @transform_23, window_bounds = array<i64: 1, 256>}, {pipeline_mode = #tpu.pipeline_mode<synchronous>, transform_indices = @transform_24, window_bounds = array<i64: 2048, 256>}, {pipeline_mode = #tpu.pipeline_mode<synchronous>, transform_indices = @transform_25, window_bounds = array<i64: 1, 2048>}, {pipeline_mode = #tpu.pipeline_mode<synchronous>, transform_indices = @transform_26, window_bounds = array<i64: 256, 2048>}, {pipeline_mode = #tpu.pipeline_mode<synchronous>, transform_indices = @transform_27, window_bounds = array<i64: 1, 256>}, {pipeline_mode = #tpu.pipeline_mode<synchronous>, transform_indices = @transform_28, window_bounds = array<i64: 1, 256>}, {pipeline_mode = #tpu.pipeline_mode<synchronous>, transform_indices = @transform_29, window_bounds = array<i64: 1, 256>}, {transform_indices = @transform_30, window_bounds = array<i64: 1000, 128>}]} {
    %get3A = arith.constant 0 : index
    %get3A_0 = arith.constant 0 : index
    %get3A_1 = arith.constant 0 : index
    %get3A_2 = vector.load %arg3[%get3A, %get3A_0, %get3A_1] : memref<2x1000x128xf32, #tpu.memory_space<vmem>>, vector<1x1000x128xf32>
    %get3A_3 = vector.shape_cast %get3A_2 : vector<1x1000x128xf32> to vector<1000x128xf32>
    %slice3A = vector.extract_strided_slice %get3A_3 {offsets = [0, 0], sizes = [1000, 1], strides = [1, 1]} : vector<1000x128xf32> to vector<1000x1xf32>
    %get3A_4 = arith.constant 1 : index
    %get3A_5 = arith.constant 0 : index
    %get3A_6 = arith.constant 0 : index
    %get3A_7 = vector.load %arg3[%get3A_4, %get3A_5, %get3A_6] : memref<2x1000x128xf32, #tpu.memory_space<vmem>>, vector<1x1000x128xf32>
    %get3A_8 = vector.shape_cast %get3A_7 : vector<1x1000x128xf32> to vector<1000x128xf32>
    %slice3A_9 = vector.extract_strided_slice %get3A_8 {offsets = [0, 0], sizes = [1000, 1], strides = [1, 1]} : vector<1000x128xf32> to vector<1000x1xf32>
    %add3A = arith.addf %slice3A, %slice3A_9 : vector<1000x1xf32>
    %add3A_10 = arith.constant 1.000000e+00 : f32
    %add3A_11 = vector.broadcast %add3A_10 : f32 to vector<1000x1xf32>
    %add3A_12 = arith.addf %add3A, %add3A_11 : vector<1000x1xf32>
    %rsqrt3A = math.rsqrt %add3A_12 : vector<1000x1xf32>
    %get3A_13 = arith.constant 0 : index
    %get3A_14 = arith.constant 0 : index
    %get3A_15 = arith.constant 0 : index
    %get3A_16 = vector.load %arg1[%get3A_13, %get3A_14, %get3A_15] : memref<2x1000x128xf32, #tpu.memory_space<vmem>>, vector<1x1000x128xf32>
    %get3A_17 = vector.shape_cast %get3A_16 : vector<1x1000x128xf32> to vector<1000x128xf32>
    %get3A_18 = arith.constant 1 : index
    %get3A_19 = arith.constant 0 : index
    %get3A_20 = arith.constant 0 : index
    %get3A_21 = vector.load %arg1[%get3A_18, %get3A_19, %get3A_20] : memref<2x1000x128xf32, #tpu.memory_space<vmem>>, vector<1x1000x128xf32>
    %get3A_22 = vector.shape_cast %get3A_21 : vector<1x1000x128xf32> to vector<1000x128xf32>
    %concatenate3A = tpu.concatenate %get3A_17, %get3A_22 in 1 : vector<1000x128xf32>, vector<1000x128xf32> -> vector<1000x256xf32>
    %get3A_23 = arith.constant 0 : index
    %get3A_24 = arith.constant 0 : index
    %get3A_25 = arith.constant 0 : index
    %get3A_26 = vector.load %arg2[%get3A_23, %get3A_24, %get3A_25] : memref<2x1000x128xf32, #tpu.memory_space<vmem>>, vector<1x1000x128xf32>
    %get3A_27 = vector.shape_cast %get3A_26 : vector<1x1000x128xf32> to vector<1000x128xf32>
    %get3A_28 = arith.constant 1 : index
    %get3A_29 = arith.constant 0 : index
    %get3A_30 = arith.constant 0 : index
    %get3A_31 = vector.load %arg2[%get3A_28, %get3A_29, %get3A_30] : memref<2x1000x128xf32, #tpu.memory_space<vmem>>, vector<1x1000x128xf32>
    %get3A_32 = vector.shape_cast %get3A_31 : vector<1x1000x128xf32> to vector<1000x128xf32>
    %concatenate3A_33 = tpu.concatenate %get3A_27, %get3A_32 in 1 : vector<1000x128xf32>, vector<1000x128xf32> -> vector<1000x256xf32>
    %add3A_34 = arith.addf %concatenate3A, %concatenate3A_33 : vector<1000x256xf32>
    %mul3A = vector.broadcast %rsqrt3A : vector<1000x1xf32> to vector<1000x256xf32>
    %mul3A_35 = arith.mulf %mul3A, %add3A_34 : vector<1000x256xf32>
    %get3A_36 = arith.constant 0 : index
    %get3A_37 = arith.constant 0 : index
    %get3A_38 = vector.load %arg4[%get3A_36, %get3A_37] : memref<1x256xf32, #tpu.memory_space<vmem>>, vector<1x256xf32>
    %add3A_39 = vector.broadcast %get3A_38 : vector<1x256xf32> to vector<1000x256xf32>
    %add3A_40 = arith.addf %mul3A_35, %add3A_39 : vector<1000x256xf32>
    %get3A_41 = arith.constant 0 : index
    %get3A_42 = arith.constant 0 : index
    %get3A_43 = vector.load %arg7[%get3A_41, %get3A_42] : memref<256x256xf32, #tpu.memory_space<vmem>>, vector<256x256xf32>
    %dot_general3A = arith.constant dense<0.000000e+00> : vector<1000x256xf32>
    %dot_general3A_44 = tpu.matmul %add3A_40, %get3A_43, %dot_general3A {dimension_numbers = #tpu.dot_dimension_numbers<[1], [1], [0], [0], [0, 0, 1, 0], [], []>, transpose_lhs_hint = false} : vector<1000x256xf32>, vector<256x256xf32>, vector<1000x256xf32> -> vector<1000x256xf32>
    %get3A_45 = arith.constant 0 : index
    %get3A_46 = arith.constant 0 : index
    %get3A_47 = vector.load %arg8[%get3A_45, %get3A_46] : memref<1x256xf32, #tpu.memory_space<vmem>>, vector<1x256xf32>
    %add3A_48 = vector.broadcast %get3A_47 : vector<1x256xf32> to vector<1000x256xf32>
    %add3A_49 = arith.addf %dot_general3A_44, %add3A_48 : vector<1000x256xf32>
    %get3A_50 = arith.constant 0 : index
    %get3A_51 = arith.constant 0 : index
    %get3A_52 = vector.load %arg9[%get3A_50, %get3A_51] : memref<256x256xf32, #tpu.memory_space<vmem>>, vector<256x256xf32>
    %dot_general3A_53 = arith.constant dense<0.000000e+00> : vector<1000x256xf32>
    %dot_general3A_54 = tpu.matmul %add3A_49, %get3A_52, %dot_general3A_53 {dimension_numbers = #tpu.dot_dimension_numbers<[1], [1], [0], [0], [0, 0, 1, 0], [], []>, transpose_lhs_hint = false} : vector<1000x256xf32>, vector<256x256xf32>, vector<1000x256xf32> -> vector<1000x256xf32>
    %get3A_55 = arith.constant 0 : index
    %get3A_56 = arith.constant 0 : index
    %get3A_57 = vector.load %arg10[%get3A_55, %get3A_56] : memref<1x256xf32, #tpu.memory_space<vmem>>, vector<1x256xf32>
    %add3A_58 = vector.broadcast %get3A_57 : vector<1x256xf32> to vector<1000x256xf32>
    %add3A_59 = arith.addf %dot_general3A_54, %add3A_58 : vector<1000x256xf32>
    %add3A_60 = arith.addf %add3A_40, %add3A_59 : vector<1000x256xf32>
    %get3A_61 = arith.constant 0 : index
    %get3A_62 = arith.constant 0 : index
    %get3A_63 = vector.load %arg11[%get3A_61, %get3A_62] : memref<1x256xf32, #tpu.memory_space<vmem>>, vector<1x256xf32>
    %get3A_64 = arith.constant 0 : index
    %get3A_65 = arith.constant 0 : index
    %get3A_66 = vector.load %arg12[%get3A_64, %get3A_65] : memref<1x256xf32, #tpu.memory_space<vmem>>, vector<1x256xf32>
    %reduce_sum3A = arith.constant dense<0.000000e+00> : vector<1000xf32>
    %reduce_sum3A_67 = vector.multi_reduction <add>, %add3A_60, %reduce_sum3A [1] : vector<1000x256xf32> to vector<1000xf32>
    %broadcast_in_dim3A = vector.shape_cast %reduce_sum3A_67 : vector<1000xf32> to vector<1000x1xf32>
    %div3A = arith.constant 2.560000e+02 : f32
    %div3A_68 = vector.broadcast %div3A : f32 to vector<1000x1xf32>
    %div3A_69 = arith.divf %broadcast_in_dim3A, %div3A_68 : vector<1000x1xf32>
    %sub3A = vector.broadcast %div3A_69 : vector<1000x1xf32> to vector<1000x256xf32>
    %sub3A_70 = arith.subf %add3A_60, %sub3A : vector<1000x256xf32>
    %integer_pow3A = arith.mulf %sub3A_70, %sub3A_70 : vector<1000x256xf32>
    %reduce_sum3A_71 = arith.constant dense<0.000000e+00> : vector<1000xf32>
    %reduce_sum3A_72 = vector.multi_reduction <add>, %integer_pow3A, %reduce_sum3A_71 [1] : vector<1000x256xf32> to vector<1000xf32>
    %broadcast_in_dim3A_73 = vector.shape_cast %reduce_sum3A_72 : vector<1000xf32> to vector<1000x1xf32>
    %div3A_74 = arith.constant 2.560000e+02 : f32
    %div3A_75 = vector.broadcast %div3A_74 : f32 to vector<1000x1xf32>
    %div3A_76 = arith.divf %broadcast_in_dim3A_73, %div3A_75 : vector<1000x1xf32>
    %sub3A_77 = vector.broadcast %div3A_69 : vector<1000x1xf32> to vector<1000x256xf32>
    %sub3A_78 = arith.subf %add3A_60, %sub3A_77 : vector<1000x256xf32>
    %add3A_79 = arith.constant 9.99999974E-6 : f32
    %add3A_80 = vector.broadcast %add3A_79 : f32 to vector<1000x1xf32>
    %add3A_81 = arith.addf %div3A_76, %add3A_80 : vector<1000x1xf32>
    %rsqrt3A_82 = math.rsqrt %add3A_81 : vector<1000x1xf32>
    %mul3A_83 = vector.broadcast %rsqrt3A_82 : vector<1000x1xf32> to vector<1000x256xf32>
    %mul3A_84 = arith.mulf %sub3A_78, %mul3A_83 : vector<1000x256xf32>
    %mul3A_85 = vector.broadcast %get3A_63 : vector<1x256xf32> to vector<1000x256xf32>
    %mul3A_86 = arith.mulf %mul3A_84, %mul3A_85 : vector<1000x256xf32>
    %add3A_87 = vector.broadcast %get3A_66 : vector<1x256xf32> to vector<1000x256xf32>
    %add3A_88 = arith.addf %mul3A_86, %add3A_87 : vector<1000x256xf32>
    %get3A_89 = arith.constant 0 : index
    %get3A_90 = arith.constant 0 : index
    %get3A_91 = vector.load %arg13[%get3A_89, %get3A_90] : memref<2048x256xf32, #tpu.memory_space<vmem>>, vector<2048x256xf32>
    %dot_general3A_92 = arith.constant dense<0.000000e+00> : vector<1000x2048xf32>
    %dot_general3A_93 = tpu.matmul %add3A_88, %get3A_91, %dot_general3A_92 {dimension_numbers = #tpu.dot_dimension_numbers<[1], [1], [0], [0], [0, 0, 1, 0], [], []>, transpose_lhs_hint = false} : vector<1000x256xf32>, vector<2048x256xf32>, vector<1000x2048xf32> -> vector<1000x2048xf32>
    %get3A_94 = arith.constant 0 : index
    %get3A_95 = arith.constant 0 : index
    %get3A_96 = vector.load %arg14[%get3A_94, %get3A_95] : memref<1x2048xf32, #tpu.memory_space<vmem>>, vector<1x2048xf32>
    %add3A_97 = vector.broadcast %get3A_96 : vector<1x2048xf32> to vector<1000x2048xf32>
    %add3A_98 = arith.addf %dot_general3A_93, %add3A_97 : vector<1000x2048xf32>
    %max3A = arith.constant 0.000000e+00 : f32
    %max3A_99 = vector.broadcast %max3A : f32 to vector<1000x2048xf32>
    %max3A_100 = arith.maximumf %add3A_98, %max3A_99 : vector<1000x2048xf32>
    %get3A_101 = arith.constant 0 : index
    %get3A_102 = arith.constant 0 : index
    %get3A_103 = vector.load %arg15[%get3A_101, %get3A_102] : memref<256x2048xf32, #tpu.memory_space<vmem>>, vector<256x2048xf32>
    %dot_general3A_104 = arith.constant dense<0.000000e+00> : vector<1000x256xf32>
    %dot_general3A_105 = tpu.matmul %max3A_100, %get3A_103, %dot_general3A_104 {dimension_numbers = #tpu.dot_dimension_numbers<[1], [1], [0], [0], [0, 0, 1, 0], [], []>, transpose_lhs_hint = false} : vector<1000x2048xf32>, vector<256x2048xf32>, vector<1000x256xf32> -> vector<1000x256xf32>
    %get3A_106 = arith.constant 0 : index
    %get3A_107 = arith.constant 0 : index
    %get3A_108 = vector.load %arg16[%get3A_106, %get3A_107] : memref<1x256xf32, #tpu.memory_space<vmem>>, vector<1x256xf32>
    %add3A_109 = vector.broadcast %get3A_108 : vector<1x256xf32> to vector<1000x256xf32>
    %add3A_110 = arith.addf %dot_general3A_105, %add3A_109 : vector<1000x256xf32>
    %add3A_111 = arith.addf %add3A_88, %add3A_110 : vector<1000x256xf32>
    %get3A_112 = arith.constant 0 : index
    %get3A_113 = arith.constant 0 : index
    %get3A_114 = vector.load %arg17[%get3A_112, %get3A_113] : memref<1x256xf32, #tpu.memory_space<vmem>>, vector<1x256xf32>
    %get3A_115 = arith.constant 0 : index
    %get3A_116 = arith.constant 0 : index
    %get3A_117 = vector.load %arg18[%get3A_115, %get3A_116] : memref<1x256xf32, #tpu.memory_space<vmem>>, vector<1x256xf32>
    %reduce_sum3A_118 = arith.constant dense<0.000000e+00> : vector<1000xf32>
    %reduce_sum3A_119 = vector.multi_reduction <add>, %add3A_111, %reduce_sum3A_118 [1] : vector<1000x256xf32> to vector<1000xf32>
    %broadcast_in_dim3A_120 = vector.shape_cast %reduce_sum3A_119 : vector<1000xf32> to vector<1000x1xf32>
    %div3A_121 = arith.constant 2.560000e+02 : f32
    %div3A_122 = vector.broadcast %div3A_121 : f32 to vector<1000x1xf32>
    %div3A_123 = arith.divf %broadcast_in_dim3A_120, %div3A_122 : vector<1000x1xf32>
    %sub3A_124 = vector.broadcast %div3A_123 : vector<1000x1xf32> to vector<1000x256xf32>
    %sub3A_125 = arith.subf %add3A_111, %sub3A_124 : vector<1000x256xf32>
    %integer_pow3A_126 = arith.mulf %sub3A_125, %sub3A_125 : vector<1000x256xf32>
    %reduce_sum3A_127 = arith.constant dense<0.000000e+00> : vector<1000xf32>
    %reduce_sum3A_128 = vector.multi_reduction <add>, %integer_pow3A_126, %reduce_sum3A_127 [1] : vector<1000x256xf32> to vector<1000xf32>
    %broadcast_in_dim3A_129 = vector.shape_cast %reduce_sum3A_128 : vector<1000xf32> to vector<1000x1xf32>
    %div3A_130 = arith.constant 2.560000e+02 : f32
    %div3A_131 = vector.broadcast %div3A_130 : f32 to vector<1000x1xf32>
    %div3A_132 = arith.divf %broadcast_in_dim3A_129, %div3A_131 : vector<1000x1xf32>
    %sub3A_133 = vector.broadcast %div3A_123 : vector<1000x1xf32> to vector<1000x256xf32>
    %sub3A_134 = arith.subf %add3A_111, %sub3A_133 : vector<1000x256xf32>
    %add3A_135 = arith.constant 9.99999974E-6 : f32
    %add3A_136 = vector.broadcast %add3A_135 : f32 to vector<1000x1xf32>
    %add3A_137 = arith.addf %div3A_132, %add3A_136 : vector<1000x1xf32>
    %rsqrt3A_138 = math.rsqrt %add3A_137 : vector<1000x1xf32>
    %mul3A_139 = vector.broadcast %rsqrt3A_138 : vector<1000x1xf32> to vector<1000x256xf32>
    %mul3A_140 = arith.mulf %sub3A_134, %mul3A_139 : vector<1000x256xf32>
    %mul3A_141 = vector.broadcast %get3A_114 : vector<1x256xf32> to vector<1000x256xf32>
    %mul3A_142 = arith.mulf %mul3A_140, %mul3A_141 : vector<1000x256xf32>
    %add3A_143 = vector.broadcast %get3A_117 : vector<1x256xf32> to vector<1000x256xf32>
    %add3A_144 = arith.addf %mul3A_142, %add3A_143 : vector<1000x256xf32>
    %get3A_145 = arith.constant 0 : index
    %get3A_146 = arith.constant 0 : index
    %get3A_147 = vector.load %arg19[%get3A_145, %get3A_146] : memref<256x256xf32, #tpu.memory_space<vmem>>, vector<256x256xf32>
    %dot_general3A_148 = arith.constant dense<0.000000e+00> : vector<1000x256xf32>
    %dot_general3A_149 = tpu.matmul %add3A_144, %get3A_147, %dot_general3A_148 {dimension_numbers = #tpu.dot_dimension_numbers<[1], [1], [0], [0], [0, 0, 1, 0], [], []>, transpose_lhs_hint = false} : vector<1000x256xf32>, vector<256x256xf32>, vector<1000x256xf32> -> vector<1000x256xf32>
    %get3A_150 = arith.constant 0 : index
    %get3A_151 = arith.constant 0 : index
    %get3A_152 = vector.load %arg20[%get3A_150, %get3A_151] : memref<1x256xf32, #tpu.memory_space<vmem>>, vector<1x256xf32>
    %add3A_153 = vector.broadcast %get3A_152 : vector<1x256xf32> to vector<1000x256xf32>
    %add3A_154 = arith.addf %dot_general3A_149, %add3A_153 : vector<1000x256xf32>
    %get3A_155 = arith.constant 0 : index
    %get3A_156 = arith.constant 0 : index
    %get3A_157 = vector.load %arg21[%get3A_155, %get3A_156] : memref<256x256xf32, #tpu.memory_space<vmem>>, vector<256x256xf32>
    %dot_general3A_158 = arith.constant dense<0.000000e+00> : vector<1000x256xf32>
    %dot_general3A_159 = tpu.matmul %add3A_154, %get3A_157, %dot_general3A_158 {dimension_numbers = #tpu.dot_dimension_numbers<[1], [1], [0], [0], [0, 0, 1, 0], [], []>, transpose_lhs_hint = false} : vector<1000x256xf32>, vector<256x256xf32>, vector<1000x256xf32> -> vector<1000x256xf32>
    %get3A_160 = arith.constant 0 : index
    %get3A_161 = arith.constant 0 : index
    %get3A_162 = vector.load %arg22[%get3A_160, %get3A_161] : memref<1x256xf32, #tpu.memory_space<vmem>>, vector<1x256xf32>
    %add3A_163 = vector.broadcast %get3A_162 : vector<1x256xf32> to vector<1000x256xf32>
    %add3A_164 = arith.addf %dot_general3A_159, %add3A_163 : vector<1000x256xf32>
    %add3A_165 = arith.addf %add3A_144, %add3A_164 : vector<1000x256xf32>
    %get3A_166 = arith.constant 0 : index
    %get3A_167 = arith.constant 0 : index
    %get3A_168 = vector.load %arg23[%get3A_166, %get3A_167] : memref<1x256xf32, #tpu.memory_space<vmem>>, vector<1x256xf32>
    %get3A_169 = arith.constant 0 : index
    %get3A_170 = arith.constant 0 : index
    %get3A_171 = vector.load %arg24[%get3A_169, %get3A_170] : memref<1x256xf32, #tpu.memory_space<vmem>>, vector<1x256xf32>
    %reduce_sum3A_172 = arith.constant dense<0.000000e+00> : vector<1000xf32>
    %reduce_sum3A_173 = vector.multi_reduction <add>, %add3A_165, %reduce_sum3A_172 [1] : vector<1000x256xf32> to vector<1000xf32>
    %broadcast_in_dim3A_174 = vector.shape_cast %reduce_sum3A_173 : vector<1000xf32> to vector<1000x1xf32>
    %div3A_175 = arith.constant 2.560000e+02 : f32
    %div3A_176 = vector.broadcast %div3A_175 : f32 to vector<1000x1xf32>
    %div3A_177 = arith.divf %broadcast_in_dim3A_174, %div3A_176 : vector<1000x1xf32>
    %sub3A_178 = vector.broadcast %div3A_177 : vector<1000x1xf32> to vector<1000x256xf32>
    %sub3A_179 = arith.subf %add3A_165, %sub3A_178 : vector<1000x256xf32>
    %integer_pow3A_180 = arith.mulf %sub3A_179, %sub3A_179 : vector<1000x256xf32>
    %reduce_sum3A_181 = arith.constant dense<0.000000e+00> : vector<1000xf32>
    %reduce_sum3A_182 = vector.multi_reduction <add>, %integer_pow3A_180, %reduce_sum3A_181 [1] : vector<1000x256xf32> to vector<1000xf32>
    %broadcast_in_dim3A_183 = vector.shape_cast %reduce_sum3A_182 : vector<1000xf32> to vector<1000x1xf32>
    %div3A_184 = arith.constant 2.560000e+02 : f32
    %div3A_185 = vector.broadcast %div3A_184 : f32 to vector<1000x1xf32>
    %div3A_186 = arith.divf %broadcast_in_dim3A_183, %div3A_185 : vector<1000x1xf32>
    %sub3A_187 = vector.broadcast %div3A_177 : vector<1000x1xf32> to vector<1000x256xf32>
    %sub3A_188 = arith.subf %add3A_165, %sub3A_187 : vector<1000x256xf32>
    %add3A_189 = arith.constant 9.99999974E-6 : f32
    %add3A_190 = vector.broadcast %add3A_189 : f32 to vector<1000x1xf32>
    %add3A_191 = arith.addf %div3A_186, %add3A_190 : vector<1000x1xf32>
    %rsqrt3A_192 = math.rsqrt %add3A_191 : vector<1000x1xf32>
    %mul3A_193 = vector.broadcast %rsqrt3A_192 : vector<1000x1xf32> to vector<1000x256xf32>
    %mul3A_194 = arith.mulf %sub3A_188, %mul3A_193 : vector<1000x256xf32>
    %mul3A_195 = vector.broadcast %get3A_168 : vector<1x256xf32> to vector<1000x256xf32>
    %mul3A_196 = arith.mulf %mul3A_194, %mul3A_195 : vector<1000x256xf32>
    %add3A_197 = vector.broadcast %get3A_171 : vector<1x256xf32> to vector<1000x256xf32>
    %add3A_198 = arith.addf %mul3A_196, %add3A_197 : vector<1000x256xf32>
    %get3A_199 = arith.constant 0 : index
    %get3A_200 = arith.constant 0 : index
    %get3A_201 = vector.load %arg25[%get3A_199, %get3A_200] : memref<2048x256xf32, #tpu.memory_space<vmem>>, vector<2048x256xf32>
    %dot_general3A_202 = arith.constant dense<0.000000e+00> : vector<1000x2048xf32>
    %dot_general3A_203 = tpu.matmul %add3A_198, %get3A_201, %dot_general3A_202 {dimension_numbers = #tpu.dot_dimension_numbers<[1], [1], [0], [0], [0, 0, 1, 0], [], []>, transpose_lhs_hint = false} : vector<1000x256xf32>, vector<2048x256xf32>, vector<1000x2048xf32> -> vector<1000x2048xf32>
    %get3A_204 = arith.constant 0 : index
    %get3A_205 = arith.constant 0 : index
    %get3A_206 = vector.load %arg26[%get3A_204, %get3A_205] : memref<1x2048xf32, #tpu.memory_space<vmem>>, vector<1x2048xf32>
    %add3A_207 = vector.broadcast %get3A_206 : vector<1x2048xf32> to vector<1000x2048xf32>
    %add3A_208 = arith.addf %dot_general3A_203, %add3A_207 : vector<1000x2048xf32>
    %max3A_209 = arith.constant 0.000000e+00 : f32
    %max3A_210 = vector.broadcast %max3A_209 : f32 to vector<1000x2048xf32>
    %max3A_211 = arith.maximumf %add3A_208, %max3A_210 : vector<1000x2048xf32>
    %get3A_212 = arith.constant 0 : index
    %get3A_213 = arith.constant 0 : index
    %get3A_214 = vector.load %arg27[%get3A_212, %get3A_213] : memref<256x2048xf32, #tpu.memory_space<vmem>>, vector<256x2048xf32>
    %dot_general3A_215 = arith.constant dense<0.000000e+00> : vector<1000x256xf32>
    %dot_general3A_216 = tpu.matmul %max3A_211, %get3A_214, %dot_general3A_215 {dimension_numbers = #tpu.dot_dimension_numbers<[1], [1], [0], [0], [0, 0, 1, 0], [], []>, transpose_lhs_hint = false} : vector<1000x2048xf32>, vector<256x2048xf32>, vector<1000x256xf32> -> vector<1000x256xf32>
    %get3A_217 = arith.constant 0 : index
    %get3A_218 = arith.constant 0 : index
    %get3A_219 = vector.load %arg28[%get3A_217, %get3A_218] : memref<1x256xf32, #tpu.memory_space<vmem>>, vector<1x256xf32>
    %add3A_220 = vector.broadcast %get3A_219 : vector<1x256xf32> to vector<1000x256xf32>
    %add3A_221 = arith.addf %dot_general3A_216, %add3A_220 : vector<1000x256xf32>
    %add3A_222 = arith.addf %add3A_198, %add3A_221 : vector<1000x256xf32>
    %get3A_223 = arith.constant 0 : index
    %get3A_224 = arith.constant 0 : index
    %get3A_225 = vector.load %arg29[%get3A_223, %get3A_224] : memref<1x256xf32, #tpu.memory_space<vmem>>, vector<1x256xf32>
    %get3A_226 = arith.constant 0 : index
    %get3A_227 = arith.constant 0 : index
    %get3A_228 = vector.load %arg30[%get3A_226, %get3A_227] : memref<1x256xf32, #tpu.memory_space<vmem>>, vector<1x256xf32>
    %reduce_sum3A_229 = arith.constant dense<0.000000e+00> : vector<1000xf32>
    %reduce_sum3A_230 = vector.multi_reduction <add>, %add3A_222, %reduce_sum3A_229 [1] : vector<1000x256xf32> to vector<1000xf32>
    %broadcast_in_dim3A_231 = vector.shape_cast %reduce_sum3A_230 : vector<1000xf32> to vector<1000x1xf32>
    %div3A_232 = arith.constant 2.560000e+02 : f32
    %div3A_233 = vector.broadcast %div3A_232 : f32 to vector<1000x1xf32>
    %div3A_234 = arith.divf %broadcast_in_dim3A_231, %div3A_233 : vector<1000x1xf32>
    %sub3A_235 = vector.broadcast %div3A_234 : vector<1000x1xf32> to vector<1000x256xf32>
    %sub3A_236 = arith.subf %add3A_222, %sub3A_235 : vector<1000x256xf32>
    %integer_pow3A_237 = arith.mulf %sub3A_236, %sub3A_236 : vector<1000x256xf32>
    %reduce_sum3A_238 = arith.constant dense<0.000000e+00> : vector<1000xf32>
    %reduce_sum3A_239 = vector.multi_reduction <add>, %integer_pow3A_237, %reduce_sum3A_238 [1] : vector<1000x256xf32> to vector<1000xf32>
    %broadcast_in_dim3A_240 = vector.shape_cast %reduce_sum3A_239 : vector<1000xf32> to vector<1000x1xf32>
    %div3A_241 = arith.constant 2.560000e+02 : f32
    %div3A_242 = vector.broadcast %div3A_241 : f32 to vector<1000x1xf32>
    %div3A_243 = arith.divf %broadcast_in_dim3A_240, %div3A_242 : vector<1000x1xf32>
    %sub3A_244 = vector.broadcast %div3A_234 : vector<1000x1xf32> to vector<1000x256xf32>
    %sub3A_245 = arith.subf %add3A_222, %sub3A_244 : vector<1000x256xf32>
    %add3A_246 = arith.constant 9.99999974E-6 : f32
    %add3A_247 = vector.broadcast %add3A_246 : f32 to vector<1000x1xf32>
    %add3A_248 = arith.addf %div3A_243, %add3A_247 : vector<1000x1xf32>
    %rsqrt3A_249 = math.rsqrt %add3A_248 : vector<1000x1xf32>
    %mul3A_250 = vector.broadcast %rsqrt3A_249 : vector<1000x1xf32> to vector<1000x256xf32>
    %mul3A_251 = arith.mulf %sub3A_245, %mul3A_250 : vector<1000x256xf32>
    %mul3A_252 = vector.broadcast %get3A_225 : vector<1x256xf32> to vector<1000x256xf32>
    %mul3A_253 = arith.mulf %mul3A_251, %mul3A_252 : vector<1000x256xf32>
    %add3A_254 = vector.broadcast %get3A_228 : vector<1x256xf32> to vector<1000x256xf32>
    %add3A_255 = arith.addf %mul3A_253, %add3A_254 : vector<1000x256xf32>
    %get3A_256 = arith.constant 0 : index
    %get3A_257 = arith.constant 0 : index
    %get3A_258 = vector.load %arg5[%get3A_256, %get3A_257] : memref<128x256xf32, #tpu.memory_space<vmem>>, vector<128x256xf32>
    %dot_general3A_259 = arith.constant dense<0.000000e+00> : vector<1000x128xf32>
    %dot_general3A_260 = tpu.matmul %add3A_255, %get3A_258, %dot_general3A_259 {dimension_numbers = #tpu.dot_dimension_numbers<[1], [1], [0], [0], [0, 0, 1, 0], [], []>, transpose_lhs_hint = false} : vector<1000x256xf32>, vector<128x256xf32>, vector<1000x128xf32> -> vector<1000x128xf32>
    %get3A_261 = arith.constant 0 : index
    %get3A_262 = arith.constant 0 : index
    %get3A_263 = vector.load %arg6[%get3A_261, %get3A_262] : memref<1x128xf32, #tpu.memory_space<vmem>>, vector<1x128xf32>
    %add3A_264 = vector.broadcast %get3A_263 : vector<1x128xf32> to vector<1000x128xf32>
    %add3A_265 = arith.addf %dot_general3A_260, %add3A_264 : vector<1000x128xf32>
    %swap3A = arith.constant 0 : index
    %swap3A_266 = arith.constant 0 : index
    %swap3A_267 = vector.load %arg31[%swap3A, %swap3A_266] : memref<1000x128xf32, #tpu.memory_space<vmem>>, vector<1000x128xf32>
    tpu.vector_store %arg31[%swap3A, %swap3A_266], %add3A_265 {strides = array<i32>} : memref<1000x128xf32, #tpu.memory_space<vmem>>, vector<1000x128xf32>,
    return
  }
  func.func @transform_0(%arg0: i32) -> (i32, i32, i32) {
    %c0_i32 = arith.constant 0 : i32
    %c0_i32_0 = arith.constant 0 : i32
    %c0_i32_1 = arith.constant 0 : i32
    return %c0_i32, %arg0, %c0_i32_0 : i32, i32, i32
  }
  func.func @transform_1(%arg0: i32) -> (i32, i32, i32) {
    %c0_i32 = arith.constant 0 : i32
    %c0_i32_0 = arith.constant 0 : i32
    %c0_i32_1 = arith.constant 0 : i32
    return %c0_i32, %arg0, %c0_i32_0 : i32, i32, i32
  }
  func.func @transform_2(%arg0: i32) -> (i32, i32, i32) {
    %c0_i32 = arith.constant 0 : i32
    %c0_i32_0 = arith.constant 0 : i32
    %c0_i32_1 = arith.constant 0 : i32
    return %c0_i32, %arg0, %c0_i32_0 : i32, i32, i32
  }
  func.func @transform_3(%arg0: i32) -> (i32, i32) {
    %c0_i32 = arith.constant 0 : i32
    %c0_i32_0 = arith.constant 0 : i32
    %c0_i32_1 = arith.constant 0 : i32
    return %c0_i32, %c0_i32_0 : i32, i32
  }
  func.func @transform_4(%arg0: i32) -> (i32, i32) {
    %c0_i32 = arith.constant 0 : i32
    %c0_i32_0 = arith.constant 0 : i32
    %c0_i32_1 = arith.constant 0 : i32
    return %c0_i32, %c0_i32_0 : i32, i32
  }
  func.func @transform_5(%arg0: i32) -> (i32, i32) {
    %c0_i32 = arith.constant 0 : i32
    %c0_i32_0 = arith.constant 0 : i32
    %c0_i32_1 = arith.constant 0 : i32
    return %c0_i32, %c0_i32_0 : i32, i32
  }
  func.func @transform_6(%arg0: i32) -> (i32, i32) {
    %c0_i32 = arith.constant 0 : i32
    %c0_i32_0 = arith.constant 0 : i32
    %c0_i32_1 = arith.constant 0 : i32
    return %c0_i32, %c0_i32_0 : i32, i32
  }
  func.func @transform_7(%arg0: i32) -> (i32, i32) {
    %c0_i32 = arith.constant 0 : i32
    %c0_i32_0 = arith.constant 0 : i32
    %c0_i32_1 = arith.constant 0 : i32
    return %c0_i32, %c0_i32_0 : i32, i32
  }
  func.func @transform_8(%arg0: i32) -> (i32, i32) {
    %c0_i32 = arith.constant 0 : i32
    %c0_i32_0 = arith.constant 0 : i32
    %c0_i32_1 = arith.constant 0 : i32
    return %c0_i32, %c0_i32_0 : i32, i32
  }
  func.func @transform_9(%arg0: i32) -> (i32, i32) {
    %c0_i32 = arith.constant 0 : i32
    %c0_i32_0 = arith.constant 0 : i32
    %c0_i32_1 = arith.constant 0 : i32
    return %c0_i32, %c0_i32_0 : i32, i32
  }
  func.func @transform_10(%arg0: i32) -> (i32, i32) {
    %c0_i32 = arith.constant 0 : i32
    %c0_i32_0 = arith.constant 0 : i32
    %c0_i32_1 = arith.constant 0 : i32
    return %c0_i32, %c0_i32_0 : i32, i32
  }
  func.func @transform_11(%arg0: i32) -> (i32, i32) {
    %c0_i32 = arith.constant 0 : i32
    %c0_i32_0 = arith.constant 0 : i32
    %c0_i32_1 = arith.constant 0 : i32
    return %c0_i32, %c0_i32_0 : i32, i32
  }
  func.func @transform_12(%arg0: i32) -> (i32, i32) {
    %c0_i32 = arith.constant 0 : i32
    %c0_i32_0 = arith.constant 0 : i32
    %c0_i32_1 = arith.constant 0 : i32
    return %c0_i32, %c0_i32_0 : i32, i32
  }
  func.func @transform_13(%arg0: i32) -> (i32, i32) {
    %c0_i32 = arith.constant 0 : i32
    %c0_i32_0 = arith.constant 0 : i32
    %c0_i32_1 = arith.constant 0 : i32
    return %c0_i32, %c0_i32_0 : i32, i32
  }
  func.func @transform_14(%arg0: i32) -> (i32, i32) {
    %c0_i32 = arith.constant 0 : i32
    %c0_i32_0 = arith.constant 0 : i32
    %c0_i32_1 = arith.constant 0 : i32
    return %c0_i32, %c0_i32_0 : i32, i32
  }
  func.func @transform_15(%arg0: i32) -> (i32, i32) {
    %c0_i32 = arith.constant 0 : i32
    %c0_i32_0 = arith.constant 0 : i32
    %c0_i32_1 = arith.constant 0 : i32
    return %c0_i32, %c0_i32_0 : i32, i32
  }
  func.func @transform_16(%arg0: i32) -> (i32, i32) {
    %c0_i32 = arith.constant 0 : i32
    %c0_i32_0 = arith.constant 0 : i32
    %c0_i32_1 = arith.constant 0 : i32
    return %c0_i32, %c0_i32_0 : i32, i32
  }
  func.func @transform_17(%arg0: i32) -> (i32, i32) {
    %c0_i32 = arith.constant 0 : i32
    %c0_i32_0 = arith.constant 0 : i32
    %c0_i32_1 = arith.constant 0 : i32
    return %c0_i32, %c0_i32_0 : i32, i32
  }
  func.func @transform_18(%arg0: i32) -> (i32, i32) {
    %c0_i32 = arith.constant 0 : i32
    %c0_i32_0 = arith.constant 0 : i32
    %c0_i32_1 = arith.constant 0 : i32
    return %c0_i32, %c0_i32_0 : i32, i32
  }
  func.func @transform_19(%arg0: i32) -> (i32, i32) {
    %c0_i32 = arith.constant 0 : i32
    %c0_i32_0 = arith.constant 0 : i32
    %c0_i32_1 = arith.constant 0 : i32
    return %c0_i32, %c0_i32_0 : i32, i32
  }
  func.func @transform_20(%arg0: i32) -> (i32, i32) {
    %c0_i32 = arith.constant 0 : i32
    %c0_i32_0 = arith.constant 0 : i32
    %c0_i32_1 = arith.constant 0 : i32
    return %c0_i32, %c0_i32_0 : i32, i32
  }
  func.func @transform_21(%arg0: i32) -> (i32, i32) {
    %c0_i32 = arith.constant 0 : i32
    %c0_i32_0 = arith.constant 0 : i32
    %c0_i32_1 = arith.constant 0 : i32
    return %c0_i32, %c0_i32_0 : i32, i32
  }
  func.func @transform_22(%arg0: i32) -> (i32, i32) {
    %c0_i32 = arith.constant 0 : i32
    %c0_i32_0 = arith.constant 0 : i32
    %c0_i32_1 = arith.constant 0 : i32
    return %c0_i32, %c0_i32_0 : i32, i32
  }
  func.func @transform_23(%arg0: i32) -> (i32, i32) {
    %c0_i32 = arith.constant 0 : i32
    %c0_i32_0 = arith.constant 0 : i32
    %c0_i32_1 = arith.constant 0 : i32
    return %c0_i32, %c0_i32_0 : i32, i32
  }
  func.func @transform_24(%arg0: i32) -> (i32, i32) {
    %c0_i32 = arith.constant 0 : i32
    %c0_i32_0 = arith.constant 0 : i32
    %c0_i32_1 = arith.constant 0 : i32
    return %c0_i32, %c0_i32_0 : i32, i32
  }
  func.func @transform_25(%arg0: i32) -> (i32, i32) {
    %c0_i32 = arith.constant 0 : i32
    %c0_i32_0 = arith.constant 0 : i32
    %c0_i32_1 = arith.constant 0 : i32
    return %c0_i32, %c0_i32_0 : i32, i32
  }
  func.func @transform_26(%arg0: i32) -> (i32, i32) {
    %c0_i32 = arith.constant 0 : i32
    %c0_i32_0 = arith.constant 0 : i32
    %c0_i32_1 = arith.constant 0 : i32
    return %c0_i32, %c0_i32_0 : i32, i32
  }
  func.func @transform_27(%arg0: i32) -> (i32, i32) {
    %c0_i32 = arith.constant 0 : i32
    %c0_i32_0 = arith.constant 0 : i32
    %c0_i32_1 = arith.constant 0 : i32
    return %c0_i32, %c0_i32_0 : i32, i32
  }
  func.func @transform_28(%arg0: i32) -> (i32, i32) {
    %c0_i32 = arith.constant 0 : i32
    %c0_i32_0 = arith.constant 0 : i32
    %c0_i32_1 = arith.constant 0 : i32
    return %c0_i32, %c0_i32_0 : i32, i32
  }
  func.func @transform_29(%arg0: i32) -> (i32, i32) {
    %c0_i32 = arith.constant 0 : i32
    %c0_i32_0 = arith.constant 0 : i32
    %c0_i32_1 = arith.constant 0 : i32
    return %c0_i32, %c0_i32_0 : i32, i32
  }
  func.func @transform_30(%arg0: i32) -> (i32, i32) {
    %c0_i32 = arith.constant 0 : i32
    %c0_i32_0 = arith.constant 0 : i32
    return %arg0, %c0_i32 : i32, i32
  }
}

</mosaic_0001>

<sc_bundles>
// kernel: kernel.11.cloned.1.call-start
scs
__scs_entry_jumppad:
0x0: {  	(pc) =	sbr.rel $0x88, $3  }
0x1: {  	(tag) =	ssettag $0x0;
	lr =	simm.s32 $0x1  }
0x2: {  	[smem:$0x3F81] =	sst lr;
	_ =	strace $0xD0000000  }
0x3: {  	_ = 	snop  }
0x4: {  	_ = 	snop  }
0x5: {  	_ = 	snop  }
0x6: {  	_ = 	snop  }
0x7: {  	_ = 	snop  }
__scs_overlays_trampoline_lowered:
0x8: {  	[smem:$0x3F90] =	sst s0  }
0x9: {  	[smem:$0x3F91] =	sst s1  }
0xa: {  	[smem:$0x3F92] =	sst s2  }
0xb: {  	[smem:$0x3F93] =	sst s3  }
0xc: {  	[smem:$0x3F94] =	sst s4  }
0xd: {  	[smem:$0x3F95] =	sst s5  }
0xe: {  	[smem:$0x3F96] =	sst s6  }
0xf: {  	[smem:$0x3F97] =	sst s7  }
0x10: {  	[smem:$0x3F98] =	sst s8  }
0x11: {  	[smem:$0x3F99] =	sst s9;
	s0 =	simm.s32 @!p0 $0x0  }
0x12: {  	s1 =	sld [smem:$0x3F7F];
	s0 =	simm.s32 @p0 $0x1  }
0x13: {  	[smem:$0x3F9A] =	sst s0;
	s0 =	simm.s32 @!p1 $0x0  }
0x14: {  	s2 =	sld [smem:$0x3F7E];
	s0 =	simm.s32 @p1 $0x1  }
0x15: {  	[smem:$0x3F9B] =	sst s0;
	s0 =	simm.s32 @!p2 $0x0  }
0x16: {  	s3 =	sld [smem:$0x3FDB];
	s0 =	simm.s32 @p2 $0x1  }
0x17: {  	s4 =	simm.s32 $0x1BF5;
	[smem:$0x3F9D] =	sst s0  }
0x18: {  	s0 =	sld [smem:$0x3F80];
	_ =	swait.ge [sflag:s4], $0x0  }
0x19: {  	s7 =	sld [smem:$0x3F81]  }
0x1a: {  	s8 =	sadd.s32 $0xFFFFE003, lr  }
0x1b: {  	s9 =	sadd.s32 $0xFFFFFEF7, lr;
	s5 =	simm.s32 $0xFFFFFFFF;
	p2 =	slt.u32 s8, $0xFFFFF086  }
0x1c: {  	p1 =	slt.u32 s9, $0xF7A;
	s5 =	simm.s32 @!p2 $0x0  }
0x1d: {  	s5 =	simm.s32 @p1 $0x1;
	p0 =	seq.s32 s7, s2  }
0x1e: {  	s7 =	smul.u32 @!p0 $0xF7A, s2;
	p2 =	seq.s32 @!p0 s5, $0x0  }
0x1f: {  	s9 =	smul.u32 $0xF7A, s1;
	s8 =	simm.s32 @!p0 $0x1BF5;
	p2 =	por !p2, p0  }
0x20: {  	[sflag:s8] =	ssyncset.s32 @!p0 $0xFFFFF086;
	s6 =	sadd.s32 @!p0 s3, s7;
	s7 =	simm.s32 @!p0 $0x108  }
0x21: {  	s3 =	sadd.s32 s3, s9;
	s6 =	sadd.s32 @!p0 $0x88, s6;
	s7 =	simm.s32 @p2 $0x1082  }
0x22: {  	[simem:s7], [sflag:s8] =	dma.local @!p0 [hbm:s6], $0xF7A  }
0x23: {  	s9 =	sor.u32 $0xD0000000, s2;
	s6 =	simm.s32 $0x108;
	_ =	swait.ge @!p0 [sflag:s8], $0x0  }
0x24: {  	s3 =	sadd.s32 $0x88, s3;
	s6 =	simm.s32 @!p1 $0x1082;
	[sflag:s4] =	ssyncset.s32 $0xFFFFF086  }
0x25: {  	[simem:s6], [sflag:s4] =	dma.local [hbm:s3], $0xF7A  }
0x26: {  	[smem:$0x3F81] =	sst s1;
	(tag) =	ssettag s2;
	_ =	strace s9  }
0x27: {  	s1 =	sld [smem:$0x3F91]  }
0x28: {  	s2 =	sld [smem:$0x3F92]  }
0x29: {  	s4 =	sld [smem:$0x3F94]  }
0x2a: {  	p0 =	seq.s32 s5, $0x0;
	s5 =	sld [smem:$0x3F95]  }
0x2b: {  	s6 =	sld [smem:$0x3F96]  }
0x2c: {  	s7 =	sld [smem:$0x3F97]  }
0x2d: {  	s3 =	simm.s32 $0x108;
	s8 =	sld [smem:$0x3F98]  }
0x2e: {  	s3 =	simm.s32 @!p0 $0x1082;
	s9 =	sld [smem:$0x3F99]  }
0x2f: {  	lr =	sadd.s32 s0, s3;
	s0 =	sld [smem:$0x3F90]  }
0x30: {  	s3 =	sld [smem:$0x3F93]  }
0x31: {  	[smem:$0x3F9C] =	sst s10  }
0x32: {  	s10 =	sld [smem:$0x3F9A];
	_ =	sdelay $0x3  }
0x33: {  	p0 =	seq.s32 s10, $0x1;
	s10 =	sld [smem:$0x3F9C];
	_ =	sdelay $0x3  }
0x34: {  	[smem:$0x3F9C] =	sst s10  }
0x35: {  	s10 =	sld [smem:$0x3F9B];
	_ =	sdelay $0x3  }
0x36: {  	p1 =	seq.s32 s10, $0x1;
	s10 =	sld [smem:$0x3F9C];
	_ =	sdelay $0x3  }
0x37: {  	[smem:$0x3F9C] =	sst s10  }
0x38: {  	s10 =	sld [smem:$0x3F9D]  }
0x39: {  	_ = 	snop;
	(pc) =	sbr.ind lr, $3  }
0x3a: {  	_ = 	snop  }
0x3b: {  	_ = 	snop  }
0x3c: {  	p2 =	seq.s32 s10, $0x1;
	s10 =	sld [smem:$0x3F9C]  }
0x3d: {  	_ =	shalt  }
0x3e: {  	_ =	shalt  }
0x3f: {  	_ =	shalt  }
0x40: {  	_ =	shalt  }
0x41: {  	_ =	shalt  }
0x42: {  	_ =	shalt  }
0x43: {  	_ =	shalt  }
0x44: {  	_ =	shalt  }
0x45: {  	_ =	shalt  }
0x46: {  	_ =	shalt  }
0x47: {  	_ =	shalt  }
0x48: {  	_ =	shalt  }
0x49: {  	_ =	shalt  }
0x4a: {  	_ =	shalt  }
0x4b: {  	_ =	shalt  }
0x4c: {  	_ =	shalt  }
0x4d: {  	_ =	shalt  }
0x4e: {  	_ =	shalt  }
0x4f: {  	_ =	shalt  }
0x50: {  	_ =	shalt  }
0x51: {  	_ =	shalt  }
0x52: {  	_ =	shalt  }
0x53: {  	_ =	shalt  }
0x54: {  	_ =	shalt  }
0x55: {  	_ =	shalt  }
0x56: {  	_ =	shalt  }
0x57: {  	_ =	shalt  }
0x58: {  	_ =	shalt  }
0x59: {  	_ =	shalt  }
0x5a: {  	_ =	shalt  }
0x5b: {  	_ =	shalt  }
0x5c: {  	_ =	shalt  }
0x5d: {  	_ =	shalt  }
0x5e: {  	_ =	shalt  }
0x5f: {  	_ =	shalt  }
0x60: {  	_ =	shalt  }
0x61: {  	_ =	shalt  }
0x62: {  	_ =	shalt  }
0x63: {  	_ =	shalt  }
0x64: {  	_ =	shalt  }
0x65: {  	_ =	shalt  }
0x66: {  	_ =	shalt  }
0x67: {  	_ =	shalt  }
0x68: {  	_ =	shalt  }
0x69: {  	_ =	shalt  }
0x6a: {  	_ =	shalt  }
0x6b: {  	_ =	shalt  }
0x6c: {  	_ =	shalt  }
0x6d: {  	_ =	shalt  }
0x6e: {  	_ =	shalt  }
0x6f: {  	_ =	shalt  }
0x70: {  	_ =	shalt  }
0x71: {  	_ =	shalt  }
0x72: {  	_ =	shalt  }
0x73: {  	_ =	shalt  }
0x74: {  	_ =	shalt  }
0x75: {  	_ =	shalt  }
0x76: {  	_ =	shalt  }
0x77: {  	_ =	shalt  }
0x78: {  	_ =	shalt  }
0x79: {  	_ =	shalt  }
0x7a: {  	_ =	shalt  }
0x7b: {  	_ =	shalt  }
0x7c: {  	_ =	shalt  }
0x7d: {  	_ =	shalt  }
0x7e: {  	_ =	shalt  }
0x7f: {  	_ =	shalt  }
0x80: {  	_ =	shalt  }
0x81: {  	_ =	shalt  }
0x82: {  	_ =	shalt  }
0x83: {  	_ =	shalt  }
0x84: {  	_ =	shalt  }
0x85: {  	_ =	shalt  }
0x86: {  	_ =	shalt  }
0x87: {  	_ =	shalt  }
.Lfunc_end0:
.L_simem_size_0:
called_computation.1_lowered:
.L_overlay_start_0:
0x88: {  	s2 =	sld [smem:$0x3FD9]  }
0x89: {  	s3 =	sld [smem:$0x3FFE];
	_ =	sdelay $0x1  }
0x8a: {  	s1 =	srdreg.scid  }
0x8b: {  	s0 =	sand.u32 $0x1, s1  }
0x8c: {  	s16 =	sshll.u32 s0, $0xA;
	s2 =	sadd.s32 s3, s2  }
0x8d: {  	s2 =	sadd.s32 s2, s16  }
0x8e: {  	[smem:$0x3FA8] =	sst s2  }
0x8f: {  	_ = 	snop  }
0x90: {  	(tm) =	ssettm $0x1  }
0x91: {  	s17 =	sld [smem:$0x3FFB];
	_ =	sdelay $0x3  }
0x92: {  	_ =	strace s17  }
0x93: {  	s2 =	sld [smem:$0x3FFC];
	_ =	sdelay $0x3  }
0x94: {  	_ =	strace s2  }
0x95: {  	s2 =	sld [smem:$0x3FFD];
	_ =	sdelay $0x3  }
0x96: {  	_ =	strace s2  }
0x97: {  	_ =	strace $0x8FFFFFFF  }
0x98: {  	s18 =	sld [smem:$0x3FDB];
	_ =	sdelay $0x1  }
0x99: {  	s19 =	simm.s32 $_scs_section_size  }
0x9a: {  	s4 =	simm.s32 $_size__tile_overlayer_lowered;
	s5 =	simm.s32 $_tile_overlayer_lowered  }
0x9b: {  	s22 =	simm.s32 $0x1BFF;
	s21 =	sshll.u32 s5, $0x1;
	s2 =	sadd.s32 s19, s18  }
0x9c: {  	s6 =	simm.s32 $0x0;
	s20 =	sshll.u32 s4, $0x1;
	s4 =	sadd.s32 s21, s2  }
0x9d: {  	[timem:s6], [sflag:s22] =	dma.local [hbm:s4], s20  }
0x9e: {  	_ =	swait.ge [sflag:s22], s20  }
0x9f: {  	s3 =	ssub.s32 $0x0, s20;
	[sflag:s22] =	ssyncset.done $0x0  }
0xa0: {  	[sflag:s22] =	ssyncadd.s32 s3;
	_ =	sdelay $0x1  }
0xa1: {  	s23 =	simm.s32 $0x1B8B  }
0xa2: {  	_ =	swait.ge [sflag:s23], $0x1  }
0xa3: {  	[sflag:s23] =	ssyncset.done $0x0  }
0xa4: {  	s25 =	simm.s32 $0x1B8E;
	s24 =	sld [smem:$0x3FFE];
	[sflag:s23] =	ssyncadd.s32 $0xFFFFFFFF  }
0xa5: {  	s26 =	simm.s32 $execute0_lowered;
	[smem:$0x3FD2] =	sst s25  }
0xa6: {  	s4 =	sshll.u32 s26, $0x1;
	_ =	strace $0x80000049;
	[dreg:$0x1] =	wrdreg $0xFFFFFFFF  }
0xa7: {  	s28 =	simm.s32 $_size_execute0_lowered;
	s2 =	sadd.s32 s2, s4;
	[dreg:$0x0] =	wrdreg $0x0  }
0xa8: {  	s4 =	sshll.u32 s28, $0x1;
	[dreg:$0x2] =	wrdreg s2  }
0xa9: {  	[dreg:$0x3] =	wrdreg s4  }
0xaa: {  	[dreg:$0x4] =	wrdreg $0xC0  }
0xab: {  	_ =	task [dreg:s6], $0x5FFFF  }
0xac: {  	[dreg:$0x1] =	wrdreg $0xFFFFFFFF  }
0xad: {  	[dreg:$0x0] =	wrdreg $0x60  }
0xae: {  	[dreg:$0x2] =	wrdreg s24  }
0xaf: {  	[dreg:$0x3] =	wrdreg $0x124000  }
0xb0: {  	[dreg:$0x4] =	wrdreg $0x9  }
0xb1: {  	_ =	task.clear_ibuf [dreg:s6], $0x5FFFF;
	_ =	strace $0x90000049  }
0xb2: {  	s29 =	simm.s32 $0x9;
	_ =	strace $0x8000004B  }
0xb3: {  	_ =	swait.ge [sflag:s29], $0x1  }
0xb4: {  	[sflag:s29] =	ssyncadd.s32 $0xFFFFFFFF  }
0xb5: {  	_ =	strace $0x9000004B  }
0xb6: {  	_ =	sfence  }
0xb7: {  	s30 =	sld [smem:$0x0];
	_ =	sdelay $0x2  }
0xb8: {  	s31 =	sshll.u32 s1, $0xD;
	s1 =	sshrl.u32 s1, $0x2  }
0xb9: {  	s3 =	sand.u32 $0x4000, s31;
	s1 =	sadd.s32 s1, s30  }
0xba: {  	s0 =	sor.u32 s3, s0;
	s1 =	sshll.u32 s1, $0x11  }
0xbb: {  	s0 =	sor.u32 s1, s0  }
0xbc: {  	s0 =	sadd.s32 $0x8F2B, s0  }
0xbd: {  	[sflag:s0] =	ssyncadd.remote.s32 $0x1  }
0xbe: {  	_ =	sfence.sel $0xFFFF  }
0xbf: {  	[dreg:$0x0] =	wrdreg $0xFFFFFFFF;
	(pc) =	sbr.abs _section_cstart, $3  }
0xc0: {  	[dreg:$0x1] =	wrdreg $0xFFFFFFFF  }
0xc1: {  	_ =	task.clear_ibuf [dreg:s6], $0x2FFFF;
	_ =	strace $0x9FFFFFFF  }
0xc2: {  	(tm) =	ssettm $0x7FFFFFFF  }
0xc3: {  	_ =	shalt  }
tec
execute0_lowered:
.L_overlay_start_1:
0x0: {  	(tag) =	ssettag $0x1  }
0x1: {  	s0 =	rddreg [dreg:$0x0];
	s1 =	srdreg.scid  }
0x2: {  	s13 =	stileid.u32;
	s2 =	rddreg [dreg:$0x1]  }
0x3: {  	s3 =	simm.s32 $0x0;
	s17 =	simm.s32 $0x3;
	s18 =	simm.s32 $0x3400  }
0x4: {  	s19 =	simm.s32 $0xD000;
	s20 =	simm.s32 $0x64;
	s5 =	smul.u32 $0x3400, s13  }
0x5: {  	s21 =	simm.s32 $0x6800;
	s22 =	simm.s32 $0x80;
	s10 =	smul.u32 $0xA000, s13  }
0x6: {  	s23 =	simm.s32 $0x9C00;
	s24 =	simm.s32 $0x1;
	s11 =	smul.u32 $0x2A000, s13  }
0x7: {  	s25 =	simm.s32 $0x2;
	s1 =	sand.u32 $0x1, s1;
	s13 =	smul.u32 $0x28000, s13  }
0x8: {  	s26 =	simm.s32 $0x6500;
	s28 =	simm.s32 $0x6580;
	s4 =	smul.u32 $0x34000, s1  }
0x9: {  	[smem:$0x7FF] =	sst s3;
	s12 =	smul.u32 $0x140000, s1;
	s1 =	ssub.s32 $0x2, s1  }
0xa: {  	_ =	strace $0x8000004A;
	s29 =	sshrl.u32 s1, $0x1;
	s11 =	sshrl.u32 s11, $0x2  }
0xb: {  	s15 =	sadd.s32 $0x5000, s10;
	s13 =	sshrl.u32 s13, $0x2;
	s6 =	sadd.s32 s5, s4  }
0xc: {  	s4 =	sadd.s32 $0x6FA00, s0;
	s5 =	sshrl.u32 s5, $0x3;
	s7 =	sadd.s32 s12, s10  }
0xd: {  	s1 =	ssub.s32 s1, s29;
	s11 =	sadd.s32 s11, s2;
	s31 =	sadd.s32 s12, s15  }
0xe: {  	s13 =	sadd.s32 s13, s2;
	s15 =	sadd.s32 s15, s2;
	s6 =	sshrl.u32 s6, $0x3  }
0xf: {  	s8 =	sadd.s32 s5, s0;
	s7 =	sshrl.u32 s7, $0x3;
	s10 =	smax.u32 s1, $0x1  }
0x10: {  	s12 =	sadd.s32 $0x5400, s11;
	s6 =	sadd.s32 s6, s0;
	s0 =	sadd.s32 $0xBDC00, s0  }
0x11: {  	s1 =	sshrl.u32 s31, $0x3;
	s30 =	sadd.s32 $0x62A00, s6;
	s6 =	sadd.s32 s0, s7  }
0x12: {  	s7 =	sadd.s32 $0x55A00, s8;
	s8 =	sadd.s32 $0x5C200, s8;
	s14 =	sadd.s32 s0, s1  }
0x13: {  	v0 =	vimm.f32 $0.0e+00;
	[dreg:$0x3] =	wrdreg s30;
	s9 =	sadd.s32 $0x14000, s6;
	s16 =	sadd.s32 $0x14A00, s6  }
.LBB2_1:
0x14: {  	s1 =	simm.s32 $0x0;
	s29 =	simm.s32 $0x200  }
.LBB2_2:
0x15: {  	p0 =	sne.s32 s29, $0x14E00;
	[tilespmem:s1+$0xD070] =	vst v0  }
0x16: {  	[tilespmem:s1+$0xD000] =	vst v0  }
0x17: {  	[tilespmem:s1+$0xD010] =	vst v0  }
.Ltmp0:
0x18: {  	[tilespmem:s1+$0xD020] =	vst v0;
	(pc) =	sbr.rel @p0 .LBB2_2-.Ltmp0, $4  }
0x19: {  	[tilespmem:s1+$0xD030] =	vst v0  }
0x1a: {  	[tilespmem:s1+$0xD040] =	vst v0  }
0x1b: {  	[tilespmem:s1+$0xD050] =	vst v0  }
0x1c: {  	[tilespmem:s1+$0xD060] =	vst v0;
	s1 =	sshra.s32 s29, $0x2;
	s29 =	sadd.s32 $0x200, s29  }
0x1d: {  	[tilespmem:s1+$0xD070] =	vst v0  }
0x1e: {  	[tilespmem:s1+$0xD000] =	vst v0  }
0x1f: {  	[tilespmem:s1+$0xD010] =	vst v0  }
0x20: {  	[tilespmem:s1+$0xD020] =	vst v0  }
0x21: {  	[tilespmem:s1+$0xD030] =	vst v0  }
0x22: {  	[tilespmem:s1+$0xD040] =	vst v0  }
0x23: {  	[tilespmem:s1+$0xD050] =	vst v0  }
0x24: {  	[tilespmem:s1+$0xD060] =	vst v0;
	s0 =	simm.s32 $0x0;
	s31 =	rddreg [dreg:$0x3]  }
0x25: {  	[tilespmem:s0], [sflag:$0x3] =	stream.linear.gather [hbm4b:s31+s0], $0x3200, $0x38;
	[tilespmem:$0x1CC00] =	vst v63  }
0x26: {  	_ =	swait.ge [sflag:s17], $0x3200  }
0x27: {  	[sflag:s17] =	ssyncset.done $0x0  }
0x28: {  	[sflag:s17] =	ssyncadd.s32 $0xFFFFCE00  }
0x29: {  	[tilespmem:s18], [sflag:$0x3] =	stream.linear.gather [hbm4b:s7+s0], $0x3200, $0x38;
	[tilespmem:$0x1CC00] =	vst v63  }
0x2a: {  	_ =	swait.ge [sflag:s17], $0x3200  }
0x2b: {  	[sflag:s17] =	ssyncset.done $0x0  }
0x2c: {  	[sflag:s17] =	ssyncadd.s32 $0xFFFFCE00  }
0x2d: {  	[spmem:s11] =	stream.linear.scatter [tilespmem:s19], [sflag:$0x3], $0x5400, $0x38;
	[tilespmem:$0x1CC00] =	vst v63  }
0x2e: {  	_ =	swait.ge [sflag:s17], $0x5400  }
0x2f: {  	[sflag:s17] =	ssyncset.done $0x0  }
0x30: {  	[sflag:s17] =	ssyncadd.s32 $0xFFFFAC00  }
0x31: {  	[spmem:s12] =	stream.linear.scatter [tilespmem:s19], [sflag:$0x3], $0x5400, $0x38;
	[tilespmem:$0x1CC00] =	vst v63  }
0x32: {  	_ =	swait.ge [sflag:s17], $0x5400  }
0x33: {  	[sflag:s17] =	ssyncset.done $0x0  }
0x34: {  	[sflag:s17] =	ssyncadd.s32 $0xFFFFAC00  }
0x35: {  	[bflag:$0x0] =	sbarrier.arrive $0xFFFF  }
0x36: {  	[tilespmem:s21], [sflag:$0x1] =	stream.indirect.gather [hbm4b:s4+s20], $0x80, s0, s20, $0xb8;
	[tilespmem:$0x1CC00] =	vst v63  }
0x37: {  	_ = 	snop  }
0x38: {  	[tilespmem:s23], [sflag:$0x2] =	stream.indirect.gather [hbm4b:s4+s20], $0x80, s22, s20, $0xb8;
	[tilespmem:$0x1CC00] =	vst v63  }
0x39: {  	_ =	swait.ge [sflag:s24], $0x3200  }
0x3a: {  	[sflag:s24] =	ssyncset.done $0x0  }
0x3b: {  	s5 =	simm.s32 $0x3400;
	[sflag:s24] =	ssyncadd.s32 $0xFFFFCE00  }
0x3c: {  	[spmem:s2] =	stream.indirect.scatter.add.f32 [tilespmem:s21], [sflag:$0x3], $0x80, s5, s20, $0xb8;
	[tilespmem:$0x1CC00] =	vst v63  }
0x3d: {  	_ =	swait.ge [sflag:s17], $0x3200  }
0x3e: {  	[sflag:s17] =	ssyncset.done $0x0  }
0x3f: {  	s30 =	simm.s32 $0x100;
	[sflag:s17] =	ssyncadd.s32 $0xFFFFCE00  }
0x40: {  	[tilespmem:s21], [sflag:$0x1] =	stream.indirect.gather [hbm4b:s4+s20], $0x80, s30, s20, $0xb8;
	[tilespmem:$0x1CC00] =	vst v63  }
0x41: {  	_ =	swait.ge [sflag:s25], $0x3200  }
0x42: {  	[sflag:s25] =	ssyncset.done $0x0  }
0x43: {  	s31 =	simm.s32 $0x3480;
	[sflag:s25] =	ssyncadd.s32 $0xFFFFCE00  }
0x44: {  	[spmem:s2] =	stream.indirect.scatter.add.f32 [tilespmem:s23], [sflag:$0x3], $0x80, s31, s20, $0xb8;
	[tilespmem:$0x1CC00] =	vst v63  }
0x45: {  	_ =	swait.ge [sflag:s17], $0x3200  }
0x46: {  	[sflag:s17] =	ssyncset.done $0x0  }
0x47: {  	s29 =	simm.s32 $0x400;
	s1 =	simm.s32 $0x180;
	[sflag:s17] =	ssyncadd.s32 $0xFFFFCE00  }
.LBB2_4:
0x48: {  	[tilespmem:s23], [sflag:$0x2] =	stream.indirect.gather [hbm4b:s4+s20], $0x80, s1, s20, $0xb8;
	[tilespmem:$0x1CC00] =	vst v63  }
0x49: {  	s0 =	smov.u32 s29  }
0x4a: {  	p0 =	sne.s32 s29, $0xC000;
	s29 =	sadd.s32 $0x400, s29;
	_ =	swait.ge [sflag:s24], $0x3200  }
0x4b: {  	s0 =	sshra.s32 s0, $0x2;
	[sflag:s24] =	ssyncset.done $0x0  }
0x4c: {  	s1 =	sadd.s32 $0x3400, s0;
	[sflag:s24] =	ssyncadd.s32 $0xFFFFCE00  }
0x4d: {  	[spmem:s2] =	stream.indirect.scatter.add.f32 [tilespmem:s21], [sflag:$0x3], $0x80, s1, s20, $0xb8;
	[tilespmem:$0x1CC00] =	vst v63  }
0x4e: {  	_ =	swait.ge [sflag:s17], $0x3200  }
0x4f: {  	[sflag:s17] =	ssyncset.done $0x0  }
0x50: {  	s1 =	sadd.s32 $0x100, s0;
	[sflag:s17] =	ssyncadd.s32 $0xFFFFCE00  }
0x51: {  	[tilespmem:s21], [sflag:$0x1] =	stream.indirect.gather [hbm4b:s4+s20], $0x80, s1, s20, $0xb8;
	[tilespmem:$0x1CC00] =	vst v63  }
0x52: {  	_ =	swait.ge [sflag:s25], $0x3200  }
0x53: {  	[sflag:s25] =	ssyncset.done $0x0  }
.Ltmp1:
0x54: {  	s1 =	sadd.s32 $0x3480, s0;
	[sflag:s25] =	ssyncadd.s32 $0xFFFFCE00;
	(pc) =	sbr.rel @p0 .LBB2_4-.Ltmp1, $4  }
0x55: {  	[spmem:s2] =	stream.indirect.scatter.add.f32 [tilespmem:s23], [sflag:$0x3], $0x80, s1, s20, $0xb8;
	[tilespmem:$0x1CC00] =	vst v63  }
0x56: {  	_ =	swait.ge [sflag:s17], $0x3200  }
0x57: {  	[sflag:s17] =	ssyncset.done $0x0  }
0x58: {  	s1 =	sadd.s32 $0x180, s0;
	[sflag:s17] =	ssyncadd.s32 $0xFFFFCE00  }
0x59: {  	[tilespmem:s23], [sflag:$0x2] =	stream.indirect.gather [hbm4b:s4+s20], $0x80, s1, s20, $0xb8;
	[tilespmem:$0x1CC00] =	vst v63  }
0x5a: {  	_ =	swait.ge [sflag:s24], $0x3200  }
0x5b: {  	[sflag:s24] =	ssyncset.done $0x0  }
0x5c: {  	[sflag:s24] =	ssyncadd.s32 $0xFFFFCE00  }
0x5d: {  	[spmem:s2] =	stream.indirect.scatter.add.f32 [tilespmem:s21], [sflag:$0x3], $0x80, s26, s20, $0xb8;
	[tilespmem:$0x1CC00] =	vst v63  }
0x5e: {  	_ =	swait.ge [sflag:s17], $0x3200  }
0x5f: {  	[sflag:s17] =	ssyncset.done $0x0  }
0x60: {  	[sflag:s17] =	ssyncadd.s32 $0xFFFFCE00  }
0x61: {  	_ =	swait.ge [sflag:s25], $0x3200  }
0x62: {  	[sflag:s25] =	ssyncset.done $0x0  }
0x63: {  	[sflag:s25] =	ssyncadd.s32 $0xFFFFCE00  }
0x64: {  	[spmem:s2] =	stream.indirect.scatter.add.f32 [tilespmem:s23], [sflag:$0x3], $0x80, s28, s20, $0xb8;
	[tilespmem:$0x1CC00] =	vst v63  }
0x65: {  	_ =	swait.ge [sflag:s17], $0x3200  }
0x66: {  	s0 =	stileid.u32;
	[sflag:s17] =	ssyncset.done $0x0  }
0x67: {  	s0 =	sshll.u32 s0, $0x6;
	[sflag:s17] =	ssyncadd.s32 $0xFFFFCE00  }
0x68: {  	s30 =	sshrl.u32 s13, $0x3;
	s29 =	sor.u32 $0x1C03, s0;
	[bflag:$0x0] =	sbarrier.arrive $0xFFFF  }
0x69: {  	[hbm:s6], [sflag:s29] =	dma.local [spmem:s30], $0xA00  }
0x6a: {  	_ =	swait.ge [sflag:s17], $0xA00  }
0x6b: {  	[sflag:s17] =	ssyncset.done $0x0  }
0x6c: {  	s31 =	sshrl.u32 s15, $0x3;
	[sflag:s17] =	ssyncadd.s32 $0xFFFFF600  }
0x6d: {  	[hbm:s14], [sflag:s29] =	dma.local [spmem:s31], $0xA00  }
0x6e: {  	_ =	swait.ge [sflag:s17], $0xA00  }
0x6f: {  	[sflag:s17] =	ssyncset.done $0x0  }
0x70: {  	[sflag:s17] =	ssyncadd.s32 $0xFFFFF600  }
0x71: {  	s1 =	simm.s32 $0x0;
	[bflag:$0x0] =	sbarrier.arrive $0xFFFF  }
0x72: {  	[tilespmem:s18], [sflag:$0x3] =	stream.linear.gather [hbm4b:s8+s1], $0x3200, $0x38;
	[tilespmem:$0x1CC00] =	vst v63  }
0x73: {  	_ =	swait.ge [sflag:s17], $0x3200  }
0x74: {  	[sflag:s17] =	ssyncset.done $0x0  }
0x75: {  	[sflag:s17] =	ssyncadd.s32 $0xFFFFCE00  }
0x76: {  	[spmem:s11] =	stream.linear.scatter [tilespmem:s19], [sflag:$0x3], $0x5400, $0x38;
	[tilespmem:$0x1CC00] =	vst v63  }
0x77: {  	_ =	swait.ge [sflag:s17], $0x5400  }
0x78: {  	[sflag:s17] =	ssyncset.done $0x0  }
0x79: {  	[sflag:s17] =	ssyncadd.s32 $0xFFFFAC00  }
0x7a: {  	[spmem:s12] =	stream.linear.scatter [tilespmem:s19], [sflag:$0x3], $0x5400, $0x38;
	[tilespmem:$0x1CC00] =	vst v63  }
0x7b: {  	_ =	swait.ge [sflag:s17], $0x5400  }
0x7c: {  	[sflag:s17] =	ssyncset.done $0x0  }
0x7d: {  	[sflag:s17] =	ssyncadd.s32 $0xFFFFAC00  }
0x7e: {  	[bflag:$0x0] =	sbarrier.arrive $0xFFFF  }
0x7f: {  	[tilespmem:s21], [sflag:$0x1] =	stream.indirect.gather [hbm4b:s4+s20], $0x80, s1, s20, $0xb8;
	[tilespmem:$0x1CC00] =	vst v63  }
0x80: {  	_ = 	snop  }
0x81: {  	[tilespmem:s23], [sflag:$0x2] =	stream.indirect.gather [hbm4b:s4+s20], $0x80, s22, s20, $0xb8;
	[tilespmem:$0x1CC00] =	vst v63  }
0x82: {  	_ =	swait.ge [sflag:s24], $0x3200  }
0x83: {  	[sflag:s24] =	ssyncset.done $0x0  }
0x84: {  	s5 =	simm.s32 $0x3400;
	[sflag:s24] =	ssyncadd.s32 $0xFFFFCE00  }
0x85: {  	[spmem:s2] =	stream.indirect.scatter.add.f32 [tilespmem:s21], [sflag:$0x3], $0x80, s5, s20, $0xb8;
	[tilespmem:$0x1CC00] =	vst v63  }
0x86: {  	_ =	swait.ge [sflag:s17], $0x3200  }
0x87: {  	[sflag:s17] =	ssyncset.done $0x0  }
0x88: {  	s1 =	simm.s32 $0x100;
	[sflag:s17] =	ssyncadd.s32 $0xFFFFCE00  }
0x89: {  	[tilespmem:s21], [sflag:$0x1] =	stream.indirect.gather [hbm4b:s4+s20], $0x80, s1, s20, $0xb8;
	[tilespmem:$0x1CC00] =	vst v63  }
0x8a: {  	_ =	swait.ge [sflag:s25], $0x3200  }
0x8b: {  	[sflag:s25] =	ssyncset.done $0x0  }
0x8c: {  	s5 =	simm.s32 $0x3480;
	[sflag:s25] =	ssyncadd.s32 $0xFFFFCE00  }
0x8d: {  	[spmem:s2] =	stream.indirect.scatter.add.f32 [tilespmem:s23], [sflag:$0x3], $0x80, s5, s20, $0xb8;
	[tilespmem:$0x1CC00] =	vst v63  }
0x8e: {  	_ =	swait.ge [sflag:s17], $0x3200  }
0x8f: {  	[sflag:s17] =	ssyncset.done $0x0  }
0x90: {  	s0 =	simm.s32 $0x180;
	s1 =	simm.s32 $0x400;
	[sflag:s17] =	ssyncadd.s32 $0xFFFFCE00  }
.LBB2_6:
0x91: {  	[tilespmem:s23], [sflag:$0x2] =	stream.indirect.gather [hbm4b:s4+s20], $0x80, s0, s20, $0xb8;
	[tilespmem:$0x1CC00] =	vst v63  }
0x92: {  	s0 =	smov.u32 s1  }
0x93: {  	p0 =	sne.s32 s1, $0xC000;
	s1 =	sadd.s32 $0x400, s1;
	_ =	swait.ge [sflag:s24], $0x3200  }
0x94: {  	s0 =	sshra.s32 s0, $0x2;
	[sflag:s24] =	ssyncset.done $0x0  }
0x95: {  	s5 =	sadd.s32 $0x3400, s0;
	[sflag:s24] =	ssyncadd.s32 $0xFFFFCE00  }
0x96: {  	[spmem:s2] =	stream.indirect.scatter.add.f32 [tilespmem:s21], [sflag:$0x3], $0x80, s5, s20, $0xb8;
	[tilespmem:$0x1CC00] =	vst v63  }
0x97: {  	_ =	swait.ge [sflag:s17], $0x3200  }
0x98: {  	[sflag:s17] =	ssyncset.done $0x0  }
0x99: {  	s5 =	sadd.s32 $0x100, s0;
	[sflag:s17] =	ssyncadd.s32 $0xFFFFCE00  }
0x9a: {  	[tilespmem:s21], [sflag:$0x1] =	stream.indirect.gather [hbm4b:s4+s20], $0x80, s5, s20, $0xb8;
	[tilespmem:$0x1CC00] =	vst v63  }
0x9b: {  	_ =	swait.ge [sflag:s25], $0x3200  }
0x9c: {  	[sflag:s25] =	ssyncset.done $0x0  }
.Ltmp2:
0x9d: {  	s5 =	sadd.s32 $0x3480, s0;
	[sflag:s25] =	ssyncadd.s32 $0xFFFFCE00;
	(pc) =	sbr.rel @p0 .LBB2_6-.Ltmp2, $4  }
0x9e: {  	[spmem:s2] =	stream.indirect.scatter.add.f32 [tilespmem:s23], [sflag:$0x3], $0x80, s5, s20, $0xb8;
	[tilespmem:$0x1CC00] =	vst v63  }
0x9f: {  	_ =	swait.ge [sflag:s17], $0x3200  }
0xa0: {  	[sflag:s17] =	ssyncset.done $0x0  }
0xa1: {  	s0 =	sadd.s32 $0x180, s0;
	[sflag:s17] =	ssyncadd.s32 $0xFFFFCE00  }
0xa2: {  	[tilespmem:s23], [sflag:$0x2] =	stream.indirect.gather [hbm4b:s4+s20], $0x80, s0, s20, $0xb8;
	[tilespmem:$0x1CC00] =	vst v63  }
0xa3: {  	_ =	swait.ge [sflag:s24], $0x3200  }
0xa4: {  	[sflag:s24] =	ssyncset.done $0x0  }
0xa5: {  	[sflag:s24] =	ssyncadd.s32 $0xFFFFCE00  }
0xa6: {  	[spmem:s2] =	stream.indirect.scatter.add.f32 [tilespmem:s21], [sflag:$0x3], $0x80, s26, s20, $0xb8;
	[tilespmem:$0x1CC00] =	vst v63  }
0xa7: {  	_ =	swait.ge [sflag:s17], $0x3200  }
0xa8: {  	[sflag:s17] =	ssyncset.done $0x0  }
0xa9: {  	[sflag:s17] =	ssyncadd.s32 $0xFFFFCE00  }
0xaa: {  	_ =	swait.ge [sflag:s25], $0x3200  }
0xab: {  	[sflag:s25] =	ssyncset.done $0x0  }
0xac: {  	[sflag:s25] =	ssyncadd.s32 $0xFFFFCE00  }
0xad: {  	[spmem:s2] =	stream.indirect.scatter.add.f32 [tilespmem:s23], [sflag:$0x3], $0x80, s28, s20, $0xb8;
	[tilespmem:$0x1CC00] =	vst v63  }
0xae: {  	_ =	swait.ge [sflag:s17], $0x3200  }
0xaf: {  	[sflag:s17] =	ssyncset.done $0x0  }
0xb0: {  	[sflag:s17] =	ssyncadd.s32 $0xFFFFCE00  }
0xb1: {  	[bflag:$0x0] =	sbarrier.arrive $0xFFFF  }
0xb2: {  	[hbm:s9], [sflag:s29] =	dma.local [spmem:s30], $0xA00  }
0xb3: {  	_ =	swait.ge [sflag:s17], $0xA00  }
0xb4: {  	s3 =	sadd.s32 $0x1, s3;
	[sflag:s17] =	ssyncset.done $0x0  }
0xb5: {  	p0 =	sne.s32 s3, s10;
	[sflag:s17] =	ssyncadd.s32 $0xFFFFF600  }
0xb6: {  	[hbm:s16], [sflag:s29] =	dma.local [spmem:s31], $0xA00  }
.Ltmp3:
0xb7: {  	_ =	swait.ge [sflag:s17], $0xA00;
	(pc) =	sbr.rel @p0 .LBB2_1-.Ltmp3, $3  }
0xb8: {  	[sflag:s17] =	ssyncset.done $0x0  }
0xb9: {  	[sflag:s17] =	ssyncadd.s32 $0xFFFFF600  }
0xba: {  	[bflag:$0x0] =	sbarrier.arrive $0xFFFF;
	_ =	sdelay $0x1  }
0xbb: {  	_ =	sfence.sel $0x180000  }
0xbc: {  	[bflag:$0x0] =	sbarrier.arrive $0xFFFF  }
0xbd: {  	_ =	strace $0x9000004A  }
0xbe: {  	s0 =	stileid.u32;
	[bflag:$0x2] =	sbarrier.arrive $0xFFFF  }
0xbf: {  	p0 =	sne.s32 s0, $0x0;
	s0 =	rddreg [dreg:$0x2]  }
0xc0: {  	s0 =	sadd.s32 @!p0 $0x100000, s0  }
0xc1: {  	[sflag:s0] =	ssyncadd.tile.s32 @!p0 $0x1;
	_ =	shalt  }
.Lfunc_end2:
_tile_overlayer_lowered:
.L_overlay_start_2:
0xc2: {  	(tag) =	ssettag $0x2  }
0xc3: {  	s0 =	rddreg [dreg:$0x0];
	s2 =	stileid.u32  }
0xc4: {  	s1 =	rddreg [dreg:$0x1];
	p0 =	sne.s32 s2, $0x0  }
0xc5: {  	s3 =	rddreg [dreg:$0x2];
	[bflag:$0x3] =	sbarrier.arrive $0xFFFF;
	s2 =	simm.s32 @!p0 $0x1C03  }
0xc6: {  	[timem:s3], [sflag:s2] =	dma.local @!p0 [hbm:s0], s1  }
0xc7: {  	s0 =	simm.s32 @!p0 $0x3  }
0xc8: {  	_ =	swait.ge @!p0 [sflag:s0], s1  }
0xc9: {  	s1 =	ssub.s32 @!p0 $0x0, s1;
	[sflag:s0] =	ssyncset.done @!p0 $0x0  }
0xca: {  	[sflag:s0] =	ssyncadd.s32 @!p0 s1  }
0xcb: {  	[bflag:$0x3] =	sbarrier.arrive $0xFFFF  }
0xcc: {  	_ =	shalt  }

// kernel: kernel.14.cloned.1.call-start
scs
__scs_entry_jumppad:
0x0: {  	(pc) =	sbr.rel $0x88, $3  }
0x1: {  	(tag) =	ssettag $0x0;
	lr =	simm.s32 $0x1  }
0x2: {  	[smem:$0x3F81] =	sst lr;
	_ =	strace $0xD0000000  }
0x3: {  	_ = 	snop  }
0x4: {  	_ = 	snop  }
0x5: {  	_ = 	snop  }
0x6: {  	_ = 	snop  }
0x7: {  	_ = 	snop  }
__scs_overlays_trampoline_lowered:
0x8: {  	[smem:$0x3F90] =	sst s0  }
0x9: {  	[smem:$0x3F91] =	sst s1  }
0xa: {  	[smem:$0x3F92] =	sst s2  }
0xb: {  	[smem:$0x3F93] =	sst s3  }
0xc: {  	[smem:$0x3F94] =	sst s4  }
0xd: {  	[smem:$0x3F95] =	sst s5  }
0xe: {  	[smem:$0x3F96] =	sst s6  }
0xf: {  	[smem:$0x3F97] =	sst s7  }
0x10: {  	[smem:$0x3F98] =	sst s8  }
0x11: {  	[smem:$0x3F99] =	sst s9;
	s0 =	simm.s32 @!p0 $0x0  }
0x12: {  	s1 =	sld [smem:$0x3F7F];
	s0 =	simm.s32 @p0 $0x1  }
0x13: {  	[smem:$0x3F9A] =	sst s0;
	s0 =	simm.s32 @!p1 $0x0  }
0x14: {  	s2 =	sld [smem:$0x3F7E];
	s0 =	simm.s32 @p1 $0x1  }
0x15: {  	[smem:$0x3F9B] =	sst s0;
	s0 =	simm.s32 @!p2 $0x0  }
0x16: {  	s3 =	sld [smem:$0x3FDB];
	s0 =	simm.s32 @p2 $0x1  }
0x17: {  	s4 =	simm.s32 $0x1BF5;
	[smem:$0x3F9D] =	sst s0  }
0x18: {  	s0 =	sld [smem:$0x3F80];
	_ =	swait.ge [sflag:s4], $0x0  }
0x19: {  	s7 =	sld [smem:$0x3F81]  }
0x1a: {  	s8 =	sadd.s32 $0xFFFFE003, lr  }
0x1b: {  	s9 =	sadd.s32 $0xFFFFFEF7, lr;
	s5 =	simm.s32 $0xFFFFFFFF;
	p2 =	slt.u32 s8, $0xFFFFF086  }
0x1c: {  	p1 =	slt.u32 s9, $0xF7A;
	s5 =	simm.s32 @!p2 $0x0  }
0x1d: {  	s5 =	simm.s32 @p1 $0x1;
	p0 =	seq.s32 s7, s2  }
0x1e: {  	s7 =	smul.u32 @!p0 $0xF7A, s2;
	p2 =	seq.s32 @!p0 s5, $0x0  }
0x1f: {  	s9 =	smul.u32 $0xF7A, s1;
	s8 =	simm.s32 @!p0 $0x1BF5;
	p2 =	por !p2, p0  }
0x20: {  	[sflag:s8] =	ssyncset.s32 @!p0 $0xFFFFF086;
	s6 =	sadd.s32 @!p0 s3, s7;
	s7 =	simm.s32 @!p0 $0x108  }
0x21: {  	s3 =	sadd.s32 s3, s9;
	s6 =	sadd.s32 @!p0 $0x88, s6;
	s7 =	simm.s32 @p2 $0x1082  }
0x22: {  	[simem:s7], [sflag:s8] =	dma.local @!p0 [hbm:s6], $0xF7A  }
0x23: {  	s9 =	sor.u32 $0xD0000000, s2;
	s6 =	simm.s32 $0x108;
	_ =	swait.ge @!p0 [sflag:s8], $0x0  }
0x24: {  	s3 =	sadd.s32 $0x88, s3;
	s6 =	simm.s32 @!p1 $0x1082;
	[sflag:s4] =	ssyncset.s32 $0xFFFFF086  }
0x25: {  	[simem:s6], [sflag:s4] =	dma.local [hbm:s3], $0xF7A  }
0x26: {  	[smem:$0x3F81] =	sst s1;
	(tag) =	ssettag s2;
	_ =	strace s9  }
0x27: {  	s1 =	sld [smem:$0x3F91]  }
0x28: {  	s2 =	sld [smem:$0x3F92]  }
0x29: {  	s4 =	sld [smem:$0x3F94]  }
0x2a: {  	p0 =	seq.s32 s5, $0x0;
	s5 =	sld [smem:$0x3F95]  }
0x2b: {  	s6 =	sld [smem:$0x3F96]  }
0x2c: {  	s7 =	sld [smem:$0x3F97]  }
0x2d: {  	s3 =	simm.s32 $0x108;
	s8 =	sld [smem:$0x3F98]  }
0x2e: {  	s3 =	simm.s32 @!p0 $0x1082;
	s9 =	sld [smem:$0x3F99]  }
0x2f: {  	lr =	sadd.s32 s0, s3;
	s0 =	sld [smem:$0x3F90]  }
0x30: {  	s3 =	sld [smem:$0x3F93]  }
0x31: {  	[smem:$0x3F9C] =	sst s10  }
0x32: {  	s10 =	sld [smem:$0x3F9A];
	_ =	sdelay $0x3  }
0x33: {  	p0 =	seq.s32 s10, $0x1;
	s10 =	sld [smem:$0x3F9C];
	_ =	sdelay $0x3  }
0x34: {  	[smem:$0x3F9C] =	sst s10  }
0x35: {  	s10 =	sld [smem:$0x3F9B];
	_ =	sdelay $0x3  }
0x36: {  	p1 =	seq.s32 s10, $0x1;
	s10 =	sld [smem:$0x3F9C];
	_ =	sdelay $0x3  }
0x37: {  	[smem:$0x3F9C] =	sst s10  }
0x38: {  	s10 =	sld [smem:$0x3F9D]  }
0x39: {  	_ = 	snop;
	(pc) =	sbr.ind lr, $3  }
0x3a: {  	_ = 	snop  }
0x3b: {  	_ = 	snop  }
0x3c: {  	p2 =	seq.s32 s10, $0x1;
	s10 =	sld [smem:$0x3F9C]  }
0x3d: {  	_ =	shalt  }
0x3e: {  	_ =	shalt  }
0x3f: {  	_ =	shalt  }
0x40: {  	_ =	shalt  }
0x41: {  	_ =	shalt  }
0x42: {  	_ =	shalt  }
0x43: {  	_ =	shalt  }
0x44: {  	_ =	shalt  }
0x45: {  	_ =	shalt  }
0x46: {  	_ =	shalt  }
0x47: {  	_ =	shalt  }
0x48: {  	_ =	shalt  }
0x49: {  	_ =	shalt  }
0x4a: {  	_ =	shalt  }
0x4b: {  	_ =	shalt  }
0x4c: {  	_ =	shalt  }
0x4d: {  	_ =	shalt  }
0x4e: {  	_ =	shalt  }
0x4f: {  	_ =	shalt  }
0x50: {  	_ =	shalt  }
0x51: {  	_ =	shalt  }
0x52: {  	_ =	shalt  }
0x53: {  	_ =	shalt  }
0x54: {  	_ =	shalt  }
0x55: {  	_ =	shalt  }
0x56: {  	_ =	shalt  }
0x57: {  	_ =	shalt  }
0x58: {  	_ =	shalt  }
0x59: {  	_ =	shalt  }
0x5a: {  	_ =	shalt  }
0x5b: {  	_ =	shalt  }
0x5c: {  	_ =	shalt  }
0x5d: {  	_ =	shalt  }
0x5e: {  	_ =	shalt  }
0x5f: {  	_ =	shalt  }
0x60: {  	_ =	shalt  }
0x61: {  	_ =	shalt  }
0x62: {  	_ =	shalt  }
0x63: {  	_ =	shalt  }
0x64: {  	_ =	shalt  }
0x65: {  	_ =	shalt  }
0x66: {  	_ =	shalt  }
0x67: {  	_ =	shalt  }
0x68: {  	_ =	shalt  }
0x69: {  	_ =	shalt  }
0x6a: {  	_ =	shalt  }
0x6b: {  	_ =	shalt  }
0x6c: {  	_ =	shalt  }
0x6d: {  	_ =	shalt  }
0x6e: {  	_ =	shalt  }
0x6f: {  	_ =	shalt  }
0x70: {  	_ =	shalt  }
0x71: {  	_ =	shalt  }
0x72: {  	_ =	shalt  }
0x73: {  	_ =	shalt  }
0x74: {  	_ =	shalt  }
0x75: {  	_ =	shalt  }
0x76: {  	_ =	shalt  }
0x77: {  	_ =	shalt  }
0x78: {  	_ =	shalt  }
0x79: {  	_ =	shalt  }
0x7a: {  	_ =	shalt  }
0x7b: {  	_ =	shalt  }
0x7c: {  	_ =	shalt  }
0x7d: {  	_ =	shalt  }
0x7e: {  	_ =	shalt  }
0x7f: {  	_ =	shalt  }
0x80: {  	_ =	shalt  }
0x81: {  	_ =	shalt  }
0x82: {  	_ =	shalt  }
0x83: {  	_ =	shalt  }
0x84: {  	_ =	shalt  }
0x85: {  	_ =	shalt  }
0x86: {  	_ =	shalt  }
0x87: {  	_ =	shalt  }
.Lfunc_end0:
.L_simem_size_0:
called_computation.2_lowered:
.L_overlay_start_0:
0x88: {  	s2 =	sld [smem:$0x3FD9]  }
0x89: {  	s3 =	sld [smem:$0x3FFE];
	_ =	sdelay $0x1  }
0x8a: {  	s1 =	srdreg.scid  }
0x8b: {  	s0 =	sand.u32 $0x1, s1  }
0x8c: {  	s16 =	sshll.u32 s0, $0xA;
	s2 =	sadd.s32 s3, s2  }
0x8d: {  	s2 =	sadd.s32 s2, s16  }
0x8e: {  	[smem:$0x3FA8] =	sst s2  }
0x8f: {  	_ = 	snop  }
0x90: {  	(tm) =	ssettm $0x1  }
0x91: {  	s17 =	sld [smem:$0x3FFB];
	_ =	sdelay $0x3  }
0x92: {  	_ =	strace s17  }
0x93: {  	s2 =	sld [smem:$0x3FFC];
	_ =	sdelay $0x3  }
0x94: {  	_ =	strace s2  }
0x95: {  	s2 =	sld [smem:$0x3FFD];
	_ =	sdelay $0x3  }
0x96: {  	_ =	strace s2  }
0x97: {  	_ =	strace $0x8FFFFFFF  }
0x98: {  	s18 =	sld [smem:$0x3FDB];
	_ =	sdelay $0x1  }
0x99: {  	s19 =	simm.s32 $_scs_section_size  }
0x9a: {  	s4 =	simm.s32 $_size__tile_overlayer_lowered;
	s5 =	simm.s32 $_tile_overlayer_lowered  }
0x9b: {  	s22 =	simm.s32 $0x1BFF;
	s21 =	sshll.u32 s5, $0x1;
	s2 =	sadd.s32 s19, s18  }
0x9c: {  	s6 =	simm.s32 $0x0;
	s20 =	sshll.u32 s4, $0x1;
	s4 =	sadd.s32 s21, s2  }
0x9d: {  	[timem:s6], [sflag:s22] =	dma.local [hbm:s4], s20  }
0x9e: {  	_ =	swait.ge [sflag:s22], s20  }
0x9f: {  	s3 =	ssub.s32 $0x0, s20;
	[sflag:s22] =	ssyncset.done $0x0  }
0xa0: {  	[sflag:s22] =	ssyncadd.s32 s3;
	_ =	sdelay $0x1  }
0xa1: {  	s23 =	simm.s32 $0x1B8B  }
0xa2: {  	_ =	swait.ge [sflag:s23], $0x1  }
0xa3: {  	[sflag:s23] =	ssyncset.done $0x0  }
0xa4: {  	s25 =	simm.s32 $0x1B8E;
	s24 =	sld [smem:$0x3FFE];
	[sflag:s23] =	ssyncadd.s32 $0xFFFFFFFF  }
0xa5: {  	s26 =	simm.s32 $execute0_lowered;
	[smem:$0x3FD2] =	sst s25  }
0xa6: {  	s4 =	sshll.u32 s26, $0x1;
	_ =	strace $0x8000004C;
	[dreg:$0x1] =	wrdreg $0xFFFFFFFF  }
0xa7: {  	s28 =	simm.s32 $_size_execute0_lowered;
	s2 =	sadd.s32 s2, s4;
	[dreg:$0x0] =	wrdreg $0x0  }
0xa8: {  	s4 =	sshll.u32 s28, $0x1;
	[dreg:$0x2] =	wrdreg s2  }
0xa9: {  	[dreg:$0x3] =	wrdreg s4  }
0xaa: {  	[dreg:$0x4] =	wrdreg $0xC0  }
0xab: {  	_ =	task [dreg:s6], $0x5FFFF  }
0xac: {  	[dreg:$0x1] =	wrdreg $0xFFFFFFFF  }
0xad: {  	[dreg:$0x0] =	wrdreg $0x60  }
0xae: {  	[dreg:$0x2] =	wrdreg s24  }
0xaf: {  	[dreg:$0x3] =	wrdreg $0x124000  }
0xb0: {  	[dreg:$0x4] =	wrdreg $0x9  }
0xb1: {  	_ =	task.clear_ibuf [dreg:s6], $0x5FFFF;
	_ =	strace $0x9000004C  }
0xb2: {  	s29 =	simm.s32 $0x9;
	_ =	strace $0x8000004E  }
0xb3: {  	_ =	swait.ge [sflag:s29], $0x1  }
0xb4: {  	[sflag:s29] =	ssyncadd.s32 $0xFFFFFFFF  }
0xb5: {  	_ =	strace $0x9000004E  }
0xb6: {  	_ =	sfence  }
0xb7: {  	s30 =	sld [smem:$0x0];
	_ =	sdelay $0x2  }
0xb8: {  	s31 =	sshll.u32 s1, $0xD;
	s1 =	sshrl.u32 s1, $0x2  }
0xb9: {  	s3 =	sand.u32 $0x4000, s31;
	s1 =	sadd.s32 s1, s30  }
0xba: {  	s0 =	sor.u32 s3, s0;
	s1 =	sshll.u32 s1, $0x11  }
0xbb: {  	s0 =	sor.u32 s1, s0  }
0xbc: {  	s0 =	sadd.s32 $0x8F2B, s0  }
0xbd: {  	[sflag:s0] =	ssyncadd.remote.s32 $0x1  }
0xbe: {  	_ =	sfence.sel $0xFFFF  }
0xbf: {  	[dreg:$0x0] =	wrdreg $0xFFFFFFFF;
	(pc) =	sbr.abs _section_cstart, $3  }
0xc0: {  	[dreg:$0x1] =	wrdreg $0xFFFFFFFF  }
0xc1: {  	_ =	task.clear_ibuf [dreg:s6], $0x2FFFF;
	_ =	strace $0x9FFFFFFF  }
0xc2: {  	(tm) =	ssettm $0x7FFFFFFF  }
0xc3: {  	_ =	shalt  }
tec
execute0_lowered:
.L_overlay_start_1:
0x0: {  	(tag) =	ssettag $0x1  }
0x1: {  	s0 =	rddreg [dreg:$0x0];
	s1 =	srdreg.scid  }
0x2: {  	s13 =	stileid.u32;
	s2 =	rddreg [dreg:$0x1]  }
0x3: {  	s3 =	simm.s32 $0x0;
	s17 =	simm.s32 $0x3;
	s18 =	simm.s32 $0x3400  }
0x4: {  	s19 =	simm.s32 $0xD000;
	s20 =	simm.s32 $0x64;
	s5 =	smul.u32 $0x3400, s13  }
0x5: {  	s21 =	simm.s32 $0x6800;
	s22 =	simm.s32 $0x80;
	s10 =	smul.u32 $0xA000, s13  }
0x6: {  	s23 =	simm.s32 $0x9C00;
	s24 =	simm.s32 $0x1;
	s11 =	smul.u32 $0x2A000, s13  }
0x7: {  	s25 =	simm.s32 $0x2;
	s1 =	sand.u32 $0x1, s1;
	s13 =	smul.u32 $0x28000, s13  }
0x8: {  	s26 =	simm.s32 $0x6500;
	s28 =	simm.s32 $0x6580;
	s4 =	smul.u32 $0x34000, s1  }
0x9: {  	[smem:$0x7FF] =	sst s3;
	s12 =	smul.u32 $0x140000, s1;
	s1 =	ssub.s32 $0x2, s1  }
0xa: {  	_ =	strace $0x8000004D;
	s29 =	sshrl.u32 s1, $0x1;
	s11 =	sshrl.u32 s11, $0x2  }
0xb: {  	s15 =	sadd.s32 $0x5000, s10;
	s13 =	sshrl.u32 s13, $0x2;
	s6 =	sadd.s32 s5, s4  }
0xc: {  	s4 =	sadd.s32 $0x6FA00, s0;
	s5 =	sshrl.u32 s5, $0x3;
	s7 =	sadd.s32 s12, s10  }
0xd: {  	s1 =	ssub.s32 s1, s29;
	s11 =	sadd.s32 s11, s2;
	s31 =	sadd.s32 s12, s15  }
0xe: {  	s13 =	sadd.s32 s13, s2;
	s15 =	sadd.s32 s15, s2;
	s6 =	sshrl.u32 s6, $0x3  }
0xf: {  	s8 =	sadd.s32 s5, s0;
	s7 =	sshrl.u32 s7, $0x3;
	s10 =	smax.u32 s1, $0x1  }
0x10: {  	s12 =	sadd.s32 $0x5400, s11;
	s6 =	sadd.s32 s6, s0;
	s0 =	sadd.s32 $0xBDC00, s0  }
0x11: {  	s1 =	sshrl.u32 s31, $0x3;
	s30 =	sadd.s32 $0x62A00, s6;
	s6 =	sadd.s32 s0, s7  }
0x12: {  	s7 =	sadd.s32 $0x55A00, s8;
	s8 =	sadd.s32 $0x5C200, s8;
	s14 =	sadd.s32 s0, s1  }
0x13: {  	v0 =	vimm.f32 $0.0e+00;
	[dreg:$0x3] =	wrdreg s30;
	s9 =	sadd.s32 $0x14000, s6;
	s16 =	sadd.s32 $0x14A00, s6  }
.LBB2_1:
0x14: {  	s1 =	simm.s32 $0x0;
	s29 =	simm.s32 $0x200  }
.LBB2_2:
0x15: {  	p0 =	sne.s32 s29, $0x14E00;
	[tilespmem:s1+$0xD070] =	vst v0  }
0x16: {  	[tilespmem:s1+$0xD000] =	vst v0  }
0x17: {  	[tilespmem:s1+$0xD010] =	vst v0  }
.Ltmp0:
0x18: {  	[tilespmem:s1+$0xD020] =	vst v0;
	(pc) =	sbr.rel @p0 .LBB2_2-.Ltmp0, $4  }
0x19: {  	[tilespmem:s1+$0xD030] =	vst v0  }
0x1a: {  	[tilespmem:s1+$0xD040] =	vst v0  }
0x1b: {  	[tilespmem:s1+$0xD050] =	vst v0  }
0x1c: {  	[tilespmem:s1+$0xD060] =	vst v0;
	s1 =	sshra.s32 s29, $0x2;
	s29 =	sadd.s32 $0x200, s29  }
0x1d: {  	[tilespmem:s1+$0xD070] =	vst v0  }
0x1e: {  	[tilespmem:s1+$0xD000] =	vst v0  }
0x1f: {  	[tilespmem:s1+$0xD010] =	vst v0  }
0x20: {  	[tilespmem:s1+$0xD020] =	vst v0  }
0x21: {  	[tilespmem:s1+$0xD030] =	vst v0  }
0x22: {  	[tilespmem:s1+$0xD040] =	vst v0  }
0x23: {  	[tilespmem:s1+$0xD050] =	vst v0  }
0x24: {  	[tilespmem:s1+$0xD060] =	vst v0;
	s0 =	simm.s32 $0x0;
	s31 =	rddreg [dreg:$0x3]  }
0x25: {  	[tilespmem:s0], [sflag:$0x3] =	stream.linear.gather [hbm4b:s31+s0], $0x3200, $0x38;
	[tilespmem:$0x1CC00] =	vst v63  }
0x26: {  	_ =	swait.ge [sflag:s17], $0x3200  }
0x27: {  	[sflag:s17] =	ssyncset.done $0x0  }
0x28: {  	[sflag:s17] =	ssyncadd.s32 $0xFFFFCE00  }
0x29: {  	[tilespmem:s18], [sflag:$0x3] =	stream.linear.gather [hbm4b:s7+s0], $0x3200, $0x38;
	[tilespmem:$0x1CC00] =	vst v63  }
0x2a: {  	_ =	swait.ge [sflag:s17], $0x3200  }
0x2b: {  	[sflag:s17] =	ssyncset.done $0x0  }
0x2c: {  	[sflag:s17] =	ssyncadd.s32 $0xFFFFCE00  }
0x2d: {  	[spmem:s11] =	stream.linear.scatter [tilespmem:s19], [sflag:$0x3], $0x5400, $0x38;
	[tilespmem:$0x1CC00] =	vst v63  }
0x2e: {  	_ =	swait.ge [sflag:s17], $0x5400  }
0x2f: {  	[sflag:s17] =	ssyncset.done $0x0  }
0x30: {  	[sflag:s17] =	ssyncadd.s32 $0xFFFFAC00  }
0x31: {  	[spmem:s12] =	stream.linear.scatter [tilespmem:s19], [sflag:$0x3], $0x5400, $0x38;
	[tilespmem:$0x1CC00] =	vst v63  }
0x32: {  	_ =	swait.ge [sflag:s17], $0x5400  }
0x33: {  	[sflag:s17] =	ssyncset.done $0x0  }
0x34: {  	[sflag:s17] =	ssyncadd.s32 $0xFFFFAC00  }
0x35: {  	[bflag:$0x0] =	sbarrier.arrive $0xFFFF  }
0x36: {  	[tilespmem:s21], [sflag:$0x1] =	stream.indirect.gather [hbm4b:s4+s20], $0x80, s0, s20, $0xb8;
	[tilespmem:$0x1CC00] =	vst v63  }
0x37: {  	_ = 	snop  }
0x38: {  	[tilespmem:s23], [sflag:$0x2] =	stream.indirect.gather [hbm4b:s4+s20], $0x80, s22, s20, $0xb8;
	[tilespmem:$0x1CC00] =	vst v63  }
0x39: {  	_ =	swait.ge [sflag:s24], $0x3200  }
0x3a: {  	[sflag:s24] =	ssyncset.done $0x0  }
0x3b: {  	s5 =	simm.s32 $0x3400;
	[sflag:s24] =	ssyncadd.s32 $0xFFFFCE00  }
0x3c: {  	[spmem:s2] =	stream.indirect.scatter.add.f32 [tilespmem:s21], [sflag:$0x3], $0x80, s5, s20, $0xb8;
	[tilespmem:$0x1CC00] =	vst v63  }
0x3d: {  	_ =	swait.ge [sflag:s17], $0x3200  }
0x3e: {  	[sflag:s17] =	ssyncset.done $0x0  }
0x3f: {  	s30 =	simm.s32 $0x100;
	[sflag:s17] =	ssyncadd.s32 $0xFFFFCE00  }
0x40: {  	[tilespmem:s21], [sflag:$0x1] =	stream.indirect.gather [hbm4b:s4+s20], $0x80, s30, s20, $0xb8;
	[tilespmem:$0x1CC00] =	vst v63  }
0x41: {  	_ =	swait.ge [sflag:s25], $0x3200  }
0x42: {  	[sflag:s25] =	ssyncset.done $0x0  }
0x43: {  	s31 =	simm.s32 $0x3480;
	[sflag:s25] =	ssyncadd.s32 $0xFFFFCE00  }
0x44: {  	[spmem:s2] =	stream.indirect.scatter.add.f32 [tilespmem:s23], [sflag:$0x3], $0x80, s31, s20, $0xb8;
	[tilespmem:$0x1CC00] =	vst v63  }
0x45: {  	_ =	swait.ge [sflag:s17], $0x3200  }
0x46: {  	[sflag:s17] =	ssyncset.done $0x0  }
0x47: {  	s29 =	simm.s32 $0x400;
	s1 =	simm.s32 $0x180;
	[sflag:s17] =	ssyncadd.s32 $0xFFFFCE00  }
.LBB2_4:
0x48: {  	[tilespmem:s23], [sflag:$0x2] =	stream.indirect.gather [hbm4b:s4+s20], $0x80, s1, s20, $0xb8;
	[tilespmem:$0x1CC00] =	vst v63  }
0x49: {  	s0 =	smov.u32 s29  }
0x4a: {  	p0 =	sne.s32 s29, $0xC000;
	s29 =	sadd.s32 $0x400, s29;
	_ =	swait.ge [sflag:s24], $0x3200  }
0x4b: {  	s0 =	sshra.s32 s0, $0x2;
	[sflag:s24] =	ssyncset.done $0x0  }
0x4c: {  	s1 =	sadd.s32 $0x3400, s0;
	[sflag:s24] =	ssyncadd.s32 $0xFFFFCE00  }
0x4d: {  	[spmem:s2] =	stream.indirect.scatter.add.f32 [tilespmem:s21], [sflag:$0x3], $0x80, s1, s20, $0xb8;
	[tilespmem:$0x1CC00] =	vst v63  }
0x4e: {  	_ =	swait.ge [sflag:s17], $0x3200  }
0x4f: {  	[sflag:s17] =	ssyncset.done $0x0  }
0x50: {  	s1 =	sadd.s32 $0x100, s0;
	[sflag:s17] =	ssyncadd.s32 $0xFFFFCE00  }
0x51: {  	[tilespmem:s21], [sflag:$0x1] =	stream.indirect.gather [hbm4b:s4+s20], $0x80, s1, s20, $0xb8;
	[tilespmem:$0x1CC00] =	vst v63  }
0x52: {  	_ =	swait.ge [sflag:s25], $0x3200  }
0x53: {  	[sflag:s25] =	ssyncset.done $0x0  }
.Ltmp1:
0x54: {  	s1 =	sadd.s32 $0x3480, s0;
	[sflag:s25] =	ssyncadd.s32 $0xFFFFCE00;
	(pc) =	sbr.rel @p0 .LBB2_4-.Ltmp1, $4  }
0x55: {  	[spmem:s2] =	stream.indirect.scatter.add.f32 [tilespmem:s23], [sflag:$0x3], $0x80, s1, s20, $0xb8;
	[tilespmem:$0x1CC00] =	vst v63  }
0x56: {  	_ =	swait.ge [sflag:s17], $0x3200  }
0x57: {  	[sflag:s17] =	ssyncset.done $0x0  }
0x58: {  	s1 =	sadd.s32 $0x180, s0;
	[sflag:s17] =	ssyncadd.s32 $0xFFFFCE00  }
0x59: {  	[tilespmem:s23], [sflag:$0x2] =	stream.indirect.gather [hbm4b:s4+s20], $0x80, s1, s20, $0xb8;
	[tilespmem:$0x1CC00] =	vst v63  }
0x5a: {  	_ =	swait.ge [sflag:s24], $0x3200  }
0x5b: {  	[sflag:s24] =	ssyncset.done $0x0  }
0x5c: {  	[sflag:s24] =	ssyncadd.s32 $0xFFFFCE00  }
0x5d: {  	[spmem:s2] =	stream.indirect.scatter.add.f32 [tilespmem:s21], [sflag:$0x3], $0x80, s26, s20, $0xb8;
	[tilespmem:$0x1CC00] =	vst v63  }
0x5e: {  	_ =	swait.ge [sflag:s17], $0x3200  }
0x5f: {  	[sflag:s17] =	ssyncset.done $0x0  }
0x60: {  	[sflag:s17] =	ssyncadd.s32 $0xFFFFCE00  }
0x61: {  	_ =	swait.ge [sflag:s25], $0x3200  }
0x62: {  	[sflag:s25] =	ssyncset.done $0x0  }
0x63: {  	[sflag:s25] =	ssyncadd.s32 $0xFFFFCE00  }
0x64: {  	[spmem:s2] =	stream.indirect.scatter.add.f32 [tilespmem:s23], [sflag:$0x3], $0x80, s28, s20, $0xb8;
	[tilespmem:$0x1CC00] =	vst v63  }
0x65: {  	_ =	swait.ge [sflag:s17], $0x3200  }
0x66: {  	s0 =	stileid.u32;
	[sflag:s17] =	ssyncset.done $0x0  }
0x67: {  	s0 =	sshll.u32 s0, $0x6;
	[sflag:s17] =	ssyncadd.s32 $0xFFFFCE00  }
0x68: {  	s30 =	sshrl.u32 s13, $0x3;
	s29 =	sor.u32 $0x1C03, s0;
	[bflag:$0x0] =	sbarrier.arrive $0xFFFF  }
0x69: {  	[hbm:s6], [sflag:s29] =	dma.local [spmem:s30], $0xA00  }
0x6a: {  	_ =	swait.ge [sflag:s17], $0xA00  }
0x6b: {  	[sflag:s17] =	ssyncset.done $0x0  }
0x6c: {  	s31 =	sshrl.u32 s15, $0x3;
	[sflag:s17] =	ssyncadd.s32 $0xFFFFF600  }
0x6d: {  	[hbm:s14], [sflag:s29] =	dma.local [spmem:s31], $0xA00  }
0x6e: {  	_ =	swait.ge [sflag:s17], $0xA00  }
0x6f: {  	[sflag:s17] =	ssyncset.done $0x0  }
0x70: {  	[sflag:s17] =	ssyncadd.s32 $0xFFFFF600  }
0x71: {  	s1 =	simm.s32 $0x0;
	[bflag:$0x0] =	sbarrier.arrive $0xFFFF  }
0x72: {  	[tilespmem:s18], [sflag:$0x3] =	stream.linear.gather [hbm4b:s8+s1], $0x3200, $0x38;
	[tilespmem:$0x1CC00] =	vst v63  }
0x73: {  	_ =	swait.ge [sflag:s17], $0x3200  }
0x74: {  	[sflag:s17] =	ssyncset.done $0x0  }
0x75: {  	[sflag:s17] =	ssyncadd.s32 $0xFFFFCE00  }
0x76: {  	[spmem:s11] =	stream.linear.scatter [tilespmem:s19], [sflag:$0x3], $0x5400, $0x38;
	[tilespmem:$0x1CC00] =	vst v63  }
0x77: {  	_ =	swait.ge [sflag:s17], $0x5400  }
0x78: {  	[sflag:s17] =	ssyncset.done $0x0  }
0x79: {  	[sflag:s17] =	ssyncadd.s32 $0xFFFFAC00  }
0x7a: {  	[spmem:s12] =	stream.linear.scatter [tilespmem:s19], [sflag:$0x3], $0x5400, $0x38;
	[tilespmem:$0x1CC00] =	vst v63  }
0x7b: {  	_ =	swait.ge [sflag:s17], $0x5400  }
0x7c: {  	[sflag:s17] =	ssyncset.done $0x0  }
0x7d: {  	[sflag:s17] =	ssyncadd.s32 $0xFFFFAC00  }
0x7e: {  	[bflag:$0x0] =	sbarrier.arrive $0xFFFF  }
0x7f: {  	[tilespmem:s21], [sflag:$0x1] =	stream.indirect.gather [hbm4b:s4+s20], $0x80, s1, s20, $0xb8;
	[tilespmem:$0x1CC00] =	vst v63  }
0x80: {  	_ = 	snop  }
0x81: {  	[tilespmem:s23], [sflag:$0x2] =	stream.indirect.gather [hbm4b:s4+s20], $0x80, s22, s20, $0xb8;
	[tilespmem:$0x1CC00] =	vst v63  }
0x82: {  	_ =	swait.ge [sflag:s24], $0x3200  }
0x83: {  	[sflag:s24] =	ssyncset.done $0x0  }
0x84: {  	s5 =	simm.s32 $0x3400;
	[sflag:s24] =	ssyncadd.s32 $0xFFFFCE00  }
0x85: {  	[spmem:s2] =	stream.indirect.scatter.add.f32 [tilespmem:s21], [sflag:$0x3], $0x80, s5, s20, $0xb8;
	[tilespmem:$0x1CC00] =	vst v63  }
0x86: {  	_ =	swait.ge [sflag:s17], $0x3200  }
0x87: {  	[sflag:s17] =	ssyncset.done $0x0  }
0x88: {  	s1 =	simm.s32 $0x100;
	[sflag:s17] =	ssyncadd.s32 $0xFFFFCE00  }
0x89: {  	[tilespmem:s21], [sflag:$0x1] =	stream.indirect.gather [hbm4b:s4+s20], $0x80, s1, s20, $0xb8;
	[tilespmem:$0x1CC00] =	vst v63  }
0x8a: {  	_ =	swait.ge [sflag:s25], $0x3200  }
0x8b: {  	[sflag:s25] =	ssyncset.done $0x0  }
0x8c: {  	s5 =	simm.s32 $0x3480;
	[sflag:s25] =	ssyncadd.s32 $0xFFFFCE00  }
0x8d: {  	[spmem:s2] =	stream.indirect.scatter.add.f32 [tilespmem:s23], [sflag:$0x3], $0x80, s5, s20, $0xb8;
	[tilespmem:$0x1CC00] =	vst v63  }
0x8e: {  	_ =	swait.ge [sflag:s17], $0x3200  }
0x8f: {  	[sflag:s17] =	ssyncset.done $0x0  }
0x90: {  	s0 =	simm.s32 $0x180;
	s1 =	simm.s32 $0x400;
	[sflag:s17] =	ssyncadd.s32 $0xFFFFCE00  }
.LBB2_6:
0x91: {  	[tilespmem:s23], [sflag:$0x2] =	stream.indirect.gather [hbm4b:s4+s20], $0x80, s0, s20, $0xb8;
	[tilespmem:$0x1CC00] =	vst v63  }
0x92: {  	s0 =	smov.u32 s1  }
0x93: {  	p0 =	sne.s32 s1, $0xC000;
	s1 =	sadd.s32 $0x400, s1;
	_ =	swait.ge [sflag:s24], $0x3200  }
0x94: {  	s0 =	sshra.s32 s0, $0x2;
	[sflag:s24] =	ssyncset.done $0x0  }
0x95: {  	s5 =	sadd.s32 $0x3400, s0;
	[sflag:s24] =	ssyncadd.s32 $0xFFFFCE00  }
0x96: {  	[spmem:s2] =	stream.indirect.scatter.add.f32 [tilespmem:s21], [sflag:$0x3], $0x80, s5, s20, $0xb8;
	[tilespmem:$0x1CC00] =	vst v63  }
0x97: {  	_ =	swait.ge [sflag:s17], $0x3200  }
0x98: {  	[sflag:s17] =	ssyncset.done $0x0  }
0x99: {  	s5 =	sadd.s32 $0x100, s0;
	[sflag:s17] =	ssyncadd.s32 $0xFFFFCE00  }
0x9a: {  	[tilespmem:s21], [sflag:$0x1] =	stream.indirect.gather [hbm4b:s4+s20], $0x80, s5, s20, $0xb8;
	[tilespmem:$0x1CC00] =	vst v63  }
0x9b: {  	_ =	swait.ge [sflag:s25], $0x3200  }
0x9c: {  	[sflag:s25] =	ssyncset.done $0x0  }
.Ltmp2:
0x9d: {  	s5 =	sadd.s32 $0x3480, s0;
	[sflag:s25] =	ssyncadd.s32 $0xFFFFCE00;
	(pc) =	sbr.rel @p0 .LBB2_6-.Ltmp2, $4  }
0x9e: {  	[spmem:s2] =	stream.indirect.scatter.add.f32 [tilespmem:s23], [sflag:$0x3], $0x80, s5, s20, $0xb8;
	[tilespmem:$0x1CC00] =	vst v63  }
0x9f: {  	_ =	swait.ge [sflag:s17], $0x3200  }
0xa0: {  	[sflag:s17] =	ssyncset.done $0x0  }
0xa1: {  	s0 =	sadd.s32 $0x180, s0;
	[sflag:s17] =	ssyncadd.s32 $0xFFFFCE00  }
0xa2: {  	[tilespmem:s23], [sflag:$0x2] =	stream.indirect.gather [hbm4b:s4+s20], $0x80, s0, s20, $0xb8;
	[tilespmem:$0x1CC00] =	vst v63  }
0xa3: {  	_ =	swait.ge [sflag:s24], $0x3200  }
0xa4: {  	[sflag:s24] =	ssyncset.done $0x0  }
0xa5: {  	[sflag:s24] =	ssyncadd.s32 $0xFFFFCE00  }
0xa6: {  	[spmem:s2] =	stream.indirect.scatter.add.f32 [tilespmem:s21], [sflag:$0x3], $0x80, s26, s20, $0xb8;
	[tilespmem:$0x1CC00] =	vst v63  }
0xa7: {  	_ =	swait.ge [sflag:s17], $0x3200  }
0xa8: {  	[sflag:s17] =	ssyncset.done $0x0  }
0xa9: {  	[sflag:s17] =	ssyncadd.s32 $0xFFFFCE00  }
0xaa: {  	_ =	swait.ge [sflag:s25], $0x3200  }
0xab: {  	[sflag:s25] =	ssyncset.done $0x0  }
0xac: {  	[sflag:s25] =	ssyncadd.s32 $0xFFFFCE00  }
0xad: {  	[spmem:s2] =	stream.indirect.scatter.add.f32 [tilespmem:s23], [sflag:$0x3], $0x80, s28, s20, $0xb8;
	[tilespmem:$0x1CC00] =	vst v63  }
0xae: {  	_ =	swait.ge [sflag:s17], $0x3200  }
0xaf: {  	[sflag:s17] =	ssyncset.done $0x0  }
0xb0: {  	[sflag:s17] =	ssyncadd.s32 $0xFFFFCE00  }
0xb1: {  	[bflag:$0x0] =	sbarrier.arrive $0xFFFF  }
0xb2: {  	[hbm:s9], [sflag:s29] =	dma.local [spmem:s30], $0xA00  }
0xb3: {  	_ =	swait.ge [sflag:s17], $0xA00  }
0xb4: {  	s3 =	sadd.s32 $0x1, s3;
	[sflag:s17] =	ssyncset.done $0x0  }
0xb5: {  	p0 =	sne.s32 s3, s10;
	[sflag:s17] =	ssyncadd.s32 $0xFFFFF600  }
0xb6: {  	[hbm:s16], [sflag:s29] =	dma.local [spmem:s31], $0xA00  }
.Ltmp3:
0xb7: {  	_ =	swait.ge [sflag:s17], $0xA00;
	(pc) =	sbr.rel @p0 .LBB2_1-.Ltmp3, $3  }
0xb8: {  	[sflag:s17] =	ssyncset.done $0x0  }
0xb9: {  	[sflag:s17] =	ssyncadd.s32 $0xFFFFF600  }
0xba: {  	[bflag:$0x0] =	sbarrier.arrive $0xFFFF;
	_ =	sdelay $0x1  }
0xbb: {  	_ =	sfence.sel $0x180000  }
0xbc: {  	[bflag:$0x0] =	sbarrier.arrive $0xFFFF  }
0xbd: {  	_ =	strace $0x9000004D  }
0xbe: {  	s0 =	stileid.u32;
	[bflag:$0x2] =	sbarrier.arrive $0xFFFF  }
0xbf: {  	p0 =	sne.s32 s0, $0x0;
	s0 =	rddreg [dreg:$0x2]  }
0xc0: {  	s0 =	sadd.s32 @!p0 $0x100000, s0  }
0xc1: {  	[sflag:s0] =	ssyncadd.tile.s32 @!p0 $0x1;
	_ =	shalt  }
.Lfunc_end2:
_tile_overlayer_lowered:
.L_overlay_start_2:
0xc2: {  	(tag) =	ssettag $0x2  }
0xc3: {  	s0 =	rddreg [dreg:$0x0];
	s2 =	stileid.u32  }
0xc4: {  	s1 =	rddreg [dreg:$0x1];
	p0 =	sne.s32 s2, $0x0  }
0xc5: {  	s3 =	rddreg [dreg:$0x2];
	[bflag:$0x3] =	sbarrier.arrive $0xFFFF;
	s2 =	simm.s32 @!p0 $0x1C03  }
0xc6: {  	[timem:s3], [sflag:s2] =	dma.local @!p0 [hbm:s0], s1  }
0xc7: {  	s0 =	simm.s32 @!p0 $0x3  }
0xc8: {  	_ =	swait.ge @!p0 [sflag:s0], s1  }
0xc9: {  	s1 =	ssub.s32 @!p0 $0x0, s1;
	[sflag:s0] =	ssyncset.done @!p0 $0x0  }
0xca: {  	[sflag:s0] =	ssyncadd.s32 @!p0 s1  }
0xcb: {  	[bflag:$0x3] =	sbarrier.arrive $0xFFFF  }
0xcc: {  	_ =	shalt  }

// kernel: kernel.8.cloned.1.call-start
scs
__scs_entry_jumppad:
0x0: {  	(pc) =	sbr.rel $0x88, $3  }
0x1: {  	(tag) =	ssettag $0x0;
	lr =	simm.s32 $0x1  }
0x2: {  	[smem:$0x3F81] =	sst lr;
	_ =	strace $0xD0000000  }
0x3: {  	_ = 	snop  }
0x4: {  	_ = 	snop  }
0x5: {  	_ = 	snop  }
0x6: {  	_ = 	snop  }
0x7: {  	_ = 	snop  }
__scs_overlays_trampoline_lowered:
0x8: {  	[smem:$0x3F90] =	sst s0  }
0x9: {  	[smem:$0x3F91] =	sst s1  }
0xa: {  	[smem:$0x3F92] =	sst s2  }
0xb: {  	[smem:$0x3F93] =	sst s3  }
0xc: {  	[smem:$0x3F94] =	sst s4  }
0xd: {  	[smem:$0x3F95] =	sst s5  }
0xe: {  	[smem:$0x3F96] =	sst s6  }
0xf: {  	[smem:$0x3F97] =	sst s7  }
0x10: {  	[smem:$0x3F98] =	sst s8  }
0x11: {  	[smem:$0x3F99] =	sst s9;
	s0 =	simm.s32 @!p0 $0x0  }
0x12: {  	s1 =	sld [smem:$0x3F7F];
	s0 =	simm.s32 @p0 $0x1  }
0x13: {  	[smem:$0x3F9A] =	sst s0;
	s0 =	simm.s32 @!p1 $0x0  }
0x14: {  	s2 =	sld [smem:$0x3F7E];
	s0 =	simm.s32 @p1 $0x1  }
0x15: {  	[smem:$0x3F9B] =	sst s0;
	s0 =	simm.s32 @!p2 $0x0  }
0x16: {  	s3 =	sld [smem:$0x3FDB];
	s0 =	simm.s32 @p2 $0x1  }
0x17: {  	s4 =	simm.s32 $0x1BF5;
	[smem:$0x3F9D] =	sst s0  }
0x18: {  	s0 =	sld [smem:$0x3F80];
	_ =	swait.ge [sflag:s4], $0x0  }
0x19: {  	s7 =	sld [smem:$0x3F81]  }
0x1a: {  	s8 =	sadd.s32 $0xFFFFE003, lr  }
0x1b: {  	s9 =	sadd.s32 $0xFFFFFEF7, lr;
	s5 =	simm.s32 $0xFFFFFFFF;
	p2 =	slt.u32 s8, $0xFFFFF086  }
0x1c: {  	p1 =	slt.u32 s9, $0xF7A;
	s5 =	simm.s32 @!p2 $0x0  }
0x1d: {  	s5 =	simm.s32 @p1 $0x1;
	p0 =	seq.s32 s7, s2  }
0x1e: {  	s7 =	smul.u32 @!p0 $0xF7A, s2;
	p2 =	seq.s32 @!p0 s5, $0x0  }
0x1f: {  	s9 =	smul.u32 $0xF7A, s1;
	s8 =	simm.s32 @!p0 $0x1BF5;
	p2 =	por !p2, p0  }
0x20: {  	[sflag:s8] =	ssyncset.s32 @!p0 $0xFFFFF086;
	s6 =	sadd.s32 @!p0 s3, s7;
	s7 =	simm.s32 @!p0 $0x108  }
0x21: {  	s3 =	sadd.s32 s3, s9;
	s6 =	sadd.s32 @!p0 $0x88, s6;
	s7 =	simm.s32 @p2 $0x1082  }
0x22: {  	[simem:s7], [sflag:s8] =	dma.local @!p0 [hbm:s6], $0xF7A  }
0x23: {  	s9 =	sor.u32 $0xD0000000, s2;
	s6 =	simm.s32 $0x108;
	_ =	swait.ge @!p0 [sflag:s8], $0x0  }
0x24: {  	s3 =	sadd.s32 $0x88, s3;
	s6 =	simm.s32 @!p1 $0x1082;
	[sflag:s4] =	ssyncset.s32 $0xFFFFF086  }
0x25: {  	[simem:s6], [sflag:s4] =	dma.local [hbm:s3], $0xF7A  }
0x26: {  	[smem:$0x3F81] =	sst s1;
	(tag) =	ssettag s2;
	_ =	strace s9  }
0x27: {  	s1 =	sld [smem:$0x3F91]  }
0x28: {  	s2 =	sld [smem:$0x3F92]  }
0x29: {  	s4 =	sld [smem:$0x3F94]  }
0x2a: {  	p0 =	seq.s32 s5, $0x0;
	s5 =	sld [smem:$0x3F95]  }
0x2b: {  	s6 =	sld [smem:$0x3F96]  }
0x2c: {  	s7 =	sld [smem:$0x3F97]  }
0x2d: {  	s3 =	simm.s32 $0x108;
	s8 =	sld [smem:$0x3F98]  }
0x2e: {  	s3 =	simm.s32 @!p0 $0x1082;
	s9 =	sld [smem:$0x3F99]  }
0x2f: {  	lr =	sadd.s32 s0, s3;
	s0 =	sld [smem:$0x3F90]  }
0x30: {  	s3 =	sld [smem:$0x3F93]  }
0x31: {  	[smem:$0x3F9C] =	sst s10  }
0x32: {  	s10 =	sld [smem:$0x3F9A];
	_ =	sdelay $0x3  }
0x33: {  	p0 =	seq.s32 s10, $0x1;
	s10 =	sld [smem:$0x3F9C];
	_ =	sdelay $0x3  }
0x34: {  	[smem:$0x3F9C] =	sst s10  }
0x35: {  	s10 =	sld [smem:$0x3F9B];
	_ =	sdelay $0x3  }
0x36: {  	p1 =	seq.s32 s10, $0x1;
	s10 =	sld [smem:$0x3F9C];
	_ =	sdelay $0x3  }
0x37: {  	[smem:$0x3F9C] =	sst s10  }
0x38: {  	s10 =	sld [smem:$0x3F9D]  }
0x39: {  	_ = 	snop;
	(pc) =	sbr.ind lr, $3  }
0x3a: {  	_ = 	snop  }
0x3b: {  	_ = 	snop  }
0x3c: {  	p2 =	seq.s32 s10, $0x1;
	s10 =	sld [smem:$0x3F9C]  }
0x3d: {  	_ =	shalt  }
0x3e: {  	_ =	shalt  }
0x3f: {  	_ =	shalt  }
0x40: {  	_ =	shalt  }
0x41: {  	_ =	shalt  }
0x42: {  	_ =	shalt  }
0x43: {  	_ =	shalt  }
0x44: {  	_ =	shalt  }
0x45: {  	_ =	shalt  }
0x46: {  	_ =	shalt  }
0x47: {  	_ =	shalt  }
0x48: {  	_ =	shalt  }
0x49: {  	_ =	shalt  }
0x4a: {  	_ =	shalt  }
0x4b: {  	_ =	shalt  }
0x4c: {  	_ =	shalt  }
0x4d: {  	_ =	shalt  }
0x4e: {  	_ =	shalt  }
0x4f: {  	_ =	shalt  }
0x50: {  	_ =	shalt  }
0x51: {  	_ =	shalt  }
0x52: {  	_ =	shalt  }
0x53: {  	_ =	shalt  }
0x54: {  	_ =	shalt  }
0x55: {  	_ =	shalt  }
0x56: {  	_ =	shalt  }
0x57: {  	_ =	shalt  }
0x58: {  	_ =	shalt  }
0x59: {  	_ =	shalt  }
0x5a: {  	_ =	shalt  }
0x5b: {  	_ =	shalt  }
0x5c: {  	_ =	shalt  }
0x5d: {  	_ =	shalt  }
0x5e: {  	_ =	shalt  }
0x5f: {  	_ =	shalt  }
0x60: {  	_ =	shalt  }
0x61: {  	_ =	shalt  }
0x62: {  	_ =	shalt  }
0x63: {  	_ =	shalt  }
0x64: {  	_ =	shalt  }
0x65: {  	_ =	shalt  }
0x66: {  	_ =	shalt  }
0x67: {  	_ =	shalt  }
0x68: {  	_ =	shalt  }
0x69: {  	_ =	shalt  }
0x6a: {  	_ =	shalt  }
0x6b: {  	_ =	shalt  }
0x6c: {  	_ =	shalt  }
0x6d: {  	_ =	shalt  }
0x6e: {  	_ =	shalt  }
0x6f: {  	_ =	shalt  }
0x70: {  	_ =	shalt  }
0x71: {  	_ =	shalt  }
0x72: {  	_ =	shalt  }
0x73: {  	_ =	shalt  }
0x74: {  	_ =	shalt  }
0x75: {  	_ =	shalt  }
0x76: {  	_ =	shalt  }
0x77: {  	_ =	shalt  }
0x78: {  	_ =	shalt  }
0x79: {  	_ =	shalt  }
0x7a: {  	_ =	shalt  }
0x7b: {  	_ =	shalt  }
0x7c: {  	_ =	shalt  }
0x7d: {  	_ =	shalt  }
0x7e: {  	_ =	shalt  }
0x7f: {  	_ =	shalt  }
0x80: {  	_ =	shalt  }
0x81: {  	_ =	shalt  }
0x82: {  	_ =	shalt  }
0x83: {  	_ =	shalt  }
0x84: {  	_ =	shalt  }
0x85: {  	_ =	shalt  }
0x86: {  	_ =	shalt  }
0x87: {  	_ =	shalt  }
.Lfunc_end0:
.L_simem_size_0:
called_computation_lowered:
.L_overlay_start_0:
0x88: {  	s2 =	sld [smem:$0x3FD9]  }
0x89: {  	s3 =	sld [smem:$0x3FFE];
	_ =	sdelay $0x1  }
0x8a: {  	s1 =	srdreg.scid  }
0x8b: {  	s0 =	sand.u32 $0x1, s1  }
0x8c: {  	s17 =	sshll.u32 s0, $0xA;
	s2 =	sadd.s32 s3, s2  }
0x8d: {  	s2 =	sadd.s32 s2, s17  }
0x8e: {  	[smem:$0x3FA8] =	sst s2  }
0x8f: {  	_ = 	snop  }
0x90: {  	s2 =	sld [smem:$0x3FD0];
	(tm) =	ssettm $0x1  }
0x91: {  	s18 =	sld [smem:$0x3FFB];
	_ =	sdelay $0x3  }
0x92: {  	_ =	strace s18  }
0x93: {  	s3 =	sld [smem:$0x3FFC];
	_ =	sdelay $0x3  }
0x94: {  	_ =	strace s3  }
0x95: {  	s3 =	sld [smem:$0x3FFD];
	_ =	sdelay $0x3  }
0x96: {  	_ =	strace s3  }
0x97: {  	_ =	strace $0x8FFFFFFF  }
0x98: {  	s19 =	sld [smem:$0x3FDB];
	_ =	sdelay $0x1  }
0x99: {  	s4 =	simm.s32 $_scs_section_size  }
0x9a: {  	s5 =	simm.s32 $_size__tile_overlayer_lowered;
	s6 =	simm.s32 $_tile_overlayer_lowered  }
0x9b: {  	s22 =	simm.s32 $0x1BFF;
	s21 =	sshll.u32 s6, $0x1;
	s3 =	sadd.s32 s4, s19  }
0x9c: {  	s7 =	simm.s32 $0x0;
	s20 =	sshll.u32 s5, $0x1;
	s5 =	sadd.s32 s21, s3  }
0x9d: {  	[timem:s7], [sflag:s22] =	dma.local [hbm:s5], s20  }
0x9e: {  	_ =	swait.ge [sflag:s22], s20  }
0x9f: {  	s4 =	ssub.s32 $0x0, s20;
	[sflag:s22] =	ssyncset.done $0x0  }
0xa0: {  	[sflag:s22] =	ssyncadd.s32 s4;
	_ =	sdelay $0x1  }
0xa1: {  	s23 =	simm.s32 $0x1B8B  }
0xa2: {  	_ =	swait.ge [sflag:s23], $0x1  }
0xa3: {  	[sflag:s23] =	ssyncset.done $0x0  }
0xa4: {  	s25 =	simm.s32 $0x1B8E;
	s24 =	sld [smem:$0x3FFE];
	[sflag:s23] =	ssyncadd.s32 $0xFFFFFFFF  }
0xa5: {  	s26 =	simm.s32 $execute0_lowered;
	[smem:$0x3FD2] =	sst s25  }
0xa6: {  	s5 =	sshll.u32 s26, $0x1;
	_ =	strace $0x80000046;
	[dreg:$0x1] =	wrdreg $0xFFFFFFFF  }
0xa7: {  	s28 =	simm.s32 $_size_execute0_lowered;
	s3 =	sadd.s32 s3, s5;
	[dreg:$0x0] =	wrdreg $0x0  }
0xa8: {  	s5 =	sshll.u32 s28, $0x1;
	[dreg:$0x2] =	wrdreg s3  }
0xa9: {  	[dreg:$0x3] =	wrdreg s5  }
0xaa: {  	[dreg:$0x4] =	wrdreg $0xC0  }
0xab: {  	_ =	task [dreg:s7], $0x5FFFF  }
0xac: {  	[dreg:$0x1] =	wrdreg $0xFFFFFFFF  }
0xad: {  	[dreg:$0x0] =	wrdreg $0x60  }
0xae: {  	[dreg:$0x2] =	wrdreg s2  }
0xaf: {  	[dreg:$0x3] =	wrdreg s24  }
0xb0: {  	[dreg:$0x4] =	wrdreg $0xA8000  }
0xb1: {  	[dreg:$0x5] =	wrdreg $0x9  }
0xb2: {  	_ =	task.clear_ibuf [dreg:s7], $0x6FFFF;
	_ =	strace $0x90000046  }
0xb3: {  	s29 =	simm.s32 $0x9;
	_ =	strace $0x80000048  }
0xb4: {  	_ =	swait.ge [sflag:s29], $0x1  }
0xb5: {  	[sflag:s29] =	ssyncadd.s32 $0xFFFFFFFF  }
0xb6: {  	_ =	strace $0x90000048  }
0xb7: {  	_ =	sfence  }
0xb8: {  	s30 =	sld [smem:$0x0];
	_ =	sdelay $0x2  }
0xb9: {  	s31 =	sshll.u32 s1, $0xD;
	s1 =	sshrl.u32 s1, $0x2  }
0xba: {  	s3 =	sand.u32 $0x4000, s31;
	s1 =	sadd.s32 s1, s30  }
0xbb: {  	s0 =	sor.u32 s3, s0;
	s1 =	sshll.u32 s1, $0x11  }
0xbc: {  	s0 =	sor.u32 s1, s0  }
0xbd: {  	s0 =	sadd.s32 $0x8F2B, s0  }
0xbe: {  	[sflag:s0] =	ssyncadd.remote.s32 $0x1  }
0xbf: {  	_ =	sfence.sel $0xFFFF  }
0xc0: {  	[dreg:$0x0] =	wrdreg $0xFFFFFFFF;
	(pc) =	sbr.abs _section_cstart, $3  }
0xc1: {  	[dreg:$0x1] =	wrdreg $0xFFFFFFFF  }
0xc2: {  	_ =	task.clear_ibuf [dreg:s7], $0x2FFFF;
	_ =	strace $0x9FFFFFFF  }
0xc3: {  	(tm) =	ssettm $0x7FFFFFFF  }
tec
execute0_lowered:
.L_overlay_start_1:
0x0: {  	(tag) =	ssettag $0x1  }
0x1: {  	s4 =	rddreg [dreg:$0x0]  }
0x2: {  	s5 =	rddreg [dreg:$0x1]  }
0x3: {  	s1 =	rddreg [dreg:$0x2]  }
0x4: {  	s0 =	rddreg [dreg:$0x3]  }
0x5: {  	s3 =	simm.s32 $0x0;
	s2 =	srdreg.scid;
	s16 =	simm.s32 $0x5400  }
0x6: {  	s17 =	simm.s32 $0x28;
	[smem:$0x7FF] =	sst s3;
	s6 =	sand.u32 $0x1, s2  }
0x7: {  	s18 =	simm.s32 $0x4000;
	s2 =	stileid.u32;
	s9 =	smul.u32 $0x140000, s6  }
0x8: {  	s12 =	sadd.s32 $0x5A00, s5;
	_ =	strace $0x80000047;
	s8 =	smul.u32 $0xA000, s2  }
0x9: {  	s26 =	ssub.s32 $0x2, s6;
	s6 =	sshll.u32 s6, $0xF;
	s11 =	smul.u32 $0x2A000, s2  }
0xa: {  	s7 =	sshll.u32 s2, $0xB;
	s13 =	smul.u32 $0x28000, s2;
	s10 =	sshrl.u32 s26, $0x1  }
0xb: {  	s6 =	sor.u32 s7, s6;
	s28 =	sadd.s32 s9, s8;
	s10 =	ssub.s32 s26, s10  }
0xc: {  	s4 =	sadd.s32 s4, s6;
	s14 =	sadd.s32 $0x5000, s8;
	s30 =	sshrl.u32 s11, $0x2  }
0xd: {  	s13 =	sshrl.u32 s13, $0x2;
	s29 =	sshrl.u32 s28, $0x3;
	s5 =	sadd.s32 $0x10000, s4  }
0xe: {  	s8 =	smax.u32 s10, $0x1;
	s31 =	sadd.s32 s9, s14;
	s9 =	sadd.s32 s30, s1  }
0xf: {  	s11 =	sadd.s32 s13, s1;
	s13 =	sadd.s32 s14, s1;
	s6 =	sadd.s32 s12, s29  }
0x10: {  	s15 =	sshrl.u32 s31, $0x3;
	s10 =	sadd.s32 $0x5400, s9;
	s7 =	sadd.s32 $0x14000, s6  }
0x11: {  	v0 =	vimm.f32 $1.000000000e+00;
	v1 =	vimm.f32 $0.0e+00;
	s12 =	sadd.s32 s12, s15;
	s14 =	sadd.s32 $0x14A00, s6;
	s15 =	simm.s32 $0x1  }
.LBB2_1:
0x12: {  	s19 =	simm.s32 $0x0;
	s20 =	simm.s32 $0x200  }
.LBB2_2:
0x13: {  	p0 =	sne.s32 s20, $0x4E00;
	[tilespmem:s19+$0x4070] =	vst v0  }
0x14: {  	[tilespmem:s19+$0x4000] =	vst v0  }
0x15: {  	[tilespmem:s19+$0x4010] =	vst v0  }
.Ltmp0:
0x16: {  	[tilespmem:s19+$0x4020] =	vst v0;
	(pc) =	sbr.rel @p0 .LBB2_2-.Ltmp0, $4  }
0x17: {  	[tilespmem:s19+$0x4030] =	vst v0  }
0x18: {  	[tilespmem:s19+$0x4040] =	vst v0  }
0x19: {  	[tilespmem:s19+$0x4050] =	vst v0  }
0x1a: {  	[tilespmem:s19+$0x4060] =	vst v0;
	s19 =	sshra.s32 s20, $0x2;
	s20 =	sadd.s32 $0x200, s20  }
0x1b: {  	[tilespmem:s19+$0x4070] =	vst v0  }
0x1c: {  	[tilespmem:s19+$0x4000] =	vst v0  }
0x1d: {  	[tilespmem:s19+$0x4010] =	vst v0  }
0x1e: {  	[tilespmem:s19+$0x4020] =	vst v0  }
0x1f: {  	[tilespmem:s19+$0x4030] =	vst v0  }
0x20: {  	[tilespmem:s19+$0x4040] =	vst v0  }
0x21: {  	[tilespmem:s19+$0x4050] =	vst v0  }
0x22: {  	[tilespmem:s19+$0x4060] =	vst v0;
	s19 =	simm.s32 $0x0;
	s20 =	simm.s32 $0x200  }
.LBB2_4:
0x23: {  	p0 =	sne.s32 s20, $0x14E00;
	[tilespmem:s19+$0x5470] =	vst v1  }
0x24: {  	[tilespmem:s19+$0x5400] =	vst v1  }
0x25: {  	[tilespmem:s19+$0x5410] =	vst v1  }
.Ltmp1:
0x26: {  	[tilespmem:s19+$0x5420] =	vst v1;
	(pc) =	sbr.rel @p0 .LBB2_4-.Ltmp1, $4  }
0x27: {  	[tilespmem:s19+$0x5430] =	vst v1  }
0x28: {  	[tilespmem:s19+$0x5440] =	vst v1  }
0x29: {  	[tilespmem:s19+$0x5450] =	vst v1  }
0x2a: {  	[tilespmem:s19+$0x5460] =	vst v1;
	s19 =	sshra.s32 s20, $0x2;
	s20 =	sadd.s32 $0x200, s20  }
0x2b: {  	[tilespmem:s19+$0x5470] =	vst v1  }
0x2c: {  	[tilespmem:s19+$0x5400] =	vst v1  }
0x2d: {  	[tilespmem:s19+$0x5410] =	vst v1  }
0x2e: {  	[tilespmem:s19+$0x5420] =	vst v1  }
0x2f: {  	[tilespmem:s19+$0x5430] =	vst v1  }
0x30: {  	[tilespmem:s19+$0x5440] =	vst v1  }
0x31: {  	[tilespmem:s19+$0x5450] =	vst v1  }
0x32: {  	[tilespmem:s19+$0x5460] =	vst v1;
	s30 =	simm.s32 $0x0  }
0x33: {  	[tilespmem:s30], [sflag:$0x1] =	stream.linear.gather [hbm4b:s4+s30], $0x3E80, $0x38;
	[tilespmem:$0x15000] =	vst v63  }
0x34: {  	_ =	swait.ge [sflag:s15], $0x3E80  }
0x35: {  	[sflag:s15] =	ssyncset.done $0x0  }
0x36: {  	[sflag:s15] =	ssyncadd.s32 $0xFFFFC180  }
0x37: {  	[spmem:s9] =	stream.linear.scatter [tilespmem:s16], [sflag:$0x1], $0x5400, $0x38;
	[tilespmem:$0x15000] =	vst v63  }
0x38: {  	_ =	swait.ge [sflag:s15], $0x5400  }
0x39: {  	[sflag:s15] =	ssyncset.done $0x0  }
0x3a: {  	[sflag:s15] =	ssyncadd.s32 $0xFFFFAC00  }
0x3b: {  	[spmem:s10] =	stream.linear.scatter [tilespmem:s16], [sflag:$0x1], $0x5400, $0x38;
	[tilespmem:$0x15000] =	vst v63  }
0x3c: {  	_ =	swait.ge [sflag:s15], $0x5400  }
0x3d: {  	[sflag:s15] =	ssyncset.done $0x0  }
0x3e: {  	[sflag:s15] =	ssyncadd.s32 $0xFFFFAC00  }
0x3f: {  	s31 =	simm.s32 $0x0;
	[bflag:$0x0] =	sbarrier.arrive $0xFFFF  }
0x40: {  	[spmem:s1] =	stream.indirect.scatter.add.f32 [tilespmem:s18], [sflag:$0x1], $0x80, s31, s17, $0xb8;
	[tilespmem:$0x15000] =	vst v63  }
0x41: {  	_ =	swait.ge [sflag:s15], $0x1400  }
0x42: {  	s19 =	simm.s32 $0x200;
	[sflag:s15] =	ssyncset.done $0x0  }
.LBB2_6:
0x43: {  	s20 =	sshra.s32 s19, $0x2;
	[sflag:s15] =	ssyncadd.s32 $0xFFFFEC00;
	p0 =	sne.s32 s19, $0xF800  }
0x44: {  	[spmem:s1] =	stream.indirect.scatter.add.f32 [tilespmem:s18], [sflag:$0x1], $0x80, s20, s17, $0xb8;
	[tilespmem:$0x15000] =	vst v63  }
.Ltmp2:
0x45: {  	_ = 	snop;
	(pc) =	sbr.rel @p0 .LBB2_6-.Ltmp2, $4  }
0x46: {  	_ = 	snop  }
0x47: {  	s19 =	sadd.s32 $0x200, s19  }
0x48: {  	_ =	swait.ge [sflag:s15], $0x1400  }
0x49: {  	[sflag:s15] =	ssyncset.done $0x0  }
0x4a: {  	[sflag:s15] =	ssyncadd.s32 $0xFFFFEC00;
	s19 =	sshll.u32 s2, $0x6  }
0x4b: {  	s20 =	sshrl.u32 s11, $0x3;
	[bflag:$0x0] =	sbarrier.arrive $0xFFFF;
	s19 =	sor.u32 $0x1C01, s19  }
0x4c: {  	[hbm:s6], [sflag:s19] =	dma.local [spmem:s20], $0xA00  }
0x4d: {  	_ =	swait.ge [sflag:s15], $0xA00  }
0x4e: {  	[sflag:s15] =	ssyncset.done $0x0  }
0x4f: {  	s21 =	sshrl.u32 s13, $0x3;
	[sflag:s15] =	ssyncadd.s32 $0xFFFFF600  }
0x50: {  	[hbm:s12], [sflag:s19] =	dma.local [spmem:s21], $0xA00  }
0x51: {  	_ =	swait.ge [sflag:s15], $0xA00  }
0x52: {  	[sflag:s15] =	ssyncset.done $0x0  }
0x53: {  	[sflag:s15] =	ssyncadd.s32 $0xFFFFF600  }
0x54: {  	s22 =	simm.s32 $0x0;
	[bflag:$0x0] =	sbarrier.arrive $0xFFFF  }
0x55: {  	[tilespmem:s22], [sflag:$0x1] =	stream.linear.gather [hbm4b:s5+s22], $0x3E80, $0x38;
	[tilespmem:$0x15000] =	vst v63  }
0x56: {  	_ =	swait.ge [sflag:s15], $0x3E80  }
0x57: {  	[sflag:s15] =	ssyncset.done $0x0  }
0x58: {  	[sflag:s15] =	ssyncadd.s32 $0xFFFFC180  }
0x59: {  	[spmem:s9] =	stream.linear.scatter [tilespmem:s16], [sflag:$0x1], $0x5400, $0x38;
	[tilespmem:$0x15000] =	vst v63  }
0x5a: {  	_ =	swait.ge [sflag:s15], $0x5400  }
0x5b: {  	[sflag:s15] =	ssyncset.done $0x0  }
0x5c: {  	[sflag:s15] =	ssyncadd.s32 $0xFFFFAC00  }
0x5d: {  	[spmem:s10] =	stream.linear.scatter [tilespmem:s16], [sflag:$0x1], $0x5400, $0x38;
	[tilespmem:$0x15000] =	vst v63  }
0x5e: {  	_ =	swait.ge [sflag:s15], $0x5400  }
0x5f: {  	[sflag:s15] =	ssyncset.done $0x0  }
0x60: {  	[sflag:s15] =	ssyncadd.s32 $0xFFFFAC00  }
0x61: {  	s31 =	simm.s32 $0x0;
	[bflag:$0x0] =	sbarrier.arrive $0xFFFF  }
0x62: {  	[spmem:s1] =	stream.indirect.scatter.add.f32 [tilespmem:s18], [sflag:$0x1], $0x80, s31, s17, $0xb8;
	[tilespmem:$0x15000] =	vst v63  }
0x63: {  	_ =	swait.ge [sflag:s15], $0x1400  }
0x64: {  	s22 =	simm.s32 $0x200;
	[sflag:s15] =	ssyncset.done $0x0  }
.LBB2_8:
0x65: {  	s23 =	sshra.s32 s22, $0x2;
	[sflag:s15] =	ssyncadd.s32 $0xFFFFEC00;
	p0 =	sne.s32 s22, $0xF800  }
0x66: {  	[spmem:s1] =	stream.indirect.scatter.add.f32 [tilespmem:s18], [sflag:$0x1], $0x80, s23, s17, $0xb8;
	[tilespmem:$0x15000] =	vst v63  }
.Ltmp3:
0x67: {  	_ = 	snop;
	(pc) =	sbr.rel @p0 .LBB2_8-.Ltmp3, $4  }
0x68: {  	_ = 	snop  }
0x69: {  	s22 =	sadd.s32 $0x200, s22  }
0x6a: {  	_ =	swait.ge [sflag:s15], $0x1400  }
0x6b: {  	[sflag:s15] =	ssyncset.done $0x0  }
0x6c: {  	[sflag:s15] =	ssyncadd.s32 $0xFFFFEC00  }
0x6d: {  	[bflag:$0x0] =	sbarrier.arrive $0xFFFF  }
0x6e: {  	[hbm:s7], [sflag:s19] =	dma.local [spmem:s20], $0xA00  }
0x6f: {  	_ =	swait.ge [sflag:s15], $0xA00  }
0x70: {  	s3 =	sadd.s32 $0x1, s3;
	[sflag:s15] =	ssyncset.done $0x0  }
0x71: {  	p0 =	sne.s32 s3, s8;
	[sflag:s15] =	ssyncadd.s32 $0xFFFFF600  }
0x72: {  	[hbm:s14], [sflag:s19] =	dma.local [spmem:s21], $0xA00  }
.Ltmp4:
0x73: {  	_ =	swait.ge [sflag:s15], $0xA00;
	(pc) =	sbr.rel @p0 .LBB2_1-.Ltmp4, $3  }
0x74: {  	[sflag:s15] =	ssyncset.done $0x0  }
0x75: {  	[sflag:s15] =	ssyncadd.s32 $0xFFFFF600  }
0x76: {  	[bflag:$0x0] =	sbarrier.arrive $0xFFFF;
	_ =	sdelay $0x1  }
0x77: {  	_ =	sfence.sel $0x180000  }
0x78: {  	[bflag:$0x0] =	sbarrier.arrive $0xFFFF  }
0x79: {  	p0 =	sne.s32 s2, $0x0;
	_ =	strace $0x90000047  }
0x7a: {  	s0 =	sadd.s32 @!p0 $0x100000, s0;
	[bflag:$0x2] =	sbarrier.arrive $0xFFFF  }
0x7b: {  	[sflag:s0] =	ssyncadd.tile.s32 @!p0 $0x1;
	_ =	shalt  }
.Lfunc_end2:
_tile_overlayer_lowered:
.L_overlay_start_2:
0x7c: {  	(tag) =	ssettag $0x2  }
0x7d: {  	s0 =	rddreg [dreg:$0x0];
	s2 =	stileid.u32  }
0x7e: {  	s1 =	rddreg [dreg:$0x1];
	p0 =	sne.s32 s2, $0x0  }
0x7f: {  	s3 =	rddreg [dreg:$0x2];
	[bflag:$0x3] =	sbarrier.arrive $0xFFFF;
	s2 =	simm.s32 @!p0 $0x1C01  }
0x80: {  	[timem:s3], [sflag:s2] =	dma.local @!p0 [hbm:s0], s1  }
0x81: {  	s0 =	simm.s32 @!p0 $0x1  }
0x82: {  	_ =	swait.ge @!p0 [sflag:s0], s1  }
0x83: {  	s1 =	ssub.s32 @!p0 $0x0, s1;
	[sflag:s0] =	ssyncset.done @!p0 $0x0  }
0x84: {  	[sflag:s0] =	ssyncadd.s32 @!p0 s1  }
0x85: {  	[bflag:$0x3] =	sbarrier.arrive $0xFFFF  }
0x86: {  	_ =	shalt  }

</sc_bundles>
